<compile_context>
chip_gen: v7x
topology: tpu7x:2x2x1
jax: 0.10.2.dev20260603
libtpu: 0.0.44.dev20260713+nightly
codegen_flags: <defaults>
</compile_context>

<pallas_src>
import functools

import jax
import jax.numpy as jnp
from jax import lax
from jax.experimental import pallas as pl
from jax.experimental.pallas import tpu as pltpu
from jax.experimental.pallas import tpu_sc as plsc

N = 10000
E = 320000
D = 128
NC = 2
NS = 16
NW = NC * NS
CH = 80
EPW = E // NW
ROWS_PW = EPW // CH
SRC_SHIFT = 14
NPT = N // NS


def _sc_agg_body(x_hbm, pk_hbm, acc_hbm, pk_v, src_b, dst_b,
                 rows_a, rows_b, rows_c, sem_a, sem_b, sem_c, acc_sh):
    c = lax.axis_index("c")
    s = lax.axis_index("s")
    g = c * NS + s

    z16 = jnp.zeros((16,), jnp.float32)

    @pl.loop(0, CH)
    def _(r):
        for k in range(D // 16):
            rows_a[r, pl.ds(k * 16, 16)] = z16

    for r in range(NPT // CH):
        pltpu.sync_copy(rows_a, acc_sh.at[pl.ds(s * NPT + r * CH, CH)])
    rem = NPT % CH
    pltpu.sync_copy(rows_a.at[pl.ds(0, rem)],
                    acc_sh.at[pl.ds(s * NPT + NPT - rem, rem)])
    plsc.subcore_barrier()

    pltpu.sync_copy(pk_hbm.at[pl.ds(g * EPW, EPW)], pk_v)

    def unpack(j, r):
        for k in range(CH // 16):
            p = pk_v[pl.ds(j * CH + k * 16, 16)]
            d = p & ((1 << SRC_SHIFT) - 1)
            src_b[r, pl.ds(k * 16, 16)] = p >> SRC_SHIFT
            dst_b[r, pl.ds(k * 16, 16)] = d

    bufs = (rows_a, rows_b, rows_c)
    sems = (sem_a, sem_b, sem_c)

    def gather(r):
        pltpu.async_copy(x_hbm.at[src_b.at[r]], bufs[r], sems[r])

    def wait_gather(r):
        pltpu.make_async_copy(x_hbm.at[src_b.at[r]], bufs[r], sems[r]).wait()

    def scatter(r):
        pltpu.sync_copy(bufs[r], acc_sh.at[dst_b.at[r]], add=True)

    unpack(0, 0)
    gather(0)
    unpack(1, 1)
    gather(1)

    def step(j, r):
        unpack(j + 2, (r + 2) % 3)
        wait_gather(r)
        gather((r + 2) % 3)
        scatter(r)

    @pl.loop(0, (ROWS_PW - 2) // 3)
    def _(t):
        j = 3 * t
        step(j, 0)
        step(j + 1, 1)
        step(j + 2, 2)

    wait_gather(0)
    scatter(0)
    wait_gather(1)
    scatter(1)

    plsc.subcore_barrier()
    a8 = pl.multiple_of((s * NPT + 7) // 8 * 8, 8)
    b8 = ((s + 1) * NPT + 7) // 8 * 8
    pltpu.sync_copy(acc_sh.at[pl.ds(a8, 624)], acc_hbm.at[c, pl.ds(a8, 624)])

    @pl.when(b8 - a8 > 624)
    def _():
        t8 = pl.multiple_of(a8 + 624, 8)
        pltpu.sync_copy(acc_sh.at[pl.ds(t8, 8)], acc_hbm.at[c, pl.ds(t8, 8)])


def _sc_deg_body(src_hbm, dst_hbm, deg_hbm, pk_hbm, src_v, dst_v, pk_v,
                 deg_v):
    c = lax.axis_index("c")
    s = lax.axis_index("s")
    g = c * NS + s

    z16 = jnp.zeros((16,), jnp.float32)

    @pl.loop(0, N, step=16)
    def _(i):
        deg_v[pl.ds(i, 16)] = z16

    pltpu.sync_copy(src_hbm.at[pl.ds(g * EPW, EPW)], src_v)
    pltpu.sync_copy(dst_hbm.at[pl.ds(g * EPW, EPW)], dst_v)

    ones16 = jnp.full((16,), 1.0, jnp.float32)

    @pl.loop(0, EPW, step=16)
    def _(j):
        d = dst_v[pl.ds(j, 16)]
        plsc.addupdate_scatter(deg_v, [d], ones16)
        pk_v[pl.ds(j, 16)] = (src_v[pl.ds(j, 16)] << SRC_SHIFT) | d

    pltpu.sync_copy(deg_v, deg_hbm.at[pl.ds(g * N, N)])
    pltpu.sync_copy(pk_v, pk_hbm.at[pl.ds(g * EPW, EPW)])


@functools.cache
def _sc_kernels():
    mesh = plsc.VectorSubcoreMesh(
        core_axis_name="c", subcore_axis_name="s",
        num_cores=NC, num_subcores=NS)
    params = pltpu.CompilerParams(needs_layout_passes=False)
    common = [
        pltpu.VMEM((EPW,), jnp.int32),
        pltpu.VMEM((8, CH), jnp.int32),
        pltpu.VMEM((8, CH), jnp.int32),
        pltpu.VMEM((CH, D), jnp.float32),
        pltpu.VMEM((CH, D), jnp.float32),
        pltpu.VMEM((CH, D), jnp.float32),
    ]
    tail = [
        pltpu.SemaphoreType.DMA,
        pltpu.SemaphoreType.DMA,
        pltpu.SemaphoreType.DMA,
        pltpu.VMEM_SHARED((N, D), jnp.float32),
    ]
    deg = pl.kernel(
        _sc_deg_body,
        compiler_params=params,
        out_type=(jax.ShapeDtypeStruct((NW * N,), jnp.float32),
                  jax.ShapeDtypeStruct((E,), jnp.int32)),
        mesh=mesh,
        scratch_types=[
            pltpu.VMEM((EPW,), jnp.int32),
            pltpu.VMEM((EPW,), jnp.int32),
            pltpu.VMEM((EPW,), jnp.int32),
            pltpu.VMEM((N,), jnp.float32),
        ],
    )
    agg = pl.kernel(
        _sc_agg_body,
        compiler_params=params,
        out_type=jax.ShapeDtypeStruct((NC, N, D), jnp.float32),
        mesh=mesh,
        scratch_types=common + tail,
    )
    return agg, deg


BM = 400
_GRID = N // BM


def _tc_layer_body(relu_out, acc_ref, deg_ref, x_ref, wl_ref, bl_ref, wr_ref,
                   *outs):
    deg = jnp.sum(deg_ref[...], axis=1, keepdims=True)
    invd = 1.0 / jnp.maximum(deg, 1.0)
    mean = (acc_ref[0] + acc_ref[1]) * invd
    h1 = (lax.dot_general(mean, wl_ref[...], (((1,), (1,)), ((), ())),
                          preferred_element_type=jnp.float32)
          + bl_ref[...]
          + lax.dot_general(x_ref[...], wr_ref[...], (((1,), (1,)), ((), ())),
                            preferred_element_type=jnp.float32))
    outs[0][...] = h1
    if relu_out:
        outs[1][...] = jnp.maximum(h1, 0.0)


def _make_tc(relu_out):
    n_out = 2 if relu_out else 1
    return pl.pallas_call(
        functools.partial(_tc_layer_body, relu_out),
        grid=(_GRID,),
        in_specs=[
            pl.BlockSpec((NC, BM, D), lambda i: (0, i, 0)),
            pl.BlockSpec((BM, NW), lambda i: (i, 0)),
            pl.BlockSpec((BM, D), lambda i: (i, 0)),
            pl.BlockSpec((D, D), lambda i: (0, 0)),
            pl.BlockSpec((1, D), lambda i: (0, 0)),
            pl.BlockSpec((D, D), lambda i: (0, 0)),
        ],
        out_specs=[pl.BlockSpec((BM, D), lambda i: (i, 0))] * n_out,
        out_shape=[jax.ShapeDtypeStruct((N, D), jnp.float32)] * n_out,
    )


_tc_layer_relu = _make_tc(True)
_tc_layer_last = _make_tc(False)


def kernel(x, edge_index, W_l0, b_l0, W_r0, W_l1, b_l1, W_r1):
    sc_agg, sc_deg = _sc_kernels()
    srcf = edge_index[0].astype(jnp.int32)
    dstf = edge_index[1].astype(jnp.int32)
    degp, pk = sc_deg(srcf, dstf)
    deg = degp.reshape(NW, N).T
    acc0 = sc_agg(x, pk)
    h1, h = _tc_layer_relu(acc0, deg, x, W_l0, b_l0.reshape(1, D), W_r0)
    acc1 = sc_agg(h, pk)
    (h2,) = _tc_layer_last(acc1, deg, h, W_l1, b_l1.reshape(1, D), W_r1)
    return (h1, h2)

# --- scband reference (transcript-rebuilt; emitter-appended) ---
"""Pipeline reference for scband-sage-63161789055510 (READ-ONLY COPY).

The authoritative reference and input builder live on the scoring server;
editing this copy changes nothing except your own understanding.
"""

import jax, jax.numpy as jnp
import numpy as np

N = 10000
E = 320000
D = 128


def _sage_conv(x, edge_index, Wl, bl, Wr):
    # PyG SAGEConv (aggr='mean', root_weight=True):
    # out = lin_l(mean_{j in N(i)} x_j) + lin_r(x_i)
    src = edge_index[0]
    dst = edge_index[1]
    msgs = x[src]
    agg = jax.ops.segment_sum(msgs, dst, num_segments=x.shape[0])
    ones = jnp.ones((edge_index.shape[1],), dtype=x.dtype)
    deg = jax.ops.segment_sum(ones, dst, num_segments=x.shape[0])
    mean = agg / jnp.clip(deg, 1.0, None)[:, None]
    return mean @ Wl.T + bl + x @ Wr.T


def setup_inputs(seed: int = 0) -> dict:
    key = jax.random.key(seed)
    ks = jax.random.split(key, 8)
    x = jax.random.normal(ks[0], (N, D), dtype=jnp.float32)
    edge_index = jax.random.randint(ks[1], (2, E), 0, N)
    s = 1.0 / np.sqrt(D)
    W_l0 = jax.random.uniform(ks[2], (D, D), minval=-s, maxval=s, dtype=jnp.float32)
    b_l0 = jnp.zeros((D,), dtype=jnp.float32)
    W_r0 = jax.random.uniform(ks[3], (D, D), minval=-s, maxval=s, dtype=jnp.float32)
    W_l1 = jax.random.uniform(ks[4], (D, D), minval=-s, maxval=s, dtype=jnp.float32)
    b_l1 = jnp.zeros((D,), dtype=jnp.float32)
    W_r1 = jax.random.uniform(ks[5], (D, D), minval=-s, maxval=s, dtype=jnp.float32)
    return {"x": x, "edge_index": edge_index, "W_l0": W_l0, "b_l0": b_l0, "W_r0": W_r0, "W_l1": W_l1, "b_l1": b_l1, "W_r1": W_r1}


def reference(x, edge_index, W_l0, b_l0, W_r0, W_l1, b_l1, W_r1):
    # layer 0
    h1 = _sage_conv(x, edge_index, W_l0, b_l0, W_r0)
    # norm_type='none'; activation=relu; dropout_ratio=0.0 (identity)
    h = jax.nn.relu(h1)
    # layer 1 (last layer: no activation)
    h2 = _sage_conv(h, edge_index, W_l1, b_l1, W_r1)
    # module returns (h_list[-1], h) = (pre-activation hidden of layer 0, final output)
    return (h1, h2)

if __name__ == "__main__":
    import jax
    _d = setup_inputs()
    print(jax.jit(kernel)(*tuple(_d.values())))

</pallas_src>

<mosaic_0001>
#map = affine_map<(d0, d1) -> (0)>
module attributes {stable_mosaic.version = 14 : i64} {
  func.func @_sc_deg_body(%arg0: i32, %arg1: i32, %arg2: memref<320000xi32, #tpu.memory_space<hbm>>, %arg3: memref<320000xi32, #tpu.memory_space<hbm>>, %arg4: memref<320000xf32, #tpu.memory_space<hbm>>, %arg5: memref<320000xi32, #tpu.memory_space<hbm>>, %arg6: memref<10000xi32, #tpu.memory_space<vmem>>, %arg7: memref<10000xi32, #tpu.memory_space<vmem>>, %arg8: memref<10000xi32, #tpu.memory_space<vmem>>, %arg9: memref<10000xf32, #tpu.memory_space<vmem>>) attributes {dimension_semantics = [#tpu.dimension_semantics<core_parallel>, #tpu.dimension_semantics<subcore_parallel>], iteration_bounds = array<i64: 2, 16>, scalar_prefetch = 0 : i64, scratch_operands = 4 : i64, tpu.core_type = #tpu.core_type<sc_vector_subcore>, window_params = [{transform_indices = #map}, {transform_indices = #map}, {transform_indices = #map}, {transform_indices = #map}]} {
    %mul3A = arith.constant 16 : i32
    %mul3A_0 = arith.muli %arg0, %mul3A : i32
    %add3A = arith.addi %mul3A_0, %arg1 : i32
    %broadcast_in_dim3A = arith.constant 0.000000e+00 : f32
    %broadcast_in_dim3A_1 = vector.broadcast %broadcast_in_dim3A : f32 to vector<16xf32>
    %scan3A = arith.constant 0 : i32
    %scan3A_2 = arith.constant 625 : i32
    %scan3A_3 = arith.addi %scan3A, %scan3A_2 : i32
    %scan3A_4 = arith.constant 1 : i32
    scf.for %scan3A_21 = %scan3A to %scan3A_3 step %scan3A_4  : i32 {
      %mul3A_22 = arith.constant 16 : i32
      %mul3A_23 = arith.muli %scan3A_21, %mul3A_22 : i32
      %add3A_24 = arith.constant 0 : i32
      %add3A_25 = arith.addi %add3A_24, %mul3A_23 : i32
      %swap3A = arith.index_cast %add3A_25 : i32 to index
      %swap3A_26 = tpu.vector_load %arg9[%swap3A] {strides = array<i32>} : memref<10000xf32, #tpu.memory_space<vmem>>, vector<16xf32>,
      tpu.vector_store %arg9[%swap3A], %broadcast_in_dim3A_1 {strides = array<i32>} : memref<10000xf32, #tpu.memory_space<vmem>>, vector<16xf32>,
    }
    %scan3A_5 = arith.constant 625 : i32
    %mul3A_6 = arith.constant 10000 : i32
    %mul3A_7 = arith.muli %add3A, %mul3A_6 : i32
    "tpu.region"() ({
      %run_scoped3A = tpu.sem_alloc : memref<!tpu.dma_semaphore, #tpu.memory_space<semaphore_mem>>
      %dma_start3A = tpu.memref_slice %arg2[%mul3A_7] : memref<320000xi32, #tpu.memory_space<hbm>> -> memref<10000xi32, #tpu.memory_space<hbm>>
      %dma_start3A_21 = tpu.memref_slice %arg2[%mul3A_7] : memref<320000xi32, #tpu.memory_space<hbm>> -> memref<10000xi32, #tpu.memory_space<hbm>>
      tpu.enqueue_dma source(%dma_start3A_21 : memref<10000xi32, #tpu.memory_space<hbm>>) target(%arg6 : memref<10000xi32, #tpu.memory_space<vmem>>) target_semaphore(%run_scoped3A : memref<!tpu.dma_semaphore, #tpu.memory_space<semaphore_mem>>)
      %dma_wait3A = tpu.memref_slice %arg2[%mul3A_7] : memref<320000xi32, #tpu.memory_space<hbm>> -> memref<10000xi32, #tpu.memory_space<hbm>>
      %dma_wait3A_22 = tpu.memref_slice %arg2[%mul3A_7] : memref<320000xi32, #tpu.memory_space<hbm>> -> memref<10000xi32, #tpu.memory_space<hbm>>
      tpu.wait_dma2 semaphore(%run_scoped3A : memref<!tpu.dma_semaphore, #tpu.memory_space<semaphore_mem>>) src(%dma_wait3A_22 : memref<10000xi32, #tpu.memory_space<hbm>>) dst(%arg6 : memref<10000xi32, #tpu.memory_space<vmem>>)
      tpu.yield
    }) : () -> ()
    %mul3A_8 = arith.constant 10000 : i32
    %mul3A_9 = arith.muli %add3A, %mul3A_8 : i32
    "tpu.region"() ({
      %run_scoped3A = tpu.sem_alloc : memref<!tpu.dma_semaphore, #tpu.memory_space<semaphore_mem>>
      %dma_start3A = tpu.memref_slice %arg3[%mul3A_9] : memref<320000xi32, #tpu.memory_space<hbm>> -> memref<10000xi32, #tpu.memory_space<hbm>>
      %dma_start3A_21 = tpu.memref_slice %arg3[%mul3A_9] : memref<320000xi32, #tpu.memory_space<hbm>> -> memref<10000xi32, #tpu.memory_space<hbm>>
      tpu.enqueue_dma source(%dma_start3A_21 : memref<10000xi32, #tpu.memory_space<hbm>>) target(%arg7 : memref<10000xi32, #tpu.memory_space<vmem>>) target_semaphore(%run_scoped3A : memref<!tpu.dma_semaphore, #tpu.memory_space<semaphore_mem>>)
      %dma_wait3A = tpu.memref_slice %arg3[%mul3A_9] : memref<320000xi32, #tpu.memory_space<hbm>> -> memref<10000xi32, #tpu.memory_space<hbm>>
      %dma_wait3A_22 = tpu.memref_slice %arg3[%mul3A_9] : memref<320000xi32, #tpu.memory_space<hbm>> -> memref<10000xi32, #tpu.memory_space<hbm>>
      tpu.wait_dma2 semaphore(%run_scoped3A : memref<!tpu.dma_semaphore, #tpu.memory_space<semaphore_mem>>) src(%dma_wait3A_22 : memref<10000xi32, #tpu.memory_space<hbm>>) dst(%arg7 : memref<10000xi32, #tpu.memory_space<vmem>>)
      tpu.yield
    }) : () -> ()
    %broadcast_in_dim3A_10 = arith.constant 1.000000e+00 : f32
    %broadcast_in_dim3A_11 = vector.broadcast %broadcast_in_dim3A_10 : f32 to vector<16xf32>
    %scan3A_12 = arith.constant 0 : i32
    %scan3A_13 = arith.constant 625 : i32
    %scan3A_14 = arith.addi %scan3A_12, %scan3A_13 : i32
    %scan3A_15 = arith.constant 1 : i32
    scf.for %scan3A_21 = %scan3A_12 to %scan3A_14 step %scan3A_15  : i32 {
      %mul3A_22 = arith.constant 16 : i32
      %mul3A_23 = arith.muli %scan3A_21, %mul3A_22 : i32
      %add3A_24 = arith.constant 0 : i32
      %add3A_25 = arith.addi %add3A_24, %mul3A_23 : i32
      %get3A = arith.index_cast %add3A_25 : i32 to index
      %get3A_26 = tpu.vector_load %arg7[%get3A] {strides = array<i32>} : memref<10000xi32, #tpu.memory_space<vmem>>, vector<16xi32>,
      tpu.vector_store_idx %arg9[%get3A_26], %broadcast_in_dim3A_11 {add = true} : memref<10000xf32, #tpu.memory_space<vmem>>[vector<16xi32>], vector<16xf32>,
      %get3A_27 = arith.index_cast %add3A_25 : i32 to index
      %get3A_28 = tpu.vector_load %arg6[%get3A_27] {strides = array<i32>} : memref<10000xi32, #tpu.memory_space<vmem>>, vector<16xi32>,
      %shift_left3A = arith.constant 14 : i32
      %shift_left3A_29 = vector.broadcast %shift_left3A : i32 to vector<16xi32>
      %shift_left3A_30 = arith.shli %get3A_28, %shift_left3A_29 : vector<16xi32>
      %or3A = arith.ori %shift_left3A_30, %get3A_26 : vector<16xi32>
      %swap3A = arith.index_cast %add3A_25 : i32 to index
      %swap3A_31 = tpu.vector_load %arg8[%swap3A] {strides = array<i32>} : memref<10000xi32, #tpu.memory_space<vmem>>, vector<16xi32>,
      tpu.vector_store %arg8[%swap3A], %or3A {strides = array<i32>} : memref<10000xi32, #tpu.memory_space<vmem>>, vector<16xi32>,
    }
    %scan3A_16 = arith.constant 625 : i32
    %mul3A_17 = arith.constant 10000 : i32
    %mul3A_18 = arith.muli %add3A, %mul3A_17 : i32
    "tpu.region"() ({
      %run_scoped3A = tpu.sem_alloc : memref<!tpu.dma_semaphore, #tpu.memory_space<semaphore_mem>>
      %dma_start3A = tpu.memref_slice %arg4[%mul3A_18] : memref<320000xf32, #tpu.memory_space<hbm>> -> memref<10000xf32, #tpu.memory_space<hbm>>
      %dma_start3A_21 = tpu.memref_slice %arg4[%mul3A_18] : memref<320000xf32, #tpu.memory_space<hbm>> -> memref<10000xf32, #tpu.memory_space<hbm>>
      tpu.enqueue_dma source(%arg9 : memref<10000xf32, #tpu.memory_space<vmem>>) target(%dma_start3A_21 : memref<10000xf32, #tpu.memory_space<hbm>>) target_semaphore(%run_scoped3A : memref<!tpu.dma_semaphore, #tpu.memory_space<semaphore_mem>>)
      %dma_wait3A = tpu.memref_slice %arg4[%mul3A_18] : memref<320000xf32, #tpu.memory_space<hbm>> -> memref<10000xf32, #tpu.memory_space<hbm>>
      %dma_wait3A_22 = tpu.memref_slice %arg4[%mul3A_18] : memref<320000xf32, #tpu.memory_space<hbm>> -> memref<10000xf32, #tpu.memory_space<hbm>>
      tpu.wait_dma2 semaphore(%run_scoped3A : memref<!tpu.dma_semaphore, #tpu.memory_space<semaphore_mem>>) src(%arg9 : memref<10000xf32, #tpu.memory_space<vmem>>) dst(%dma_wait3A_22 : memref<10000xf32, #tpu.memory_space<hbm>>)
      tpu.yield
    }) : () -> ()
    %mul3A_19 = arith.constant 10000 : i32
    %mul3A_20 = arith.muli %add3A, %mul3A_19 : i32
    "tpu.region"() ({
      %run_scoped3A = tpu.sem_alloc : memref<!tpu.dma_semaphore, #tpu.memory_space<semaphore_mem>>
      %dma_start3A = tpu.memref_slice %arg5[%mul3A_20] : memref<320000xi32, #tpu.memory_space<hbm>> -> memref<10000xi32, #tpu.memory_space<hbm>>
      %dma_start3A_21 = tpu.memref_slice %arg5[%mul3A_20] : memref<320000xi32, #tpu.memory_space<hbm>> -> memref<10000xi32, #tpu.memory_space<hbm>>
      tpu.enqueue_dma source(%arg8 : memref<10000xi32, #tpu.memory_space<vmem>>) target(%dma_start3A_21 : memref<10000xi32, #tpu.memory_space<hbm>>) target_semaphore(%run_scoped3A : memref<!tpu.dma_semaphore, #tpu.memory_space<semaphore_mem>>)
      %dma_wait3A = tpu.memref_slice %arg5[%mul3A_20] : memref<320000xi32, #tpu.memory_space<hbm>> -> memref<10000xi32, #tpu.memory_space<hbm>>
      %dma_wait3A_22 = tpu.memref_slice %arg5[%mul3A_20] : memref<320000xi32, #tpu.memory_space<hbm>> -> memref<10000xi32, #tpu.memory_space<hbm>>
      tpu.wait_dma2 semaphore(%run_scoped3A : memref<!tpu.dma_semaphore, #tpu.memory_space<semaphore_mem>>) src(%arg8 : memref<10000xi32, #tpu.memory_space<vmem>>) dst(%dma_wait3A_22 : memref<10000xi32, #tpu.memory_space<hbm>>)
      tpu.yield
    }) : () -> ()
    return
  }
}

#map = affine_map<(d0, d1) -> (0, 0)>
#map1 = affine_map<(d0, d1) -> (0)>
#map2 = affine_map<(d0, d1) -> (0, 0, 0)>
module attributes {stable_mosaic.version = 14 : i64} {
  func.func @_sc_agg_body(%arg0: i32, %arg1: i32, %arg2: memref<10000x128xf32, #tpu.memory_space<hbm>>, %arg3: memref<320000xi32, #tpu.memory_space<hbm>>, %arg4: memref<2x10000x128xf32, #tpu.memory_space<hbm>>, %arg5: memref<10000xi32, #tpu.memory_space<vmem>>, %arg6: memref<8x80xi32, #tpu.memory_space<vmem>>, %arg7: memref<8x80xi32, #tpu.memory_space<vmem>>, %arg8: memref<80x128xf32, #tpu.memory_space<vmem>>, %arg9: memref<80x128xf32, #tpu.memory_space<vmem>>, %arg10: memref<80x128xf32, #tpu.memory_space<vmem>>, %arg11: memref<!tpu.dma_semaphore, #tpu.memory_space<semaphore_mem>>, %arg12: memref<!tpu.dma_semaphore, #tpu.memory_space<semaphore_mem>>, %arg13: memref<!tpu.dma_semaphore, #tpu.memory_space<semaphore_mem>>, %arg14: memref<10000x128xf32, #tpu.memory_space<vmem_shared>>) attributes {dimension_semantics = [#tpu.dimension_semantics<core_parallel>, #tpu.dimension_semantics<subcore_parallel>], iteration_bounds = array<i64: 2, 16>, scalar_prefetch = 0 : i64, scratch_operands = 10 : i64, tpu.core_type = #tpu.core_type<sc_vector_subcore>, window_params = [{transform_indices = #map}, {transform_indices = #map1}, {transform_indices = #map2}]} {
    %mul3A = arith.constant 16 : i32
    %mul3A_0 = arith.muli %arg0, %mul3A : i32
    %add3A = arith.addi %mul3A_0, %arg1 : i32
    %broadcast_in_dim3A = arith.constant 0.000000e+00 : f32
    %broadcast_in_dim3A_1 = vector.broadcast %broadcast_in_dim3A : f32 to vector<16xf32>
    %scan3A = arith.constant 0 : i32
    %scan3A_2 = arith.constant 80 : i32
    %scan3A_3 = arith.addi %scan3A, %scan3A_2 : i32
    %scan3A_4 = arith.constant 1 : i32
    scf.for %scan3A_289 = %scan3A to %scan3A_3 step %scan3A_4  : i32 {
      %mul3A_290 = arith.constant 1 : i32
      %mul3A_291 = arith.muli %scan3A_289, %mul3A_290 : i32
      %add3A_292 = arith.constant 0 : i32
      %add3A_293 = arith.addi %add3A_292, %mul3A_291 : i32
      %swap3A_294 = arith.index_cast %add3A_293 : i32 to index
      %swap3A_295 = arith.constant 0 : index
      %swap3A_296 = tpu.vector_load %arg8[%swap3A_294, %swap3A_295] {strides = array<i32>} : memref<80x128xf32, #tpu.memory_space<vmem>>, vector<16xf32>,
      tpu.vector_store %arg8[%swap3A_294, %swap3A_295], %broadcast_in_dim3A_1 {strides = array<i32>} : memref<80x128xf32, #tpu.memory_space<vmem>>, vector<16xf32>,
      %swap3A_297 = arith.index_cast %add3A_293 : i32 to index
      %swap3A_298 = arith.constant 16 : index
      %swap3A_299 = tpu.vector_load %arg8[%swap3A_297, %swap3A_298] {strides = array<i32>} : memref<80x128xf32, #tpu.memory_space<vmem>>, vector<16xf32>,
      tpu.vector_store %arg8[%swap3A_297, %swap3A_298], %broadcast_in_dim3A_1 {strides = array<i32>} : memref<80x128xf32, #tpu.memory_space<vmem>>, vector<16xf32>,
      %swap3A_300 = arith.index_cast %add3A_293 : i32 to index
      %swap3A_301 = arith.constant 32 : index
      %swap3A_302 = tpu.vector_load %arg8[%swap3A_300, %swap3A_301] {strides = array<i32>} : memref<80x128xf32, #tpu.memory_space<vmem>>, vector<16xf32>,
      tpu.vector_store %arg8[%swap3A_300, %swap3A_301], %broadcast_in_dim3A_1 {strides = array<i32>} : memref<80x128xf32, #tpu.memory_space<vmem>>, vector<16xf32>,
      %swap3A_303 = arith.index_cast %add3A_293 : i32 to index
      %swap3A_304 = arith.constant 48 : index
      %swap3A_305 = tpu.vector_load %arg8[%swap3A_303, %swap3A_304] {strides = array<i32>} : memref<80x128xf32, #tpu.memory_space<vmem>>, vector<16xf32>,
      tpu.vector_store %arg8[%swap3A_303, %swap3A_304], %broadcast_in_dim3A_1 {strides = array<i32>} : memref<80x128xf32, #tpu.memory_space<vmem>>, vector<16xf32>,
      %swap3A_306 = arith.index_cast %add3A_293 : i32 to index
      %swap3A_307 = arith.constant 64 : index
      %swap3A_308 = tpu.vector_load %arg8[%swap3A_306, %swap3A_307] {strides = array<i32>} : memref<80x128xf32, #tpu.memory_space<vmem>>, vector<16xf32>,
      tpu.vector_store %arg8[%swap3A_306, %swap3A_307], %broadcast_in_dim3A_1 {strides = array<i32>} : memref<80x128xf32, #tpu.memory_space<vmem>>, vector<16xf32>,
      %swap3A_309 = arith.index_cast %add3A_293 : i32 to index
      %swap3A_310 = arith.constant 80 : index
      %swap3A_311 = tpu.vector_load %arg8[%swap3A_309, %swap3A_310] {strides = array<i32>} : memref<80x128xf32, #tpu.memory_space<vmem>>, vector<16xf32>,
      tpu.vector_store %arg8[%swap3A_309, %swap3A_310], %broadcast_in_dim3A_1 {strides = array<i32>} : memref<80x128xf32, #tpu.memory_space<vmem>>, vector<16xf32>,
      %swap3A_312 = arith.index_cast %add3A_293 : i32 to index
      %swap3A_313 = arith.constant 96 : index
      %swap3A_314 = tpu.vector_load %arg8[%swap3A_312, %swap3A_313] {strides = array<i32>} : memref<80x128xf32, #tpu.memory_space<vmem>>, vector<16xf32>,
      tpu.vector_store %arg8[%swap3A_312, %swap3A_313], %broadcast_in_dim3A_1 {strides = array<i32>} : memref<80x128xf32, #tpu.memory_space<vmem>>, vector<16xf32>,
      %swap3A_315 = arith.index_cast %add3A_293 : i32 to index
      %swap3A_316 = arith.constant 112 : index
      %swap3A_317 = tpu.vector_load %arg8[%swap3A_315, %swap3A_316] {strides = array<i32>} : memref<80x128xf32, #tpu.memory_space<vmem>>, vector<16xf32>,
      tpu.vector_store %arg8[%swap3A_315, %swap3A_316], %broadcast_in_dim3A_1 {strides = array<i32>} : memref<80x128xf32, #tpu.memory_space<vmem>>, vector<16xf32>,
    }
    %scan3A_5 = arith.constant 80 : i32
    %mul3A_6 = arith.constant 625 : i32
    %mul3A_7 = arith.muli %arg1, %mul3A_6 : i32
    %add3A_8 = arith.constant 0 : i32
    %add3A_9 = arith.addi %mul3A_7, %add3A_8 : i32
    "tpu.region"() ({
      %run_scoped3A_289 = tpu.sem_alloc : memref<!tpu.dma_semaphore, #tpu.memory_space<semaphore_mem>>
      %dma_start3A_290 = arith.constant 0 : i32
      %dma_start3A_291 = tpu.memref_slice %arg14[%add3A_9, %dma_start3A_290] : memref<10000x128xf32, #tpu.memory_space<vmem_shared>> -> memref<80x128xf32, #tpu.memory_space<vmem_shared>>
      %dma_start3A_292 = arith.constant 0 : i32
      %dma_start3A_293 = tpu.memref_slice %arg14[%add3A_9, %dma_start3A_292] : memref<10000x128xf32, #tpu.memory_space<vmem_shared>> -> memref<80x128xf32, #tpu.memory_space<vmem_shared>>
      tpu.enqueue_dma source(%arg8 : memref<80x128xf32, #tpu.memory_space<vmem>>) target(%dma_start3A_293 : memref<80x128xf32, #tpu.memory_space<vmem_shared>>) target_semaphore(%run_scoped3A_289 : memref<!tpu.dma_semaphore, #tpu.memory_space<semaphore_mem>>)
      %dma_wait3A_294 = arith.constant 0 : i32
      %dma_wait3A_295 = tpu.memref_slice %arg14[%add3A_9, %dma_wait3A_294] : memref<10000x128xf32, #tpu.memory_space<vmem_shared>> -> memref<80x128xf32, #tpu.memory_space<vmem_shared>>
      %dma_wait3A_296 = arith.constant 0 : i32
      %dma_wait3A_297 = tpu.memref_slice %arg14[%add3A_9, %dma_wait3A_296] : memref<10000x128xf32, #tpu.memory_space<vmem_shared>> -> memref<80x128xf32, #tpu.memory_space<vmem_shared>>
      tpu.wait_dma2 semaphore(%run_scoped3A_289 : memref<!tpu.dma_semaphore, #tpu.memory_space<semaphore_mem>>) src(%arg8 : memref<80x128xf32, #tpu.memory_space<vmem>>) dst(%dma_wait3A_297 : memref<80x128xf32, #tpu.memory_space<vmem_shared>>)
      tpu.yield
    }) : () -> ()
    %mul3A_10 = arith.constant 625 : i32
    %mul3A_11 = arith.muli %arg1, %mul3A_10 : i32
    %add3A_12 = arith.constant 80 : i32
    %add3A_13 = arith.addi %mul3A_11, %add3A_12 : i32
    "tpu.region"() ({
      %run_scoped3A_289 = tpu.sem_alloc : memref<!tpu.dma_semaphore, #tpu.memory_space<semaphore_mem>>
      %dma_start3A_290 = arith.constant 0 : i32
      %dma_start3A_291 = tpu.memref_slice %arg14[%add3A_13, %dma_start3A_290] : memref<10000x128xf32, #tpu.memory_space<vmem_shared>> -> memref<80x128xf32, #tpu.memory_space<vmem_shared>>
      %dma_start3A_292 = arith.constant 0 : i32
      %dma_start3A_293 = tpu.memref_slice %arg14[%add3A_13, %dma_start3A_292] : memref<10000x128xf32, #tpu.memory_space<vmem_shared>> -> memref<80x128xf32, #tpu.memory_space<vmem_shared>>
      tpu.enqueue_dma source(%arg8 : memref<80x128xf32, #tpu.memory_space<vmem>>) target(%dma_start3A_293 : memref<80x128xf32, #tpu.memory_space<vmem_shared>>) target_semaphore(%run_scoped3A_289 : memref<!tpu.dma_semaphore, #tpu.memory_space<semaphore_mem>>)
      %dma_wait3A_294 = arith.constant 0 : i32
      %dma_wait3A_295 = tpu.memref_slice %arg14[%add3A_13, %dma_wait3A_294] : memref<10000x128xf32, #tpu.memory_space<vmem_shared>> -> memref<80x128xf32, #tpu.memory_space<vmem_shared>>
      %dma_wait3A_296 = arith.constant 0 : i32
      %dma_wait3A_297 = tpu.memref_slice %arg14[%add3A_13, %dma_wait3A_296] : memref<10000x128xf32, #tpu.memory_space<vmem_shared>> -> memref<80x128xf32, #tpu.memory_space<vmem_shared>>
      tpu.wait_dma2 semaphore(%run_scoped3A_289 : memref<!tpu.dma_semaphore, #tpu.memory_space<semaphore_mem>>) src(%arg8 : memref<80x128xf32, #tpu.memory_space<vmem>>) dst(%dma_wait3A_297 : memref<80x128xf32, #tpu.memory_space<vmem_shared>>)
      tpu.yield
    }) : () -> ()
    %mul3A_14 = arith.constant 625 : i32
    %mul3A_15 = arith.muli %arg1, %mul3A_14 : i32
    %add3A_16 = arith.constant 160 : i32
    %add3A_17 = arith.addi %mul3A_15, %add3A_16 : i32
    "tpu.region"() ({
      %run_scoped3A_289 = tpu.sem_alloc : memref<!tpu.dma_semaphore, #tpu.memory_space<semaphore_mem>>
      %dma_start3A_290 = arith.constant 0 : i32
      %dma_start3A_291 = tpu.memref_slice %arg14[%add3A_17, %dma_start3A_290] : memref<10000x128xf32, #tpu.memory_space<vmem_shared>> -> memref<80x128xf32, #tpu.memory_space<vmem_shared>>
      %dma_start3A_292 = arith.constant 0 : i32
      %dma_start3A_293 = tpu.memref_slice %arg14[%add3A_17, %dma_start3A_292] : memref<10000x128xf32, #tpu.memory_space<vmem_shared>> -> memref<80x128xf32, #tpu.memory_space<vmem_shared>>
      tpu.enqueue_dma source(%arg8 : memref<80x128xf32, #tpu.memory_space<vmem>>) target(%dma_start3A_293 : memref<80x128xf32, #tpu.memory_space<vmem_shared>>) target_semaphore(%run_scoped3A_289 : memref<!tpu.dma_semaphore, #tpu.memory_space<semaphore_mem>>)
      %dma_wait3A_294 = arith.constant 0 : i32
      %dma_wait3A_295 = tpu.memref_slice %arg14[%add3A_17, %dma_wait3A_294] : memref<10000x128xf32, #tpu.memory_space<vmem_shared>> -> memref<80x128xf32, #tpu.memory_space<vmem_shared>>
      %dma_wait3A_296 = arith.constant 0 : i32
      %dma_wait3A_297 = tpu.memref_slice %arg14[%add3A_17, %dma_wait3A_296] : memref<10000x128xf32, #tpu.memory_space<vmem_shared>> -> memref<80x128xf32, #tpu.memory_space<vmem_shared>>
      tpu.wait_dma2 semaphore(%run_scoped3A_289 : memref<!tpu.dma_semaphore, #tpu.memory_space<semaphore_mem>>) src(%arg8 : memref<80x128xf32, #tpu.memory_space<vmem>>) dst(%dma_wait3A_297 : memref<80x128xf32, #tpu.memory_space<vmem_shared>>)
      tpu.yield
    }) : () -> ()
    %mul3A_18 = arith.constant 625 : i32
    %mul3A_19 = arith.muli %arg1, %mul3A_18 : i32
    %add3A_20 = arith.constant 240 : i32
    %add3A_21 = arith.addi %mul3A_19, %add3A_20 : i32
    "tpu.region"() ({
      %run_scoped3A_289 = tpu.sem_alloc : memref<!tpu.dma_semaphore, #tpu.memory_space<semaphore_mem>>
      %dma_start3A_290 = arith.constant 0 : i32
      %dma_start3A_291 = tpu.memref_slice %arg14[%add3A_21, %dma_start3A_290] : memref<10000x128xf32, #tpu.memory_space<vmem_shared>> -> memref<80x128xf32, #tpu.memory_space<vmem_shared>>
      %dma_start3A_292 = arith.constant 0 : i32
      %dma_start3A_293 = tpu.memref_slice %arg14[%add3A_21, %dma_start3A_292] : memref<10000x128xf32, #tpu.memory_space<vmem_shared>> -> memref<80x128xf32, #tpu.memory_space<vmem_shared>>
      tpu.enqueue_dma source(%arg8 : memref<80x128xf32, #tpu.memory_space<vmem>>) target(%dma_start3A_293 : memref<80x128xf32, #tpu.memory_space<vmem_shared>>) target_semaphore(%run_scoped3A_289 : memref<!tpu.dma_semaphore, #tpu.memory_space<semaphore_mem>>)
      %dma_wait3A_294 = arith.constant 0 : i32
      %dma_wait3A_295 = tpu.memref_slice %arg14[%add3A_21, %dma_wait3A_294] : memref<10000x128xf32, #tpu.memory_space<vmem_shared>> -> memref<80x128xf32, #tpu.memory_space<vmem_shared>>
      %dma_wait3A_296 = arith.constant 0 : i32
      %dma_wait3A_297 = tpu.memref_slice %arg14[%add3A_21, %dma_wait3A_296] : memref<10000x128xf32, #tpu.memory_space<vmem_shared>> -> memref<80x128xf32, #tpu.memory_space<vmem_shared>>
      tpu.wait_dma2 semaphore(%run_scoped3A_289 : memref<!tpu.dma_semaphore, #tpu.memory_space<semaphore_mem>>) src(%arg8 : memref<80x128xf32, #tpu.memory_space<vmem>>) dst(%dma_wait3A_297 : memref<80x128xf32, #tpu.memory_space<vmem_shared>>)
      tpu.yield
    }) : () -> ()
    %mul3A_22 = arith.constant 625 : i32
    %mul3A_23 = arith.muli %arg1, %mul3A_22 : i32
    %add3A_24 = arith.constant 320 : i32
    %add3A_25 = arith.addi %mul3A_23, %add3A_24 : i32
    "tpu.region"() ({
      %run_scoped3A_289 = tpu.sem_alloc : memref<!tpu.dma_semaphore, #tpu.memory_space<semaphore_mem>>
      %dma_start3A_290 = arith.constant 0 : i32
      %dma_start3A_291 = tpu.memref_slice %arg14[%add3A_25, %dma_start3A_290] : memref<10000x128xf32, #tpu.memory_space<vmem_shared>> -> memref<80x128xf32, #tpu.memory_space<vmem_shared>>
      %dma_start3A_292 = arith.constant 0 : i32
      %dma_start3A_293 = tpu.memref_slice %arg14[%add3A_25, %dma_start3A_292] : memref<10000x128xf32, #tpu.memory_space<vmem_shared>> -> memref<80x128xf32, #tpu.memory_space<vmem_shared>>
      tpu.enqueue_dma source(%arg8 : memref<80x128xf32, #tpu.memory_space<vmem>>) target(%dma_start3A_293 : memref<80x128xf32, #tpu.memory_space<vmem_shared>>) target_semaphore(%run_scoped3A_289 : memref<!tpu.dma_semaphore, #tpu.memory_space<semaphore_mem>>)
      %dma_wait3A_294 = arith.constant 0 : i32
      %dma_wait3A_295 = tpu.memref_slice %arg14[%add3A_25, %dma_wait3A_294] : memref<10000x128xf32, #tpu.memory_space<vmem_shared>> -> memref<80x128xf32, #tpu.memory_space<vmem_shared>>
      %dma_wait3A_296 = arith.constant 0 : i32
      %dma_wait3A_297 = tpu.memref_slice %arg14[%add3A_25, %dma_wait3A_296] : memref<10000x128xf32, #tpu.memory_space<vmem_shared>> -> memref<80x128xf32, #tpu.memory_space<vmem_shared>>
      tpu.wait_dma2 semaphore(%run_scoped3A_289 : memref<!tpu.dma_semaphore, #tpu.memory_space<semaphore_mem>>) src(%arg8 : memref<80x128xf32, #tpu.memory_space<vmem>>) dst(%dma_wait3A_297 : memref<80x128xf32, #tpu.memory_space<vmem_shared>>)
      tpu.yield
    }) : () -> ()
    %mul3A_26 = arith.constant 625 : i32
    %mul3A_27 = arith.muli %arg1, %mul3A_26 : i32
    %add3A_28 = arith.constant 400 : i32
    %add3A_29 = arith.addi %mul3A_27, %add3A_28 : i32
    "tpu.region"() ({
      %run_scoped3A_289 = tpu.sem_alloc : memref<!tpu.dma_semaphore, #tpu.memory_space<semaphore_mem>>
      %dma_start3A_290 = arith.constant 0 : i32
      %dma_start3A_291 = tpu.memref_slice %arg14[%add3A_29, %dma_start3A_290] : memref<10000x128xf32, #tpu.memory_space<vmem_shared>> -> memref<80x128xf32, #tpu.memory_space<vmem_shared>>
      %dma_start3A_292 = arith.constant 0 : i32
      %dma_start3A_293 = tpu.memref_slice %arg14[%add3A_29, %dma_start3A_292] : memref<10000x128xf32, #tpu.memory_space<vmem_shared>> -> memref<80x128xf32, #tpu.memory_space<vmem_shared>>
      tpu.enqueue_dma source(%arg8 : memref<80x128xf32, #tpu.memory_space<vmem>>) target(%dma_start3A_293 : memref<80x128xf32, #tpu.memory_space<vmem_shared>>) target_semaphore(%run_scoped3A_289 : memref<!tpu.dma_semaphore, #tpu.memory_space<semaphore_mem>>)
      %dma_wait3A_294 = arith.constant 0 : i32
      %dma_wait3A_295 = tpu.memref_slice %arg14[%add3A_29, %dma_wait3A_294] : memref<10000x128xf32, #tpu.memory_space<vmem_shared>> -> memref<80x128xf32, #tpu.memory_space<vmem_shared>>
      %dma_wait3A_296 = arith.constant 0 : i32
      %dma_wait3A_297 = tpu.memref_slice %arg14[%add3A_29, %dma_wait3A_296] : memref<10000x128xf32, #tpu.memory_space<vmem_shared>> -> memref<80x128xf32, #tpu.memory_space<vmem_shared>>
      tpu.wait_dma2 semaphore(%run_scoped3A_289 : memref<!tpu.dma_semaphore, #tpu.memory_space<semaphore_mem>>) src(%arg8 : memref<80x128xf32, #tpu.memory_space<vmem>>) dst(%dma_wait3A_297 : memref<80x128xf32, #tpu.memory_space<vmem_shared>>)
      tpu.yield
    }) : () -> ()
    %mul3A_30 = arith.constant 625 : i32
    %mul3A_31 = arith.muli %arg1, %mul3A_30 : i32
    %add3A_32 = arith.constant 480 : i32
    %add3A_33 = arith.addi %mul3A_31, %add3A_32 : i32
    "tpu.region"() ({
      %run_scoped3A_289 = tpu.sem_alloc : memref<!tpu.dma_semaphore, #tpu.memory_space<semaphore_mem>>
      %dma_start3A_290 = arith.constant 0 : i32
      %dma_start3A_291 = tpu.memref_slice %arg14[%add3A_33, %dma_start3A_290] : memref<10000x128xf32, #tpu.memory_space<vmem_shared>> -> memref<80x128xf32, #tpu.memory_space<vmem_shared>>
      %dma_start3A_292 = arith.constant 0 : i32
      %dma_start3A_293 = tpu.memref_slice %arg14[%add3A_33, %dma_start3A_292] : memref<10000x128xf32, #tpu.memory_space<vmem_shared>> -> memref<80x128xf32, #tpu.memory_space<vmem_shared>>
      tpu.enqueue_dma source(%arg8 : memref<80x128xf32, #tpu.memory_space<vmem>>) target(%dma_start3A_293 : memref<80x128xf32, #tpu.memory_space<vmem_shared>>) target_semaphore(%run_scoped3A_289 : memref<!tpu.dma_semaphore, #tpu.memory_space<semaphore_mem>>)
      %dma_wait3A_294 = arith.constant 0 : i32
      %dma_wait3A_295 = tpu.memref_slice %arg14[%add3A_33, %dma_wait3A_294] : memref<10000x128xf32, #tpu.memory_space<vmem_shared>> -> memref<80x128xf32, #tpu.memory_space<vmem_shared>>
      %dma_wait3A_296 = arith.constant 0 : i32
      %dma_wait3A_297 = tpu.memref_slice %arg14[%add3A_33, %dma_wait3A_296] : memref<10000x128xf32, #tpu.memory_space<vmem_shared>> -> memref<80x128xf32, #tpu.memory_space<vmem_shared>>
      tpu.wait_dma2 semaphore(%run_scoped3A_289 : memref<!tpu.dma_semaphore, #tpu.memory_space<semaphore_mem>>) src(%arg8 : memref<80x128xf32, #tpu.memory_space<vmem>>) dst(%dma_wait3A_297 : memref<80x128xf32, #tpu.memory_space<vmem_shared>>)
      tpu.yield
    }) : () -> ()
    %mul3A_34 = arith.constant 625 : i32
    %mul3A_35 = arith.muli %arg1, %mul3A_34 : i32
    %add3A_36 = arith.constant 625 : i32
    %add3A_37 = arith.addi %mul3A_35, %add3A_36 : i32
    %sub3A = arith.constant 65 : i32
    %sub3A_38 = arith.subi %add3A_37, %sub3A : i32
    "tpu.region"() ({
      %run_scoped3A_289 = tpu.sem_alloc : memref<!tpu.dma_semaphore, #tpu.memory_space<semaphore_mem>>
      %dma_start3A_290 = arith.constant 0 : i32
      %dma_start3A_291 = arith.constant 0 : i32
      %dma_start3A_292 = tpu.memref_slice %arg8[%dma_start3A_290, %dma_start3A_291] : memref<80x128xf32, #tpu.memory_space<vmem>> -> memref<65x128xf32, #tpu.memory_space<vmem>>
      %dma_start3A_293 = arith.constant 0 : i32
      %dma_start3A_294 = tpu.memref_slice %arg14[%sub3A_38, %dma_start3A_293] : memref<10000x128xf32, #tpu.memory_space<vmem_shared>> -> memref<65x128xf32, #tpu.memory_space<vmem_shared>>
      %dma_start3A_295 = arith.constant 0 : i32
      %dma_start3A_296 = tpu.memref_slice %arg14[%sub3A_38, %dma_start3A_295] : memref<10000x128xf32, #tpu.memory_space<vmem_shared>> -> memref<65x128xf32, #tpu.memory_space<vmem_shared>>
      %dma_start3A_297 = arith.constant 0 : i32
      %dma_start3A_298 = arith.constant 0 : i32
      %dma_start3A_299 = tpu.memref_slice %arg8[%dma_start3A_297, %dma_start3A_298] : memref<80x128xf32, #tpu.memory_space<vmem>> -> memref<65x128xf32, #tpu.memory_space<vmem>>
      tpu.enqueue_dma source(%dma_start3A_299 : memref<65x128xf32, #tpu.memory_space<vmem>>) target(%dma_start3A_296 : memref<65x128xf32, #tpu.memory_space<vmem_shared>>) target_semaphore(%run_scoped3A_289 : memref<!tpu.dma_semaphore, #tpu.memory_space<semaphore_mem>>)
      %dma_wait3A_300 = arith.constant 0 : i32
      %dma_wait3A_301 = arith.constant 0 : i32
      %dma_wait3A_302 = tpu.memref_slice %arg8[%dma_wait3A_300, %dma_wait3A_301] : memref<80x128xf32, #tpu.memory_space<vmem>> -> memref<65x128xf32, #tpu.memory_space<vmem>>
      %dma_wait3A_303 = arith.constant 0 : i32
      %dma_wait3A_304 = tpu.memref_slice %arg14[%sub3A_38, %dma_wait3A_303] : memref<10000x128xf32, #tpu.memory_space<vmem_shared>> -> memref<65x128xf32, #tpu.memory_space<vmem_shared>>
      %dma_wait3A_305 = arith.constant 0 : i32
      %dma_wait3A_306 = tpu.memref_slice %arg14[%sub3A_38, %dma_wait3A_305] : memref<10000x128xf32, #tpu.memory_space<vmem_shared>> -> memref<65x128xf32, #tpu.memory_space<vmem_shared>>
      %dma_wait3A_307 = arith.constant 0 : i32
      %dma_wait3A_308 = arith.constant 0 : i32
      %dma_wait3A_309 = tpu.memref_slice %arg8[%dma_wait3A_307, %dma_wait3A_308] : memref<80x128xf32, #tpu.memory_space<vmem>> -> memref<65x128xf32, #tpu.memory_space<vmem>>
      tpu.wait_dma2 semaphore(%run_scoped3A_289 : memref<!tpu.dma_semaphore, #tpu.memory_space<semaphore_mem>>) src(%dma_wait3A_309 : memref<65x128xf32, #tpu.memory_space<vmem>>) dst(%dma_wait3A_306 : memref<65x128xf32, #tpu.memory_space<vmem_shared>>)
      tpu.yield
    }) : () -> ()
    %barrier3A = arith.constant 0 : index
    tpu.barrier barrier_id(%barrier3A)
    %mul3A_39 = arith.constant 10000 : i32
    %mul3A_40 = arith.muli %add3A, %mul3A_39 : i32
    "tpu.region"() ({
      %run_scoped3A_289 = tpu.sem_alloc : memref<!tpu.dma_semaphore, #tpu.memory_space<semaphore_mem>>
      %dma_start3A_290 = tpu.memref_slice %arg3[%mul3A_40] : memref<320000xi32, #tpu.memory_space<hbm>> -> memref<10000xi32, #tpu.memory_space<hbm>>
      %dma_start3A_291 = tpu.memref_slice %arg3[%mul3A_40] : memref<320000xi32, #tpu.memory_space<hbm>> -> memref<10000xi32, #tpu.memory_space<hbm>>
      tpu.enqueue_dma source(%dma_start3A_291 : memref<10000xi32, #tpu.memory_space<hbm>>) target(%arg5 : memref<10000xi32, #tpu.memory_space<vmem>>) target_semaphore(%run_scoped3A_289 : memref<!tpu.dma_semaphore, #tpu.memory_space<semaphore_mem>>)
      %dma_wait3A_292 = tpu.memref_slice %arg3[%mul3A_40] : memref<320000xi32, #tpu.memory_space<hbm>> -> memref<10000xi32, #tpu.memory_space<hbm>>
      %dma_wait3A_293 = tpu.memref_slice %arg3[%mul3A_40] : memref<320000xi32, #tpu.memory_space<hbm>> -> memref<10000xi32, #tpu.memory_space<hbm>>
      tpu.wait_dma2 semaphore(%run_scoped3A_289 : memref<!tpu.dma_semaphore, #tpu.memory_space<semaphore_mem>>) src(%dma_wait3A_293 : memref<10000xi32, #tpu.memory_space<hbm>>) dst(%arg5 : memref<10000xi32, #tpu.memory_space<vmem>>)
      tpu.yield
    }) : () -> ()
    %get3A = arith.constant 0 : index
    %get3A_41 = tpu.vector_load %arg5[%get3A] {strides = array<i32>} : memref<10000xi32, #tpu.memory_space<vmem>>, vector<16xi32>,
    %and3A = arith.constant 16383 : i32
    %and3A_42 = vector.broadcast %and3A : i32 to vector<16xi32>
    %and3A_43 = arith.andi %get3A_41, %and3A_42 : vector<16xi32>
    %shift_right_arithmetic3A = arith.constant 14 : i32
    %shift_right_arithmetic3A_44 = vector.broadcast %shift_right_arithmetic3A : i32 to vector<16xi32>
    %shift_right_arithmetic3A_45 = arith.shrsi %get3A_41, %shift_right_arithmetic3A_44 : vector<16xi32>
    %swap3A = arith.constant 0 : i32
    %swap3A_46 = arith.index_cast %swap3A : i32 to index
    %swap3A_47 = arith.constant 0 : index
    %swap3A_48 = tpu.vector_load %arg6[%swap3A_46, %swap3A_47] {strides = array<i32>} : memref<8x80xi32, #tpu.memory_space<vmem>>, vector<16xi32>,
    tpu.vector_store %arg6[%swap3A_46, %swap3A_47], %shift_right_arithmetic3A_45 {strides = array<i32>} : memref<8x80xi32, #tpu.memory_space<vmem>>, vector<16xi32>,
    %swap3A_49 = arith.constant 0 : i32
    %swap3A_50 = arith.index_cast %swap3A_49 : i32 to index
    %swap3A_51 = arith.constant 0 : index
    %swap3A_52 = tpu.vector_load %arg7[%swap3A_50, %swap3A_51] {strides = array<i32>} : memref<8x80xi32, #tpu.memory_space<vmem>>, vector<16xi32>,
    tpu.vector_store %arg7[%swap3A_50, %swap3A_51], %and3A_43 {strides = array<i32>} : memref<8x80xi32, #tpu.memory_space<vmem>>, vector<16xi32>,
    %get3A_53 = arith.constant 16 : index
    %get3A_54 = tpu.vector_load %arg5[%get3A_53] {strides = array<i32>} : memref<10000xi32, #tpu.memory_space<vmem>>, vector<16xi32>,
    %and3A_55 = arith.constant 16383 : i32
    %and3A_56 = vector.broadcast %and3A_55 : i32 to vector<16xi32>
    %and3A_57 = arith.andi %get3A_54, %and3A_56 : vector<16xi32>
    %shift_right_arithmetic3A_58 = arith.constant 14 : i32
    %shift_right_arithmetic3A_59 = vector.broadcast %shift_right_arithmetic3A_58 : i32 to vector<16xi32>
    %shift_right_arithmetic3A_60 = arith.shrsi %get3A_54, %shift_right_arithmetic3A_59 : vector<16xi32>
    %swap3A_61 = arith.constant 0 : i32
    %swap3A_62 = arith.index_cast %swap3A_61 : i32 to index
    %swap3A_63 = arith.constant 16 : index
    %swap3A_64 = tpu.vector_load %arg6[%swap3A_62, %swap3A_63] {strides = array<i32>} : memref<8x80xi32, #tpu.memory_space<vmem>>, vector<16xi32>,
    tpu.vector_store %arg6[%swap3A_62, %swap3A_63], %shift_right_arithmetic3A_60 {strides = array<i32>} : memref<8x80xi32, #tpu.memory_space<vmem>>, vector<16xi32>,
    %swap3A_65 = arith.constant 0 : i32
    %swap3A_66 = arith.index_cast %swap3A_65 : i32 to index
    %swap3A_67 = arith.constant 16 : index
    %swap3A_68 = tpu.vector_load %arg7[%swap3A_66, %swap3A_67] {strides = array<i32>} : memref<8x80xi32, #tpu.memory_space<vmem>>, vector<16xi32>,
    tpu.vector_store %arg7[%swap3A_66, %swap3A_67], %and3A_57 {strides = array<i32>} : memref<8x80xi32, #tpu.memory_space<vmem>>, vector<16xi32>,
    %get3A_69 = arith.constant 32 : index
    %get3A_70 = tpu.vector_load %arg5[%get3A_69] {strides = array<i32>} : memref<10000xi32, #tpu.memory_space<vmem>>, vector<16xi32>,
    %and3A_71 = arith.constant 16383 : i32
    %and3A_72 = vector.broadcast %and3A_71 : i32 to vector<16xi32>
    %and3A_73 = arith.andi %get3A_70, %and3A_72 : vector<16xi32>
    %shift_right_arithmetic3A_74 = arith.constant 14 : i32
    %shift_right_arithmetic3A_75 = vector.broadcast %shift_right_arithmetic3A_74 : i32 to vector<16xi32>
    %shift_right_arithmetic3A_76 = arith.shrsi %get3A_70, %shift_right_arithmetic3A_75 : vector<16xi32>
    %swap3A_77 = arith.constant 0 : i32
    %swap3A_78 = arith.index_cast %swap3A_77 : i32 to index
    %swap3A_79 = arith.constant 32 : index
    %swap3A_80 = tpu.vector_load %arg6[%swap3A_78, %swap3A_79] {strides = array<i32>} : memref<8x80xi32, #tpu.memory_space<vmem>>, vector<16xi32>,
    tpu.vector_store %arg6[%swap3A_78, %swap3A_79], %shift_right_arithmetic3A_76 {strides = array<i32>} : memref<8x80xi32, #tpu.memory_space<vmem>>, vector<16xi32>,
    %swap3A_81 = arith.constant 0 : i32
    %swap3A_82 = arith.index_cast %swap3A_81 : i32 to index
    %swap3A_83 = arith.constant 32 : index
    %swap3A_84 = tpu.vector_load %arg7[%swap3A_82, %swap3A_83] {strides = array<i32>} : memref<8x80xi32, #tpu.memory_space<vmem>>, vector<16xi32>,
    tpu.vector_store %arg7[%swap3A_82, %swap3A_83], %and3A_73 {strides = array<i32>} : memref<8x80xi32, #tpu.memory_space<vmem>>, vector<16xi32>,
    %get3A_85 = arith.constant 48 : index
    %get3A_86 = tpu.vector_load %arg5[%get3A_85] {strides = array<i32>} : memref<10000xi32, #tpu.memory_space<vmem>>, vector<16xi32>,
    %and3A_87 = arith.constant 16383 : i32
    %and3A_88 = vector.broadcast %and3A_87 : i32 to vector<16xi32>
    %and3A_89 = arith.andi %get3A_86, %and3A_88 : vector<16xi32>
    %shift_right_arithmetic3A_90 = arith.constant 14 : i32
    %shift_right_arithmetic3A_91 = vector.broadcast %shift_right_arithmetic3A_90 : i32 to vector<16xi32>
    %shift_right_arithmetic3A_92 = arith.shrsi %get3A_86, %shift_right_arithmetic3A_91 : vector<16xi32>
    %swap3A_93 = arith.constant 0 : i32
    %swap3A_94 = arith.index_cast %swap3A_93 : i32 to index
    %swap3A_95 = arith.constant 48 : index
    %swap3A_96 = tpu.vector_load %arg6[%swap3A_94, %swap3A_95] {strides = array<i32>} : memref<8x80xi32, #tpu.memory_space<vmem>>, vector<16xi32>,
    tpu.vector_store %arg6[%swap3A_94, %swap3A_95], %shift_right_arithmetic3A_92 {strides = array<i32>} : memref<8x80xi32, #tpu.memory_space<vmem>>, vector<16xi32>,
    %swap3A_97 = arith.constant 0 : i32
    %swap3A_98 = arith.index_cast %swap3A_97 : i32 to index
    %swap3A_99 = arith.constant 48 : index
    %swap3A_100 = tpu.vector_load %arg7[%swap3A_98, %swap3A_99] {strides = array<i32>} : memref<8x80xi32, #tpu.memory_space<vmem>>, vector<16xi32>,
    tpu.vector_store %arg7[%swap3A_98, %swap3A_99], %and3A_89 {strides = array<i32>} : memref<8x80xi32, #tpu.memory_space<vmem>>, vector<16xi32>,
    %get3A_101 = arith.constant 64 : index
    %get3A_102 = tpu.vector_load %arg5[%get3A_101] {strides = array<i32>} : memref<10000xi32, #tpu.memory_space<vmem>>, vector<16xi32>,
    %and3A_103 = arith.constant 16383 : i32
    %and3A_104 = vector.broadcast %and3A_103 : i32 to vector<16xi32>
    %and3A_105 = arith.andi %get3A_102, %and3A_104 : vector<16xi32>
    %shift_right_arithmetic3A_106 = arith.constant 14 : i32
    %shift_right_arithmetic3A_107 = vector.broadcast %shift_right_arithmetic3A_106 : i32 to vector<16xi32>
    %shift_right_arithmetic3A_108 = arith.shrsi %get3A_102, %shift_right_arithmetic3A_107 : vector<16xi32>
    %swap3A_109 = arith.constant 0 : i32
    %swap3A_110 = arith.index_cast %swap3A_109 : i32 to index
    %swap3A_111 = arith.constant 64 : index
    %swap3A_112 = tpu.vector_load %arg6[%swap3A_110, %swap3A_111] {strides = array<i32>} : memref<8x80xi32, #tpu.memory_space<vmem>>, vector<16xi32>,
    tpu.vector_store %arg6[%swap3A_110, %swap3A_111], %shift_right_arithmetic3A_108 {strides = array<i32>} : memref<8x80xi32, #tpu.memory_space<vmem>>, vector<16xi32>,
    %swap3A_113 = arith.constant 0 : i32
    %swap3A_114 = arith.index_cast %swap3A_113 : i32 to index
    %swap3A_115 = arith.constant 64 : index
    %swap3A_116 = tpu.vector_load %arg7[%swap3A_114, %swap3A_115] {strides = array<i32>} : memref<8x80xi32, #tpu.memory_space<vmem>>, vector<16xi32>,
    tpu.vector_store %arg7[%swap3A_114, %swap3A_115], %and3A_105 {strides = array<i32>} : memref<8x80xi32, #tpu.memory_space<vmem>>, vector<16xi32>,
    %dma_start3A = arith.constant 0 : i32
    %dma_start3A_117 = arith.constant 0 : i32
    %dma_start3A_118 = tpu.memref_slice %arg6[%dma_start3A, %dma_start3A_117] : memref<8x80xi32, #tpu.memory_space<vmem>> -> memref<1x80xi32, #tpu.memory_space<vmem>>
    %dma_start3A_119 = tpu.memref_squeeze %dma_start3A_118 : memref<1x80xi32, #tpu.memory_space<vmem>> -> memref<80xi32, #tpu.memory_space<vmem>>
    %dma_start3A_120 = arith.constant 0 : i32
    %dma_start3A_121 = arith.constant 0 : i32
    %dma_start3A_122 = tpu.memref_slice %arg2[%dma_start3A_120, %dma_start3A_121] : memref<10000x128xf32, #tpu.memory_space<hbm>> -> memref<10000x128xf32, #tpu.memory_space<hbm>>
    tpu.enqueue_indirect_dma source(%dma_start3A_122 : memref<10000x128xf32, #tpu.memory_space<hbm>>) target(%arg8 : memref<80x128xf32, #tpu.memory_space<vmem>>) offsets(%dma_start3A_119 : memref<80xi32, #tpu.memory_space<vmem>>) semaphore(%arg11 : memref<!tpu.dma_semaphore, #tpu.memory_space<semaphore_mem>>)
    %get3A_123 = arith.constant 80 : index
    %get3A_124 = tpu.vector_load %arg5[%get3A_123] {strides = array<i32>} : memref<10000xi32, #tpu.memory_space<vmem>>, vector<16xi32>,
    %and3A_125 = arith.constant 16383 : i32
    %and3A_126 = vector.broadcast %and3A_125 : i32 to vector<16xi32>
    %and3A_127 = arith.andi %get3A_124, %and3A_126 : vector<16xi32>
    %shift_right_arithmetic3A_128 = arith.constant 14 : i32
    %shift_right_arithmetic3A_129 = vector.broadcast %shift_right_arithmetic3A_128 : i32 to vector<16xi32>
    %shift_right_arithmetic3A_130 = arith.shrsi %get3A_124, %shift_right_arithmetic3A_129 : vector<16xi32>
    %swap3A_131 = arith.constant 1 : i32
    %swap3A_132 = arith.index_cast %swap3A_131 : i32 to index
    %swap3A_133 = arith.constant 0 : index
    %swap3A_134 = tpu.vector_load %arg6[%swap3A_132, %swap3A_133] {strides = array<i32>} : memref<8x80xi32, #tpu.memory_space<vmem>>, vector<16xi32>,
    tpu.vector_store %arg6[%swap3A_132, %swap3A_133], %shift_right_arithmetic3A_130 {strides = array<i32>} : memref<8x80xi32, #tpu.memory_space<vmem>>, vector<16xi32>,
    %swap3A_135 = arith.constant 1 : i32
    %swap3A_136 = arith.index_cast %swap3A_135 : i32 to index
    %swap3A_137 = arith.constant 0 : index
    %swap3A_138 = tpu.vector_load %arg7[%swap3A_136, %swap3A_137] {strides = array<i32>} : memref<8x80xi32, #tpu.memory_space<vmem>>, vector<16xi32>,
    tpu.vector_store %arg7[%swap3A_136, %swap3A_137], %and3A_127 {strides = array<i32>} : memref<8x80xi32, #tpu.memory_space<vmem>>, vector<16xi32>,
    %get3A_139 = arith.constant 96 : index
    %get3A_140 = tpu.vector_load %arg5[%get3A_139] {strides = array<i32>} : memref<10000xi32, #tpu.memory_space<vmem>>, vector<16xi32>,
    %and3A_141 = arith.constant 16383 : i32
    %and3A_142 = vector.broadcast %and3A_141 : i32 to vector<16xi32>
    %and3A_143 = arith.andi %get3A_140, %and3A_142 : vector<16xi32>
    %shift_right_arithmetic3A_144 = arith.constant 14 : i32
    %shift_right_arithmetic3A_145 = vector.broadcast %shift_right_arithmetic3A_144 : i32 to vector<16xi32>
    %shift_right_arithmetic3A_146 = arith.shrsi %get3A_140, %shift_right_arithmetic3A_145 : vector<16xi32>
    %swap3A_147 = arith.constant 1 : i32
    %swap3A_148 = arith.index_cast %swap3A_147 : i32 to index
    %swap3A_149 = arith.constant 16 : index
    %swap3A_150 = tpu.vector_load %arg6[%swap3A_148, %swap3A_149] {strides = array<i32>} : memref<8x80xi32, #tpu.memory_space<vmem>>, vector<16xi32>,
    tpu.vector_store %arg6[%swap3A_148, %swap3A_149], %shift_right_arithmetic3A_146 {strides = array<i32>} : memref<8x80xi32, #tpu.memory_space<vmem>>, vector<16xi32>,
    %swap3A_151 = arith.constant 1 : i32
    %swap3A_152 = arith.index_cast %swap3A_151 : i32 to index
    %swap3A_153 = arith.constant 16 : index
    %swap3A_154 = tpu.vector_load %arg7[%swap3A_152, %swap3A_153] {strides = array<i32>} : memref<8x80xi32, #tpu.memory_space<vmem>>, vector<16xi32>,
    tpu.vector_store %arg7[%swap3A_152, %swap3A_153], %and3A_143 {strides = array<i32>} : memref<8x80xi32, #tpu.memory_space<vmem>>, vector<16xi32>,
    %get3A_155 = arith.constant 112 : index
    %get3A_156 = tpu.vector_load %arg5[%get3A_155] {strides = array<i32>} : memref<10000xi32, #tpu.memory_space<vmem>>, vector<16xi32>,
    %and3A_157 = arith.constant 16383 : i32
    %and3A_158 = vector.broadcast %and3A_157 : i32 to vector<16xi32>
    %and3A_159 = arith.andi %get3A_156, %and3A_158 : vector<16xi32>
    %shift_right_arithmetic3A_160 = arith.constant 14 : i32
    %shift_right_arithmetic3A_161 = vector.broadcast %shift_right_arithmetic3A_160 : i32 to vector<16xi32>
    %shift_right_arithmetic3A_162 = arith.shrsi %get3A_156, %shift_right_arithmetic3A_161 : vector<16xi32>
    %swap3A_163 = arith.constant 1 : i32
    %swap3A_164 = arith.index_cast %swap3A_163 : i32 to index
    %swap3A_165 = arith.constant 32 : index
    %swap3A_166 = tpu.vector_load %arg6[%swap3A_164, %swap3A_165] {strides = array<i32>} : memref<8x80xi32, #tpu.memory_space<vmem>>, vector<16xi32>,
    tpu.vector_store %arg6[%swap3A_164, %swap3A_165], %shift_right_arithmetic3A_162 {strides = array<i32>} : memref<8x80xi32, #tpu.memory_space<vmem>>, vector<16xi32>,
    %swap3A_167 = arith.constant 1 : i32
    %swap3A_168 = arith.index_cast %swap3A_167 : i32 to index
    %swap3A_169 = arith.constant 32 : index
    %swap3A_170 = tpu.vector_load %arg7[%swap3A_168, %swap3A_169] {strides = array<i32>} : memref<8x80xi32, #tpu.memory_space<vmem>>, vector<16xi32>,
    tpu.vector_store %arg7[%swap3A_168, %swap3A_169], %and3A_159 {strides = array<i32>} : memref<8x80xi32, #tpu.memory_space<vmem>>, vector<16xi32>,
    %get3A_171 = arith.constant 128 : index
    %get3A_172 = tpu.vector_load %arg5[%get3A_171] {strides = array<i32>} : memref<10000xi32, #tpu.memory_space<vmem>>, vector<16xi32>,
    %and3A_173 = arith.constant 16383 : i32
    %and3A_174 = vector.broadcast %and3A_173 : i32 to vector<16xi32>
    %and3A_175 = arith.andi %get3A_172, %and3A_174 : vector<16xi32>
    %shift_right_arithmetic3A_176 = arith.constant 14 : i32
    %shift_right_arithmetic3A_177 = vector.broadcast %shift_right_arithmetic3A_176 : i32 to vector<16xi32>
    %shift_right_arithmetic3A_178 = arith.shrsi %get3A_172, %shift_right_arithmetic3A_177 : vector<16xi32>
    %swap3A_179 = arith.constant 1 : i32
    %swap3A_180 = arith.index_cast %swap3A_179 : i32 to index
    %swap3A_181 = arith.constant 48 : index
    %swap3A_182 = tpu.vector_load %arg6[%swap3A_180, %swap3A_181] {strides = array<i32>} : memref<8x80xi32, #tpu.memory_space<vmem>>, vector<16xi32>,
    tpu.vector_store %arg6[%swap3A_180, %swap3A_181], %shift_right_arithmetic3A_178 {strides = array<i32>} : memref<8x80xi32, #tpu.memory_space<vmem>>, vector<16xi32>,
    %swap3A_183 = arith.constant 1 : i32
    %swap3A_184 = arith.index_cast %swap3A_183 : i32 to index
    %swap3A_185 = arith.constant 48 : index
    %swap3A_186 = tpu.vector_load %arg7[%swap3A_184, %swap3A_185] {strides = array<i32>} : memref<8x80xi32, #tpu.memory_space<vmem>>, vector<16xi32>,
    tpu.vector_store %arg7[%swap3A_184, %swap3A_185], %and3A_175 {strides = array<i32>} : memref<8x80xi32, #tpu.memory_space<vmem>>, vector<16xi32>,
    %get3A_187 = arith.constant 144 : index
    %get3A_188 = tpu.vector_load %arg5[%get3A_187] {strides = array<i32>} : memref<10000xi32, #tpu.memory_space<vmem>>, vector<16xi32>,
    %and3A_189 = arith.constant 16383 : i32
    %and3A_190 = vector.broadcast %and3A_189 : i32 to vector<16xi32>
    %and3A_191 = arith.andi %get3A_188, %and3A_190 : vector<16xi32>
    %shift_right_arithmetic3A_192 = arith.constant 14 : i32
    %shift_right_arithmetic3A_193 = vector.broadcast %shift_right_arithmetic3A_192 : i32 to vector<16xi32>
    %shift_right_arithmetic3A_194 = arith.shrsi %get3A_188, %shift_right_arithmetic3A_193 : vector<16xi32>
    %swap3A_195 = arith.constant 1 : i32
    %swap3A_196 = arith.index_cast %swap3A_195 : i32 to index
    %swap3A_197 = arith.constant 64 : index
    %swap3A_198 = tpu.vector_load %arg6[%swap3A_196, %swap3A_197] {strides = array<i32>} : memref<8x80xi32, #tpu.memory_space<vmem>>, vector<16xi32>,
    tpu.vector_store %arg6[%swap3A_196, %swap3A_197], %shift_right_arithmetic3A_194 {strides = array<i32>} : memref<8x80xi32, #tpu.memory_space<vmem>>, vector<16xi32>,
    %swap3A_199 = arith.constant 1 : i32
    %swap3A_200 = arith.index_cast %swap3A_199 : i32 to index
    %swap3A_201 = arith.constant 64 : index
    %swap3A_202 = tpu.vector_load %arg7[%swap3A_200, %swap3A_201] {strides = array<i32>} : memref<8x80xi32, #tpu.memory_space<vmem>>, vector<16xi32>,
    tpu.vector_store %arg7[%swap3A_200, %swap3A_201], %and3A_191 {strides = array<i32>} : memref<8x80xi32, #tpu.memory_space<vmem>>, vector<16xi32>,
    %dma_start3A_203 = arith.constant 1 : i32
    %dma_start3A_204 = arith.constant 0 : i32
    %dma_start3A_205 = tpu.memref_slice %arg6[%dma_start3A_203, %dma_start3A_204] : memref<8x80xi32, #tpu.memory_space<vmem>> -> memref<1x80xi32, #tpu.memory_space<vmem>>
    %dma_start3A_206 = tpu.memref_squeeze %dma_start3A_205 : memref<1x80xi32, #tpu.memory_space<vmem>> -> memref<80xi32, #tpu.memory_space<vmem>>
    %dma_start3A_207 = arith.constant 0 : i32
    %dma_start3A_208 = arith.constant 0 : i32
    %dma_start3A_209 = tpu.memref_slice %arg2[%dma_start3A_207, %dma_start3A_208] : memref<10000x128xf32, #tpu.memory_space<hbm>> -> memref<10000x128xf32, #tpu.memory_space<hbm>>
    tpu.enqueue_indirect_dma source(%dma_start3A_209 : memref<10000x128xf32, #tpu.memory_space<hbm>>) target(%arg9 : memref<80x128xf32, #tpu.memory_space<vmem>>) offsets(%dma_start3A_206 : memref<80xi32, #tpu.memory_space<vmem>>) semaphore(%arg12 : memref<!tpu.dma_semaphore, #tpu.memory_space<semaphore_mem>>)
    %scan3A_210 = arith.constant 0 : i32
    %scan3A_211 = arith.constant 41 : i32
    %scan3A_212 = arith.addi %scan3A_210, %scan3A_211 : i32
    %scan3A_213 = arith.constant 1 : i32
    scf.for %scan3A_289 = %scan3A_210 to %scan3A_212 step %scan3A_213  : i32 {
      %mul3A_290 = arith.constant 1 : i32
      %mul3A_291 = arith.muli %scan3A_289, %mul3A_290 : i32
      %add3A_292 = arith.constant 0 : i32
      %add3A_293 = arith.addi %add3A_292, %mul3A_291 : i32
      %mul3A_294 = arith.constant 3 : i32
      %mul3A_295 = arith.muli %mul3A_294, %add3A_293 : i32
      %add3A_296 = arith.constant 2 : i32
      %add3A_297 = arith.addi %mul3A_295, %add3A_296 : i32
      %mul3A_298 = arith.constant 80 : i32
      %mul3A_299 = arith.muli %add3A_297, %mul3A_298 : i32
      %add3A_300 = arith.constant 0 : i32
      %add3A_301 = arith.addi %mul3A_299, %add3A_300 : i32
      %get3A_302 = arith.index_cast %add3A_301 : i32 to index
      %get3A_303 = tpu.vector_load %arg5[%get3A_302] {strides = array<i32>} : memref<10000xi32, #tpu.memory_space<vmem>>, vector<16xi32>,
      %and3A_304 = arith.constant 16383 : i32
      %and3A_305 = vector.broadcast %and3A_304 : i32 to vector<16xi32>
      %and3A_306 = arith.andi %get3A_303, %and3A_305 : vector<16xi32>
      %shift_right_arithmetic3A_307 = arith.constant 14 : i32
      %shift_right_arithmetic3A_308 = vector.broadcast %shift_right_arithmetic3A_307 : i32 to vector<16xi32>
      %shift_right_arithmetic3A_309 = arith.shrsi %get3A_303, %shift_right_arithmetic3A_308 : vector<16xi32>
      %swap3A_310 = arith.constant 2 : i32
      %swap3A_311 = arith.index_cast %swap3A_310 : i32 to index
      %swap3A_312 = arith.constant 0 : index
      %swap3A_313 = tpu.vector_load %arg6[%swap3A_311, %swap3A_312] {strides = array<i32>} : memref<8x80xi32, #tpu.memory_space<vmem>>, vector<16xi32>,
      tpu.vector_store %arg6[%swap3A_311, %swap3A_312], %shift_right_arithmetic3A_309 {strides = array<i32>} : memref<8x80xi32, #tpu.memory_space<vmem>>, vector<16xi32>,
      %swap3A_314 = arith.constant 2 : i32
      %swap3A_315 = arith.index_cast %swap3A_314 : i32 to index
      %swap3A_316 = arith.constant 0 : index
      %swap3A_317 = tpu.vector_load %arg7[%swap3A_315, %swap3A_316] {strides = array<i32>} : memref<8x80xi32, #tpu.memory_space<vmem>>, vector<16xi32>,
      tpu.vector_store %arg7[%swap3A_315, %swap3A_316], %and3A_306 {strides = array<i32>} : memref<8x80xi32, #tpu.memory_space<vmem>>, vector<16xi32>,
      %mul3A_318 = arith.constant 80 : i32
      %mul3A_319 = arith.muli %add3A_297, %mul3A_318 : i32
      %add3A_320 = arith.constant 16 : i32
      %add3A_321 = arith.addi %mul3A_319, %add3A_320 : i32
      %get3A_322 = arith.index_cast %add3A_321 : i32 to index
      %get3A_323 = tpu.vector_load %arg5[%get3A_322] {strides = array<i32>} : memref<10000xi32, #tpu.memory_space<vmem>>, vector<16xi32>,
      %and3A_324 = arith.constant 16383 : i32
      %and3A_325 = vector.broadcast %and3A_324 : i32 to vector<16xi32>
      %and3A_326 = arith.andi %get3A_323, %and3A_325 : vector<16xi32>
      %shift_right_arithmetic3A_327 = arith.constant 14 : i32
      %shift_right_arithmetic3A_328 = vector.broadcast %shift_right_arithmetic3A_327 : i32 to vector<16xi32>
      %shift_right_arithmetic3A_329 = arith.shrsi %get3A_323, %shift_right_arithmetic3A_328 : vector<16xi32>
      %swap3A_330 = arith.constant 2 : i32
      %swap3A_331 = arith.index_cast %swap3A_330 : i32 to index
      %swap3A_332 = arith.constant 16 : index
      %swap3A_333 = tpu.vector_load %arg6[%swap3A_331, %swap3A_332] {strides = array<i32>} : memref<8x80xi32, #tpu.memory_space<vmem>>, vector<16xi32>,
      tpu.vector_store %arg6[%swap3A_331, %swap3A_332], %shift_right_arithmetic3A_329 {strides = array<i32>} : memref<8x80xi32, #tpu.memory_space<vmem>>, vector<16xi32>,
      %swap3A_334 = arith.constant 2 : i32
      %swap3A_335 = arith.index_cast %swap3A_334 : i32 to index
      %swap3A_336 = arith.constant 16 : index
      %swap3A_337 = tpu.vector_load %arg7[%swap3A_335, %swap3A_336] {strides = array<i32>} : memref<8x80xi32, #tpu.memory_space<vmem>>, vector<16xi32>,
      tpu.vector_store %arg7[%swap3A_335, %swap3A_336], %and3A_326 {strides = array<i32>} : memref<8x80xi32, #tpu.memory_space<vmem>>, vector<16xi32>,
      %mul3A_338 = arith.constant 80 : i32
      %mul3A_339 = arith.muli %add3A_297, %mul3A_338 : i32
      %add3A_340 = arith.constant 32 : i32
      %add3A_341 = arith.addi %mul3A_339, %add3A_340 : i32
      %get3A_342 = arith.index_cast %add3A_341 : i32 to index
      %get3A_343 = tpu.vector_load %arg5[%get3A_342] {strides = array<i32>} : memref<10000xi32, #tpu.memory_space<vmem>>, vector<16xi32>,
      %and3A_344 = arith.constant 16383 : i32
      %and3A_345 = vector.broadcast %and3A_344 : i32 to vector<16xi32>
      %and3A_346 = arith.andi %get3A_343, %and3A_345 : vector<16xi32>
      %shift_right_arithmetic3A_347 = arith.constant 14 : i32
      %shift_right_arithmetic3A_348 = vector.broadcast %shift_right_arithmetic3A_347 : i32 to vector<16xi32>
      %shift_right_arithmetic3A_349 = arith.shrsi %get3A_343, %shift_right_arithmetic3A_348 : vector<16xi32>
      %swap3A_350 = arith.constant 2 : i32
      %swap3A_351 = arith.index_cast %swap3A_350 : i32 to index
      %swap3A_352 = arith.constant 32 : index
      %swap3A_353 = tpu.vector_load %arg6[%swap3A_351, %swap3A_352] {strides = array<i32>} : memref<8x80xi32, #tpu.memory_space<vmem>>, vector<16xi32>,
      tpu.vector_store %arg6[%swap3A_351, %swap3A_352], %shift_right_arithmetic3A_349 {strides = array<i32>} : memref<8x80xi32, #tpu.memory_space<vmem>>, vector<16xi32>,
      %swap3A_354 = arith.constant 2 : i32
      %swap3A_355 = arith.index_cast %swap3A_354 : i32 to index
      %swap3A_356 = arith.constant 32 : index
      %swap3A_357 = tpu.vector_load %arg7[%swap3A_355, %swap3A_356] {strides = array<i32>} : memref<8x80xi32, #tpu.memory_space<vmem>>, vector<16xi32>,
      tpu.vector_store %arg7[%swap3A_355, %swap3A_356], %and3A_346 {strides = array<i32>} : memref<8x80xi32, #tpu.memory_space<vmem>>, vector<16xi32>,
      %mul3A_358 = arith.constant 80 : i32
      %mul3A_359 = arith.muli %add3A_297, %mul3A_358 : i32
      %add3A_360 = arith.constant 48 : i32
      %add3A_361 = arith.addi %mul3A_359, %add3A_360 : i32
      %get3A_362 = arith.index_cast %add3A_361 : i32 to index
      %get3A_363 = tpu.vector_load %arg5[%get3A_362] {strides = array<i32>} : memref<10000xi32, #tpu.memory_space<vmem>>, vector<16xi32>,
      %and3A_364 = arith.constant 16383 : i32
      %and3A_365 = vector.broadcast %and3A_364 : i32 to vector<16xi32>
      %and3A_366 = arith.andi %get3A_363, %and3A_365 : vector<16xi32>
      %shift_right_arithmetic3A_367 = arith.constant 14 : i32
      %shift_right_arithmetic3A_368 = vector.broadcast %shift_right_arithmetic3A_367 : i32 to vector<16xi32>
      %shift_right_arithmetic3A_369 = arith.shrsi %get3A_363, %shift_right_arithmetic3A_368 : vector<16xi32>
      %swap3A_370 = arith.constant 2 : i32
      %swap3A_371 = arith.index_cast %swap3A_370 : i32 to index
      %swap3A_372 = arith.constant 48 : index
      %swap3A_373 = tpu.vector_load %arg6[%swap3A_371, %swap3A_372] {strides = array<i32>} : memref<8x80xi32, #tpu.memory_space<vmem>>, vector<16xi32>,
      tpu.vector_store %arg6[%swap3A_371, %swap3A_372], %shift_right_arithmetic3A_369 {strides = array<i32>} : memref<8x80xi32, #tpu.memory_space<vmem>>, vector<16xi32>,
      %swap3A_374 = arith.constant 2 : i32
      %swap3A_375 = arith.index_cast %swap3A_374 : i32 to index
      %swap3A_376 = arith.constant 48 : index
      %swap3A_377 = tpu.vector_load %arg7[%swap3A_375, %swap3A_376] {strides = array<i32>} : memref<8x80xi32, #tpu.memory_space<vmem>>, vector<16xi32>,
      tpu.vector_store %arg7[%swap3A_375, %swap3A_376], %and3A_366 {strides = array<i32>} : memref<8x80xi32, #tpu.memory_space<vmem>>, vector<16xi32>,
      %mul3A_378 = arith.constant 80 : i32
      %mul3A_379 = arith.muli %add3A_297, %mul3A_378 : i32
      %add3A_380 = arith.constant 64 : i32
      %add3A_381 = arith.addi %mul3A_379, %add3A_380 : i32
      %get3A_382 = arith.index_cast %add3A_381 : i32 to index
      %get3A_383 = tpu.vector_load %arg5[%get3A_382] {strides = array<i32>} : memref<10000xi32, #tpu.memory_space<vmem>>, vector<16xi32>,
      %and3A_384 = arith.constant 16383 : i32
      %and3A_385 = vector.broadcast %and3A_384 : i32 to vector<16xi32>
      %and3A_386 = arith.andi %get3A_383, %and3A_385 : vector<16xi32>
      %shift_right_arithmetic3A_387 = arith.constant 14 : i32
      %shift_right_arithmetic3A_388 = vector.broadcast %shift_right_arithmetic3A_387 : i32 to vector<16xi32>
      %shift_right_arithmetic3A_389 = arith.shrsi %get3A_383, %shift_right_arithmetic3A_388 : vector<16xi32>
      %swap3A_390 = arith.constant 2 : i32
      %swap3A_391 = arith.index_cast %swap3A_390 : i32 to index
      %swap3A_392 = arith.constant 64 : index
      %swap3A_393 = tpu.vector_load %arg6[%swap3A_391, %swap3A_392] {strides = array<i32>} : memref<8x80xi32, #tpu.memory_space<vmem>>, vector<16xi32>,
      tpu.vector_store %arg6[%swap3A_391, %swap3A_392], %shift_right_arithmetic3A_389 {strides = array<i32>} : memref<8x80xi32, #tpu.memory_space<vmem>>, vector<16xi32>,
      %swap3A_394 = arith.constant 2 : i32
      %swap3A_395 = arith.index_cast %swap3A_394 : i32 to index
      %swap3A_396 = arith.constant 64 : index
      %swap3A_397 = tpu.vector_load %arg7[%swap3A_395, %swap3A_396] {strides = array<i32>} : memref<8x80xi32, #tpu.memory_space<vmem>>, vector<16xi32>,
      tpu.vector_store %arg7[%swap3A_395, %swap3A_396], %and3A_386 {strides = array<i32>} : memref<8x80xi32, #tpu.memory_space<vmem>>, vector<16xi32>,
      %dma_wait3A_398 = arith.constant 0 : i32
      %dma_wait3A_399 = arith.constant 0 : i32
      %dma_wait3A_400 = tpu.memref_slice %arg6[%dma_wait3A_398, %dma_wait3A_399] : memref<8x80xi32, #tpu.memory_space<vmem>> -> memref<1x80xi32, #tpu.memory_space<vmem>>
      %dma_wait3A_401 = tpu.memref_squeeze %dma_wait3A_400 : memref<1x80xi32, #tpu.memory_space<vmem>> -> memref<80xi32, #tpu.memory_space<vmem>>
      %dma_wait3A_402 = arith.constant 0 : i32
      %dma_wait3A_403 = arith.constant 0 : i32
      %dma_wait3A_404 = tpu.memref_slice %arg2[%dma_wait3A_402, %dma_wait3A_403] : memref<10000x128xf32, #tpu.memory_space<hbm>> -> memref<10000x128xf32, #tpu.memory_space<hbm>>
      tpu.wait_indirect_dma semaphore(%arg11 : memref<!tpu.dma_semaphore, #tpu.memory_space<semaphore_mem>>) src(%dma_wait3A_404 : memref<10000x128xf32, #tpu.memory_space<hbm>>) dst(%arg8 : memref<80x128xf32, #tpu.memory_space<vmem>>)
      %dma_start3A_405 = arith.constant 2 : i32
      %dma_start3A_406 = arith.constant 0 : i32
      %dma_start3A_407 = tpu.memref_slice %arg6[%dma_start3A_405, %dma_start3A_406] : memref<8x80xi32, #tpu.memory_space<vmem>> -> memref<1x80xi32, #tpu.memory_space<vmem>>
      %dma_start3A_408 = tpu.memref_squeeze %dma_start3A_407 : memref<1x80xi32, #tpu.memory_space<vmem>> -> memref<80xi32, #tpu.memory_space<vmem>>
      %dma_start3A_409 = arith.constant 0 : i32
      %dma_start3A_410 = arith.constant 0 : i32
      %dma_start3A_411 = tpu.memref_slice %arg2[%dma_start3A_409, %dma_start3A_410] : memref<10000x128xf32, #tpu.memory_space<hbm>> -> memref<10000x128xf32, #tpu.memory_space<hbm>>
      tpu.enqueue_indirect_dma source(%dma_start3A_411 : memref<10000x128xf32, #tpu.memory_space<hbm>>) target(%arg10 : memref<80x128xf32, #tpu.memory_space<vmem>>) offsets(%dma_start3A_408 : memref<80xi32, #tpu.memory_space<vmem>>) semaphore(%arg13 : memref<!tpu.dma_semaphore, #tpu.memory_space<semaphore_mem>>)
      %run_scoped3A_412 = arith.constant 0 : i32
      "tpu.region"() ({
        %run_scoped3A_651 = tpu.sem_alloc : memref<!tpu.dma_semaphore, #tpu.memory_space<semaphore_mem>>
        %dma_start3A_652 = arith.constant 0 : i32
        %dma_start3A_653 = tpu.memref_slice %arg7[%run_scoped3A_412, %dma_start3A_652] : memref<8x80xi32, #tpu.memory_space<vmem>> -> memref<1x80xi32, #tpu.memory_space<vmem>>
        %dma_start3A_654 = tpu.memref_squeeze %dma_start3A_653 : memref<1x80xi32, #tpu.memory_space<vmem>> -> memref<80xi32, #tpu.memory_space<vmem>>
        %dma_start3A_655 = arith.constant 0 : i32
        %dma_start3A_656 = arith.constant 0 : i32
        %dma_start3A_657 = tpu.memref_slice %arg14[%dma_start3A_655, %dma_start3A_656] : memref<10000x128xf32, #tpu.memory_space<vmem_shared>> -> memref<10000x128xf32, #tpu.memory_space<vmem_shared>>
        tpu.enqueue_indirect_dma source(%arg8 : memref<80x128xf32, #tpu.memory_space<vmem>>) target(%dma_start3A_657 : memref<10000x128xf32, #tpu.memory_space<vmem_shared>>) offsets(%dma_start3A_654 : memref<80xi32, #tpu.memory_space<vmem>>) semaphore(%run_scoped3A_651 : memref<!tpu.dma_semaphore, #tpu.memory_space<semaphore_mem>>) {add = true}
        %dma_wait3A_658 = arith.constant 0 : i32
        %dma_wait3A_659 = tpu.memref_slice %arg7[%run_scoped3A_412, %dma_wait3A_658] : memref<8x80xi32, #tpu.memory_space<vmem>> -> memref<1x80xi32, #tpu.memory_space<vmem>>
        %dma_wait3A_660 = tpu.memref_squeeze %dma_wait3A_659 : memref<1x80xi32, #tpu.memory_space<vmem>> -> memref<80xi32, #tpu.memory_space<vmem>>
        %dma_wait3A_661 = arith.constant 0 : i32
        %dma_wait3A_662 = arith.constant 0 : i32
        %dma_wait3A_663 = tpu.memref_slice %arg14[%dma_wait3A_661, %dma_wait3A_662] : memref<10000x128xf32, #tpu.memory_space<vmem_shared>> -> memref<10000x128xf32, #tpu.memory_space<vmem_shared>>
        tpu.wait_indirect_dma semaphore(%run_scoped3A_651 : memref<!tpu.dma_semaphore, #tpu.memory_space<semaphore_mem>>) src(%arg8 : memref<80x128xf32, #tpu.memory_space<vmem>>) dst(%dma_wait3A_663 : memref<10000x128xf32, #tpu.memory_space<vmem_shared>>)
        tpu.yield
      }) : () -> ()
      %add3A_413 = arith.constant 1 : i32
      %add3A_414 = arith.addi %mul3A_295, %add3A_413 : i32
      %add3A_415 = arith.constant 2 : i32
      %add3A_416 = arith.addi %add3A_414, %add3A_415 : i32
      %mul3A_417 = arith.constant 80 : i32
      %mul3A_418 = arith.muli %add3A_416, %mul3A_417 : i32
      %add3A_419 = arith.constant 0 : i32
      %add3A_420 = arith.addi %mul3A_418, %add3A_419 : i32
      %get3A_421 = arith.index_cast %add3A_420 : i32 to index
      %get3A_422 = tpu.vector_load %arg5[%get3A_421] {strides = array<i32>} : memref<10000xi32, #tpu.memory_space<vmem>>, vector<16xi32>,
      %and3A_423 = arith.constant 16383 : i32
      %and3A_424 = vector.broadcast %and3A_423 : i32 to vector<16xi32>
      %and3A_425 = arith.andi %get3A_422, %and3A_424 : vector<16xi32>
      %shift_right_arithmetic3A_426 = arith.constant 14 : i32
      %shift_right_arithmetic3A_427 = vector.broadcast %shift_right_arithmetic3A_426 : i32 to vector<16xi32>
      %shift_right_arithmetic3A_428 = arith.shrsi %get3A_422, %shift_right_arithmetic3A_427 : vector<16xi32>
      %swap3A_429 = arith.constant 0 : i32
      %swap3A_430 = arith.index_cast %swap3A_429 : i32 to index
      %swap3A_431 = arith.constant 0 : index
      %swap3A_432 = tpu.vector_load %arg6[%swap3A_430, %swap3A_431] {strides = array<i32>} : memref<8x80xi32, #tpu.memory_space<vmem>>, vector<16xi32>,
      tpu.vector_store %arg6[%swap3A_430, %swap3A_431], %shift_right_arithmetic3A_428 {strides = array<i32>} : memref<8x80xi32, #tpu.memory_space<vmem>>, vector<16xi32>,
      %swap3A_433 = arith.constant 0 : i32
      %swap3A_434 = arith.index_cast %swap3A_433 : i32 to index
      %swap3A_435 = arith.constant 0 : index
      %swap3A_436 = tpu.vector_load %arg7[%swap3A_434, %swap3A_435] {strides = array<i32>} : memref<8x80xi32, #tpu.memory_space<vmem>>, vector<16xi32>,
      tpu.vector_store %arg7[%swap3A_434, %swap3A_435], %and3A_425 {strides = array<i32>} : memref<8x80xi32, #tpu.memory_space<vmem>>, vector<16xi32>,
      %mul3A_437 = arith.constant 80 : i32
      %mul3A_438 = arith.muli %add3A_416, %mul3A_437 : i32
      %add3A_439 = arith.constant 16 : i32
      %add3A_440 = arith.addi %mul3A_438, %add3A_439 : i32
      %get3A_441 = arith.index_cast %add3A_440 : i32 to index
      %get3A_442 = tpu.vector_load %arg5[%get3A_441] {strides = array<i32>} : memref<10000xi32, #tpu.memory_space<vmem>>, vector<16xi32>,
      %and3A_443 = arith.constant 16383 : i32
      %and3A_444 = vector.broadcast %and3A_443 : i32 to vector<16xi32>
      %and3A_445 = arith.andi %get3A_442, %and3A_444 : vector<16xi32>
      %shift_right_arithmetic3A_446 = arith.constant 14 : i32
      %shift_right_arithmetic3A_447 = vector.broadcast %shift_right_arithmetic3A_446 : i32 to vector<16xi32>
      %shift_right_arithmetic3A_448 = arith.shrsi %get3A_442, %shift_right_arithmetic3A_447 : vector<16xi32>
      %swap3A_449 = arith.constant 0 : i32
      %swap3A_450 = arith.index_cast %swap3A_449 : i32 to index
      %swap3A_451 = arith.constant 16 : index
      %swap3A_452 = tpu.vector_load %arg6[%swap3A_450, %swap3A_451] {strides = array<i32>} : memref<8x80xi32, #tpu.memory_space<vmem>>, vector<16xi32>,
      tpu.vector_store %arg6[%swap3A_450, %swap3A_451], %shift_right_arithmetic3A_448 {strides = array<i32>} : memref<8x80xi32, #tpu.memory_space<vmem>>, vector<16xi32>,
      %swap3A_453 = arith.constant 0 : i32
      %swap3A_454 = arith.index_cast %swap3A_453 : i32 to index
      %swap3A_455 = arith.constant 16 : index
      %swap3A_456 = tpu.vector_load %arg7[%swap3A_454, %swap3A_455] {strides = array<i32>} : memref<8x80xi32, #tpu.memory_space<vmem>>, vector<16xi32>,
      tpu.vector_store %arg7[%swap3A_454, %swap3A_455], %and3A_445 {strides = array<i32>} : memref<8x80xi32, #tpu.memory_space<vmem>>, vector<16xi32>,
      %mul3A_457 = arith.constant 80 : i32
      %mul3A_458 = arith.muli %add3A_416, %mul3A_457 : i32
      %add3A_459 = arith.constant 32 : i32
      %add3A_460 = arith.addi %mul3A_458, %add3A_459 : i32
      %get3A_461 = arith.index_cast %add3A_460 : i32 to index
      %get3A_462 = tpu.vector_load %arg5[%get3A_461] {strides = array<i32>} : memref<10000xi32, #tpu.memory_space<vmem>>, vector<16xi32>,
      %and3A_463 = arith.constant 16383 : i32
      %and3A_464 = vector.broadcast %and3A_463 : i32 to vector<16xi32>
      %and3A_465 = arith.andi %get3A_462, %and3A_464 : vector<16xi32>
      %shift_right_arithmetic3A_466 = arith.constant 14 : i32
      %shift_right_arithmetic3A_467 = vector.broadcast %shift_right_arithmetic3A_466 : i32 to vector<16xi32>
      %shift_right_arithmetic3A_468 = arith.shrsi %get3A_462, %shift_right_arithmetic3A_467 : vector<16xi32>
      %swap3A_469 = arith.constant 0 : i32
      %swap3A_470 = arith.index_cast %swap3A_469 : i32 to index
      %swap3A_471 = arith.constant 32 : index
      %swap3A_472 = tpu.vector_load %arg6[%swap3A_470, %swap3A_471] {strides = array<i32>} : memref<8x80xi32, #tpu.memory_space<vmem>>, vector<16xi32>,
      tpu.vector_store %arg6[%swap3A_470, %swap3A_471], %shift_right_arithmetic3A_468 {strides = array<i32>} : memref<8x80xi32, #tpu.memory_space<vmem>>, vector<16xi32>,
      %swap3A_473 = arith.constant 0 : i32
      %swap3A_474 = arith.index_cast %swap3A_473 : i32 to index
      %swap3A_475 = arith.constant 32 : index
      %swap3A_476 = tpu.vector_load %arg7[%swap3A_474, %swap3A_475] {strides = array<i32>} : memref<8x80xi32, #tpu.memory_space<vmem>>, vector<16xi32>,
      tpu.vector_store %arg7[%swap3A_474, %swap3A_475], %and3A_465 {strides = array<i32>} : memref<8x80xi32, #tpu.memory_space<vmem>>, vector<16xi32>,
      %mul3A_477 = arith.constant 80 : i32
      %mul3A_478 = arith.muli %add3A_416, %mul3A_477 : i32
      %add3A_479 = arith.constant 48 : i32
      %add3A_480 = arith.addi %mul3A_478, %add3A_479 : i32
      %get3A_481 = arith.index_cast %add3A_480 : i32 to index
      %get3A_482 = tpu.vector_load %arg5[%get3A_481] {strides = array<i32>} : memref<10000xi32, #tpu.memory_space<vmem>>, vector<16xi32>,
      %and3A_483 = arith.constant 16383 : i32
      %and3A_484 = vector.broadcast %and3A_483 : i32 to vector<16xi32>
      %and3A_485 = arith.andi %get3A_482, %and3A_484 : vector<16xi32>
      %shift_right_arithmetic3A_486 = arith.constant 14 : i32
      %shift_right_arithmetic3A_487 = vector.broadcast %shift_right_arithmetic3A_486 : i32 to vector<16xi32>
      %shift_right_arithmetic3A_488 = arith.shrsi %get3A_482, %shift_right_arithmetic3A_487 : vector<16xi32>
      %swap3A_489 = arith.constant 0 : i32
      %swap3A_490 = arith.index_cast %swap3A_489 : i32 to index
      %swap3A_491 = arith.constant 48 : index
      %swap3A_492 = tpu.vector_load %arg6[%swap3A_490, %swap3A_491] {strides = array<i32>} : memref<8x80xi32, #tpu.memory_space<vmem>>, vector<16xi32>,
      tpu.vector_store %arg6[%swap3A_490, %swap3A_491], %shift_right_arithmetic3A_488 {strides = array<i32>} : memref<8x80xi32, #tpu.memory_space<vmem>>, vector<16xi32>,
      %swap3A_493 = arith.constant 0 : i32
      %swap3A_494 = arith.index_cast %swap3A_493 : i32 to index
      %swap3A_495 = arith.constant 48 : index
      %swap3A_496 = tpu.vector_load %arg7[%swap3A_494, %swap3A_495] {strides = array<i32>} : memref<8x80xi32, #tpu.memory_space<vmem>>, vector<16xi32>,
      tpu.vector_store %arg7[%swap3A_494, %swap3A_495], %and3A_485 {strides = array<i32>} : memref<8x80xi32, #tpu.memory_space<vmem>>, vector<16xi32>,
      %mul3A_497 = arith.constant 80 : i32
      %mul3A_498 = arith.muli %add3A_416, %mul3A_497 : i32
      %add3A_499 = arith.constant 64 : i32
      %add3A_500 = arith.addi %mul3A_498, %add3A_499 : i32
      %get3A_501 = arith.index_cast %add3A_500 : i32 to index
      %get3A_502 = tpu.vector_load %arg5[%get3A_501] {strides = array<i32>} : memref<10000xi32, #tpu.memory_space<vmem>>, vector<16xi32>,
      %and3A_503 = arith.constant 16383 : i32
      %and3A_504 = vector.broadcast %and3A_503 : i32 to vector<16xi32>
      %and3A_505 = arith.andi %get3A_502, %and3A_504 : vector<16xi32>
      %shift_right_arithmetic3A_506 = arith.constant 14 : i32
      %shift_right_arithmetic3A_507 = vector.broadcast %shift_right_arithmetic3A_506 : i32 to vector<16xi32>
      %shift_right_arithmetic3A_508 = arith.shrsi %get3A_502, %shift_right_arithmetic3A_507 : vector<16xi32>
      %swap3A_509 = arith.constant 0 : i32
      %swap3A_510 = arith.index_cast %swap3A_509 : i32 to index
      %swap3A_511 = arith.constant 64 : index
      %swap3A_512 = tpu.vector_load %arg6[%swap3A_510, %swap3A_511] {strides = array<i32>} : memref<8x80xi32, #tpu.memory_space<vmem>>, vector<16xi32>,
      tpu.vector_store %arg6[%swap3A_510, %swap3A_511], %shift_right_arithmetic3A_508 {strides = array<i32>} : memref<8x80xi32, #tpu.memory_space<vmem>>, vector<16xi32>,
      %swap3A_513 = arith.constant 0 : i32
      %swap3A_514 = arith.index_cast %swap3A_513 : i32 to index
      %swap3A_515 = arith.constant 64 : index
      %swap3A_516 = tpu.vector_load %arg7[%swap3A_514, %swap3A_515] {strides = array<i32>} : memref<8x80xi32, #tpu.memory_space<vmem>>, vector<16xi32>,
      tpu.vector_store %arg7[%swap3A_514, %swap3A_515], %and3A_505 {strides = array<i32>} : memref<8x80xi32, #tpu.memory_space<vmem>>, vector<16xi32>,
      %dma_wait3A_517 = arith.constant 1 : i32
      %dma_wait3A_518 = arith.constant 0 : i32
      %dma_wait3A_519 = tpu.memref_slice %arg6[%dma_wait3A_517, %dma_wait3A_518] : memref<8x80xi32, #tpu.memory_space<vmem>> -> memref<1x80xi32, #tpu.memory_space<vmem>>
      %dma_wait3A_520 = tpu.memref_squeeze %dma_wait3A_519 : memref<1x80xi32, #tpu.memory_space<vmem>> -> memref<80xi32, #tpu.memory_space<vmem>>
      %dma_wait3A_521 = arith.constant 0 : i32
      %dma_wait3A_522 = arith.constant 0 : i32
      %dma_wait3A_523 = tpu.memref_slice %arg2[%dma_wait3A_521, %dma_wait3A_522] : memref<10000x128xf32, #tpu.memory_space<hbm>> -> memref<10000x128xf32, #tpu.memory_space<hbm>>
      tpu.wait_indirect_dma semaphore(%arg12 : memref<!tpu.dma_semaphore, #tpu.memory_space<semaphore_mem>>) src(%dma_wait3A_523 : memref<10000x128xf32, #tpu.memory_space<hbm>>) dst(%arg9 : memref<80x128xf32, #tpu.memory_space<vmem>>)
      %dma_start3A_524 = arith.constant 0 : i32
      %dma_start3A_525 = arith.constant 0 : i32
      %dma_start3A_526 = tpu.memref_slice %arg6[%dma_start3A_524, %dma_start3A_525] : memref<8x80xi32, #tpu.memory_space<vmem>> -> memref<1x80xi32, #tpu.memory_space<vmem>>
      %dma_start3A_527 = tpu.memref_squeeze %dma_start3A_526 : memref<1x80xi32, #tpu.memory_space<vmem>> -> memref<80xi32, #tpu.memory_space<vmem>>
      %dma_start3A_528 = arith.constant 0 : i32
      %dma_start3A_529 = arith.constant 0 : i32
      %dma_start3A_530 = tpu.memref_slice %arg2[%dma_start3A_528, %dma_start3A_529] : memref<10000x128xf32, #tpu.memory_space<hbm>> -> memref<10000x128xf32, #tpu.memory_space<hbm>>
      tpu.enqueue_indirect_dma source(%dma_start3A_530 : memref<10000x128xf32, #tpu.memory_space<hbm>>) target(%arg8 : memref<80x128xf32, #tpu.memory_space<vmem>>) offsets(%dma_start3A_527 : memref<80xi32, #tpu.memory_space<vmem>>) semaphore(%arg11 : memref<!tpu.dma_semaphore, #tpu.memory_space<semaphore_mem>>)
      %run_scoped3A_531 = arith.constant 1 : i32
      "tpu.region"() ({
        %run_scoped3A_651 = tpu.sem_alloc : memref<!tpu.dma_semaphore, #tpu.memory_space<semaphore_mem>>
        %dma_start3A_652 = arith.constant 0 : i32
        %dma_start3A_653 = tpu.memref_slice %arg7[%run_scoped3A_531, %dma_start3A_652] : memref<8x80xi32, #tpu.memory_space<vmem>> -> memref<1x80xi32, #tpu.memory_space<vmem>>
        %dma_start3A_654 = tpu.memref_squeeze %dma_start3A_653 : memref<1x80xi32, #tpu.memory_space<vmem>> -> memref<80xi32, #tpu.memory_space<vmem>>
        %dma_start3A_655 = arith.constant 0 : i32
        %dma_start3A_656 = arith.constant 0 : i32
        %dma_start3A_657 = tpu.memref_slice %arg14[%dma_start3A_655, %dma_start3A_656] : memref<10000x128xf32, #tpu.memory_space<vmem_shared>> -> memref<10000x128xf32, #tpu.memory_space<vmem_shared>>
        tpu.enqueue_indirect_dma source(%arg9 : memref<80x128xf32, #tpu.memory_space<vmem>>) target(%dma_start3A_657 : memref<10000x128xf32, #tpu.memory_space<vmem_shared>>) offsets(%dma_start3A_654 : memref<80xi32, #tpu.memory_space<vmem>>) semaphore(%run_scoped3A_651 : memref<!tpu.dma_semaphore, #tpu.memory_space<semaphore_mem>>) {add = true}
        %dma_wait3A_658 = arith.constant 0 : i32
        %dma_wait3A_659 = tpu.memref_slice %arg7[%run_scoped3A_531, %dma_wait3A_658] : memref<8x80xi32, #tpu.memory_space<vmem>> -> memref<1x80xi32, #tpu.memory_space<vmem>>
        %dma_wait3A_660 = tpu.memref_squeeze %dma_wait3A_659 : memref<1x80xi32, #tpu.memory_space<vmem>> -> memref<80xi32, #tpu.memory_space<vmem>>
        %dma_wait3A_661 = arith.constant 0 : i32
        %dma_wait3A_662 = arith.constant 0 : i32
        %dma_wait3A_663 = tpu.memref_slice %arg14[%dma_wait3A_661, %dma_wait3A_662] : memref<10000x128xf32, #tpu.memory_space<vmem_shared>> -> memref<10000x128xf32, #tpu.memory_space<vmem_shared>>
        tpu.wait_indirect_dma semaphore(%run_scoped3A_651 : memref<!tpu.dma_semaphore, #tpu.memory_space<semaphore_mem>>) src(%arg9 : memref<80x128xf32, #tpu.memory_space<vmem>>) dst(%dma_wait3A_663 : memref<10000x128xf32, #tpu.memory_space<vmem_shared>>)
        tpu.yield
      }) : () -> ()
      %add3A_532 = arith.constant 2 : i32
      %add3A_533 = arith.addi %mul3A_295, %add3A_532 : i32
      %add3A_534 = arith.constant 2 : i32
      %add3A_535 = arith.addi %add3A_533, %add3A_534 : i32
      %mul3A_536 = arith.constant 80 : i32
      %mul3A_537 = arith.muli %add3A_535, %mul3A_536 : i32
      %add3A_538 = arith.constant 0 : i32
      %add3A_539 = arith.addi %mul3A_537, %add3A_538 : i32
      %get3A_540 = arith.index_cast %add3A_539 : i32 to index
      %get3A_541 = tpu.vector_load %arg5[%get3A_540] {strides = array<i32>} : memref<10000xi32, #tpu.memory_space<vmem>>, vector<16xi32>,
      %and3A_542 = arith.constant 16383 : i32
      %and3A_543 = vector.broadcast %and3A_542 : i32 to vector<16xi32>
      %and3A_544 = arith.andi %get3A_541, %and3A_543 : vector<16xi32>
      %shift_right_arithmetic3A_545 = arith.constant 14 : i32
      %shift_right_arithmetic3A_546 = vector.broadcast %shift_right_arithmetic3A_545 : i32 to vector<16xi32>
      %shift_right_arithmetic3A_547 = arith.shrsi %get3A_541, %shift_right_arithmetic3A_546 : vector<16xi32>
      %swap3A_548 = arith.constant 1 : i32
      %swap3A_549 = arith.index_cast %swap3A_548 : i32 to index
      %swap3A_550 = arith.constant 0 : index
      %swap3A_551 = tpu.vector_load %arg6[%swap3A_549, %swap3A_550] {strides = array<i32>} : memref<8x80xi32, #tpu.memory_space<vmem>>, vector<16xi32>,
      tpu.vector_store %arg6[%swap3A_549, %swap3A_550], %shift_right_arithmetic3A_547 {strides = array<i32>} : memref<8x80xi32, #tpu.memory_space<vmem>>, vector<16xi32>,
      %swap3A_552 = arith.constant 1 : i32
      %swap3A_553 = arith.index_cast %swap3A_552 : i32 to index
      %swap3A_554 = arith.constant 0 : index
      %swap3A_555 = tpu.vector_load %arg7[%swap3A_553, %swap3A_554] {strides = array<i32>} : memref<8x80xi32, #tpu.memory_space<vmem>>, vector<16xi32>,
      tpu.vector_store %arg7[%swap3A_553, %swap3A_554], %and3A_544 {strides = array<i32>} : memref<8x80xi32, #tpu.memory_space<vmem>>, vector<16xi32>,
      %mul3A_556 = arith.constant 80 : i32
      %mul3A_557 = arith.muli %add3A_535, %mul3A_556 : i32
      %add3A_558 = arith.constant 16 : i32
      %add3A_559 = arith.addi %mul3A_557, %add3A_558 : i32
      %get3A_560 = arith.index_cast %add3A_559 : i32 to index
      %get3A_561 = tpu.vector_load %arg5[%get3A_560] {strides = array<i32>} : memref<10000xi32, #tpu.memory_space<vmem>>, vector<16xi32>,
      %and3A_562 = arith.constant 16383 : i32
      %and3A_563 = vector.broadcast %and3A_562 : i32 to vector<16xi32>
      %and3A_564 = arith.andi %get3A_561, %and3A_563 : vector<16xi32>
      %shift_right_arithmetic3A_565 = arith.constant 14 : i32
      %shift_right_arithmetic3A_566 = vector.broadcast %shift_right_arithmetic3A_565 : i32 to vector<16xi32>
      %shift_right_arithmetic3A_567 = arith.shrsi %get3A_561, %shift_right_arithmetic3A_566 : vector<16xi32>
      %swap3A_568 = arith.constant 1 : i32
      %swap3A_569 = arith.index_cast %swap3A_568 : i32 to index
      %swap3A_570 = arith.constant 16 : index
      %swap3A_571 = tpu.vector_load %arg6[%swap3A_569, %swap3A_570] {strides = array<i32>} : memref<8x80xi32, #tpu.memory_space<vmem>>, vector<16xi32>,
      tpu.vector_store %arg6[%swap3A_569, %swap3A_570], %shift_right_arithmetic3A_567 {strides = array<i32>} : memref<8x80xi32, #tpu.memory_space<vmem>>, vector<16xi32>,
      %swap3A_572 = arith.constant 1 : i32
      %swap3A_573 = arith.index_cast %swap3A_572 : i32 to index
      %swap3A_574 = arith.constant 16 : index
      %swap3A_575 = tpu.vector_load %arg7[%swap3A_573, %swap3A_574] {strides = array<i32>} : memref<8x80xi32, #tpu.memory_space<vmem>>, vector<16xi32>,
      tpu.vector_store %arg7[%swap3A_573, %swap3A_574], %and3A_564 {strides = array<i32>} : memref<8x80xi32, #tpu.memory_space<vmem>>, vector<16xi32>,
      %mul3A_576 = arith.constant 80 : i32
      %mul3A_577 = arith.muli %add3A_535, %mul3A_576 : i32
      %add3A_578 = arith.constant 32 : i32
      %add3A_579 = arith.addi %mul3A_577, %add3A_578 : i32
      %get3A_580 = arith.index_cast %add3A_579 : i32 to index
      %get3A_581 = tpu.vector_load %arg5[%get3A_580] {strides = array<i32>} : memref<10000xi32, #tpu.memory_space<vmem>>, vector<16xi32>,
      %and3A_582 = arith.constant 16383 : i32
      %and3A_583 = vector.broadcast %and3A_582 : i32 to vector<16xi32>
      %and3A_584 = arith.andi %get3A_581, %and3A_583 : vector<16xi32>
      %shift_right_arithmetic3A_585 = arith.constant 14 : i32
      %shift_right_arithmetic3A_586 = vector.broadcast %shift_right_arithmetic3A_585 : i32 to vector<16xi32>
      %shift_right_arithmetic3A_587 = arith.shrsi %get3A_581, %shift_right_arithmetic3A_586 : vector<16xi32>
      %swap3A_588 = arith.constant 1 : i32
      %swap3A_589 = arith.index_cast %swap3A_588 : i32 to index
      %swap3A_590 = arith.constant 32 : index
      %swap3A_591 = tpu.vector_load %arg6[%swap3A_589, %swap3A_590] {strides = array<i32>} : memref<8x80xi32, #tpu.memory_space<vmem>>, vector<16xi32>,
      tpu.vector_store %arg6[%swap3A_589, %swap3A_590], %shift_right_arithmetic3A_587 {strides = array<i32>} : memref<8x80xi32, #tpu.memory_space<vmem>>, vector<16xi32>,
      %swap3A_592 = arith.constant 1 : i32
      %swap3A_593 = arith.index_cast %swap3A_592 : i32 to index
      %swap3A_594 = arith.constant 32 : index
      %swap3A_595 = tpu.vector_load %arg7[%swap3A_593, %swap3A_594] {strides = array<i32>} : memref<8x80xi32, #tpu.memory_space<vmem>>, vector<16xi32>,
      tpu.vector_store %arg7[%swap3A_593, %swap3A_594], %and3A_584 {strides = array<i32>} : memref<8x80xi32, #tpu.memory_space<vmem>>, vector<16xi32>,
      %mul3A_596 = arith.constant 80 : i32
      %mul3A_597 = arith.muli %add3A_535, %mul3A_596 : i32
      %add3A_598 = arith.constant 48 : i32
      %add3A_599 = arith.addi %mul3A_597, %add3A_598 : i32
      %get3A_600 = arith.index_cast %add3A_599 : i32 to index
      %get3A_601 = tpu.vector_load %arg5[%get3A_600] {strides = array<i32>} : memref<10000xi32, #tpu.memory_space<vmem>>, vector<16xi32>,
      %and3A_602 = arith.constant 16383 : i32
      %and3A_603 = vector.broadcast %and3A_602 : i32 to vector<16xi32>
      %and3A_604 = arith.andi %get3A_601, %and3A_603 : vector<16xi32>
      %shift_right_arithmetic3A_605 = arith.constant 14 : i32
      %shift_right_arithmetic3A_606 = vector.broadcast %shift_right_arithmetic3A_605 : i32 to vector<16xi32>
      %shift_right_arithmetic3A_607 = arith.shrsi %get3A_601, %shift_right_arithmetic3A_606 : vector<16xi32>
      %swap3A_608 = arith.constant 1 : i32
      %swap3A_609 = arith.index_cast %swap3A_608 : i32 to index
      %swap3A_610 = arith.constant 48 : index
      %swap3A_611 = tpu.vector_load %arg6[%swap3A_609, %swap3A_610] {strides = array<i32>} : memref<8x80xi32, #tpu.memory_space<vmem>>, vector<16xi32>,
      tpu.vector_store %arg6[%swap3A_609, %swap3A_610], %shift_right_arithmetic3A_607 {strides = array<i32>} : memref<8x80xi32, #tpu.memory_space<vmem>>, vector<16xi32>,
      %swap3A_612 = arith.constant 1 : i32
      %swap3A_613 = arith.index_cast %swap3A_612 : i32 to index
      %swap3A_614 = arith.constant 48 : index
      %swap3A_615 = tpu.vector_load %arg7[%swap3A_613, %swap3A_614] {strides = array<i32>} : memref<8x80xi32, #tpu.memory_space<vmem>>, vector<16xi32>,
      tpu.vector_store %arg7[%swap3A_613, %swap3A_614], %and3A_604 {strides = array<i32>} : memref<8x80xi32, #tpu.memory_space<vmem>>, vector<16xi32>,
      %mul3A_616 = arith.constant 80 : i32
      %mul3A_617 = arith.muli %add3A_535, %mul3A_616 : i32
      %add3A_618 = arith.constant 64 : i32
      %add3A_619 = arith.addi %mul3A_617, %add3A_618 : i32
      %get3A_620 = arith.index_cast %add3A_619 : i32 to index
      %get3A_621 = tpu.vector_load %arg5[%get3A_620] {strides = array<i32>} : memref<10000xi32, #tpu.memory_space<vmem>>, vector<16xi32>,
      %and3A_622 = arith.constant 16383 : i32
      %and3A_623 = vector.broadcast %and3A_622 : i32 to vector<16xi32>
      %and3A_624 = arith.andi %get3A_621, %and3A_623 : vector<16xi32>
      %shift_right_arithmetic3A_625 = arith.constant 14 : i32
      %shift_right_arithmetic3A_626 = vector.broadcast %shift_right_arithmetic3A_625 : i32 to vector<16xi32>
      %shift_right_arithmetic3A_627 = arith.shrsi %get3A_621, %shift_right_arithmetic3A_626 : vector<16xi32>
      %swap3A_628 = arith.constant 1 : i32
      %swap3A_629 = arith.index_cast %swap3A_628 : i32 to index
      %swap3A_630 = arith.constant 64 : index
      %swap3A_631 = tpu.vector_load %arg6[%swap3A_629, %swap3A_630] {strides = array<i32>} : memref<8x80xi32, #tpu.memory_space<vmem>>, vector<16xi32>,
      tpu.vector_store %arg6[%swap3A_629, %swap3A_630], %shift_right_arithmetic3A_627 {strides = array<i32>} : memref<8x80xi32, #tpu.memory_space<vmem>>, vector<16xi32>,
      %swap3A_632 = arith.constant 1 : i32
      %swap3A_633 = arith.index_cast %swap3A_632 : i32 to index
      %swap3A_634 = arith.constant 64 : index
      %swap3A_635 = tpu.vector_load %arg7[%swap3A_633, %swap3A_634] {strides = array<i32>} : memref<8x80xi32, #tpu.memory_space<vmem>>, vector<16xi32>,
      tpu.vector_store %arg7[%swap3A_633, %swap3A_634], %and3A_624 {strides = array<i32>} : memref<8x80xi32, #tpu.memory_space<vmem>>, vector<16xi32>,
      %dma_wait3A_636 = arith.constant 2 : i32
      %dma_wait3A_637 = arith.constant 0 : i32
      %dma_wait3A_638 = tpu.memref_slice %arg6[%dma_wait3A_636, %dma_wait3A_637] : memref<8x80xi32, #tpu.memory_space<vmem>> -> memref<1x80xi32, #tpu.memory_space<vmem>>
      %dma_wait3A_639 = tpu.memref_squeeze %dma_wait3A_638 : memref<1x80xi32, #tpu.memory_space<vmem>> -> memref<80xi32, #tpu.memory_space<vmem>>
      %dma_wait3A_640 = arith.constant 0 : i32
      %dma_wait3A_641 = arith.constant 0 : i32
      %dma_wait3A_642 = tpu.memref_slice %arg2[%dma_wait3A_640, %dma_wait3A_641] : memref<10000x128xf32, #tpu.memory_space<hbm>> -> memref<10000x128xf32, #tpu.memory_space<hbm>>
      tpu.wait_indirect_dma semaphore(%arg13 : memref<!tpu.dma_semaphore, #tpu.memory_space<semaphore_mem>>) src(%dma_wait3A_642 : memref<10000x128xf32, #tpu.memory_space<hbm>>) dst(%arg10 : memref<80x128xf32, #tpu.memory_space<vmem>>)
      %dma_start3A_643 = arith.constant 1 : i32
      %dma_start3A_644 = arith.constant 0 : i32
      %dma_start3A_645 = tpu.memref_slice %arg6[%dma_start3A_643, %dma_start3A_644] : memref<8x80xi32, #tpu.memory_space<vmem>> -> memref<1x80xi32, #tpu.memory_space<vmem>>
      %dma_start3A_646 = tpu.memref_squeeze %dma_start3A_645 : memref<1x80xi32, #tpu.memory_space<vmem>> -> memref<80xi32, #tpu.memory_space<vmem>>
      %dma_start3A_647 = arith.constant 0 : i32
      %dma_start3A_648 = arith.constant 0 : i32
      %dma_start3A_649 = tpu.memref_slice %arg2[%dma_start3A_647, %dma_start3A_648] : memref<10000x128xf32, #tpu.memory_space<hbm>> -> memref<10000x128xf32, #tpu.memory_space<hbm>>
      tpu.enqueue_indirect_dma source(%dma_start3A_649 : memref<10000x128xf32, #tpu.memory_space<hbm>>) target(%arg9 : memref<80x128xf32, #tpu.memory_space<vmem>>) offsets(%dma_start3A_646 : memref<80xi32, #tpu.memory_space<vmem>>) semaphore(%arg12 : memref<!tpu.dma_semaphore, #tpu.memory_space<semaphore_mem>>)
      %run_scoped3A_650 = arith.constant 2 : i32
      "tpu.region"() ({
        %run_scoped3A_651 = tpu.sem_alloc : memref<!tpu.dma_semaphore, #tpu.memory_space<semaphore_mem>>
        %dma_start3A_652 = arith.constant 0 : i32
        %dma_start3A_653 = tpu.memref_slice %arg7[%run_scoped3A_650, %dma_start3A_652] : memref<8x80xi32, #tpu.memory_space<vmem>> -> memref<1x80xi32, #tpu.memory_space<vmem>>
        %dma_start3A_654 = tpu.memref_squeeze %dma_start3A_653 : memref<1x80xi32, #tpu.memory_space<vmem>> -> memref<80xi32, #tpu.memory_space<vmem>>
        %dma_start3A_655 = arith.constant 0 : i32
        %dma_start3A_656 = arith.constant 0 : i32
        %dma_start3A_657 = tpu.memref_slice %arg14[%dma_start3A_655, %dma_start3A_656] : memref<10000x128xf32, #tpu.memory_space<vmem_shared>> -> memref<10000x128xf32, #tpu.memory_space<vmem_shared>>
        tpu.enqueue_indirect_dma source(%arg10 : memref<80x128xf32, #tpu.memory_space<vmem>>) target(%dma_start3A_657 : memref<10000x128xf32, #tpu.memory_space<vmem_shared>>) offsets(%dma_start3A_654 : memref<80xi32, #tpu.memory_space<vmem>>) semaphore(%run_scoped3A_651 : memref<!tpu.dma_semaphore, #tpu.memory_space<semaphore_mem>>) {add = true}
        %dma_wait3A_658 = arith.constant 0 : i32
        %dma_wait3A_659 = tpu.memref_slice %arg7[%run_scoped3A_650, %dma_wait3A_658] : memref<8x80xi32, #tpu.memory_space<vmem>> -> memref<1x80xi32, #tpu.memory_space<vmem>>
        %dma_wait3A_660 = tpu.memref_squeeze %dma_wait3A_659 : memref<1x80xi32, #tpu.memory_space<vmem>> -> memref<80xi32, #tpu.memory_space<vmem>>
        %dma_wait3A_661 = arith.constant 0 : i32
        %dma_wait3A_662 = arith.constant 0 : i32
        %dma_wait3A_663 = tpu.memref_slice %arg14[%dma_wait3A_661, %dma_wait3A_662] : memref<10000x128xf32, #tpu.memory_space<vmem_shared>> -> memref<10000x128xf32, #tpu.memory_space<vmem_shared>>
        tpu.wait_indirect_dma semaphore(%run_scoped3A_651 : memref<!tpu.dma_semaphore, #tpu.memory_space<semaphore_mem>>) src(%arg10 : memref<80x128xf32, #tpu.memory_space<vmem>>) dst(%dma_wait3A_663 : memref<10000x128xf32, #tpu.memory_space<vmem_shared>>)
        tpu.yield
      }) : () -> ()
    }
    %scan3A_214 = arith.constant 41 : i32
    %dma_wait3A = arith.constant 0 : i32
    %dma_wait3A_215 = arith.constant 0 : i32
    %dma_wait3A_216 = tpu.memref_slice %arg6[%dma_wait3A, %dma_wait3A_215] : memref<8x80xi32, #tpu.memory_space<vmem>> -> memref<1x80xi32, #tpu.memory_space<vmem>>
    %dma_wait3A_217 = tpu.memref_squeeze %dma_wait3A_216 : memref<1x80xi32, #tpu.memory_space<vmem>> -> memref<80xi32, #tpu.memory_space<vmem>>
    %dma_wait3A_218 = arith.constant 0 : i32
    %dma_wait3A_219 = arith.constant 0 : i32
    %dma_wait3A_220 = tpu.memref_slice %arg2[%dma_wait3A_218, %dma_wait3A_219] : memref<10000x128xf32, #tpu.memory_space<hbm>> -> memref<10000x128xf32, #tpu.memory_space<hbm>>
    tpu.wait_indirect_dma semaphore(%arg11 : memref<!tpu.dma_semaphore, #tpu.memory_space<semaphore_mem>>) src(%dma_wait3A_220 : memref<10000x128xf32, #tpu.memory_space<hbm>>) dst(%arg8 : memref<80x128xf32, #tpu.memory_space<vmem>>)
    %run_scoped3A = arith.constant 0 : i32
    "tpu.region"() ({
      %run_scoped3A_289 = tpu.sem_alloc : memref<!tpu.dma_semaphore, #tpu.memory_space<semaphore_mem>>
      %dma_start3A_290 = arith.constant 0 : i32
      %dma_start3A_291 = tpu.memref_slice %arg7[%run_scoped3A, %dma_start3A_290] : memref<8x80xi32, #tpu.memory_space<vmem>> -> memref<1x80xi32, #tpu.memory_space<vmem>>
      %dma_start3A_292 = tpu.memref_squeeze %dma_start3A_291 : memref<1x80xi32, #tpu.memory_space<vmem>> -> memref<80xi32, #tpu.memory_space<vmem>>
      %dma_start3A_293 = arith.constant 0 : i32
      %dma_start3A_294 = arith.constant 0 : i32
      %dma_start3A_295 = tpu.memref_slice %arg14[%dma_start3A_293, %dma_start3A_294] : memref<10000x128xf32, #tpu.memory_space<vmem_shared>> -> memref<10000x128xf32, #tpu.memory_space<vmem_shared>>
      tpu.enqueue_indirect_dma source(%arg8 : memref<80x128xf32, #tpu.memory_space<vmem>>) target(%dma_start3A_295 : memref<10000x128xf32, #tpu.memory_space<vmem_shared>>) offsets(%dma_start3A_292 : memref<80xi32, #tpu.memory_space<vmem>>) semaphore(%run_scoped3A_289 : memref<!tpu.dma_semaphore, #tpu.memory_space<semaphore_mem>>) {add = true}
      %dma_wait3A_296 = arith.constant 0 : i32
      %dma_wait3A_297 = tpu.memref_slice %arg7[%run_scoped3A, %dma_wait3A_296] : memref<8x80xi32, #tpu.memory_space<vmem>> -> memref<1x80xi32, #tpu.memory_space<vmem>>
      %dma_wait3A_298 = tpu.memref_squeeze %dma_wait3A_297 : memref<1x80xi32, #tpu.memory_space<vmem>> -> memref<80xi32, #tpu.memory_space<vmem>>
      %dma_wait3A_299 = arith.constant 0 : i32
      %dma_wait3A_300 = arith.constant 0 : i32
      %dma_wait3A_301 = tpu.memref_slice %arg14[%dma_wait3A_299, %dma_wait3A_300] : memref<10000x128xf32, #tpu.memory_space<vmem_shared>> -> memref<10000x128xf32, #tpu.memory_space<vmem_shared>>
      tpu.wait_indirect_dma semaphore(%run_scoped3A_289 : memref<!tpu.dma_semaphore, #tpu.memory_space<semaphore_mem>>) src(%arg8 : memref<80x128xf32, #tpu.memory_space<vmem>>) dst(%dma_wait3A_301 : memref<10000x128xf32, #tpu.memory_space<vmem_shared>>)
      tpu.yield
    }) : () -> ()
    %dma_wait3A_221 = arith.constant 1 : i32
    %dma_wait3A_222 = arith.constant 0 : i32
    %dma_wait3A_223 = tpu.memref_slice %arg6[%dma_wait3A_221, %dma_wait3A_222] : memref<8x80xi32, #tpu.memory_space<vmem>> -> memref<1x80xi32, #tpu.memory_space<vmem>>
    %dma_wait3A_224 = tpu.memref_squeeze %dma_wait3A_223 : memref<1x80xi32, #tpu.memory_space<vmem>> -> memref<80xi32, #tpu.memory_space<vmem>>
    %dma_wait3A_225 = arith.constant 0 : i32
    %dma_wait3A_226 = arith.constant 0 : i32
    %dma_wait3A_227 = tpu.memref_slice %arg2[%dma_wait3A_225, %dma_wait3A_226] : memref<10000x128xf32, #tpu.memory_space<hbm>> -> memref<10000x128xf32, #tpu.memory_space<hbm>>
    tpu.wait_indirect_dma semaphore(%arg12 : memref<!tpu.dma_semaphore, #tpu.memory_space<semaphore_mem>>) src(%dma_wait3A_227 : memref<10000x128xf32, #tpu.memory_space<hbm>>) dst(%arg9 : memref<80x128xf32, #tpu.memory_space<vmem>>)
    %run_scoped3A_228 = arith.constant 1 : i32
    "tpu.region"() ({
      %run_scoped3A_289 = tpu.sem_alloc : memref<!tpu.dma_semaphore, #tpu.memory_space<semaphore_mem>>
      %dma_start3A_290 = arith.constant 0 : i32
      %dma_start3A_291 = tpu.memref_slice %arg7[%run_scoped3A_228, %dma_start3A_290] : memref<8x80xi32, #tpu.memory_space<vmem>> -> memref<1x80xi32, #tpu.memory_space<vmem>>
      %dma_start3A_292 = tpu.memref_squeeze %dma_start3A_291 : memref<1x80xi32, #tpu.memory_space<vmem>> -> memref<80xi32, #tpu.memory_space<vmem>>
      %dma_start3A_293 = arith.constant 0 : i32
      %dma_start3A_294 = arith.constant 0 : i32
      %dma_start3A_295 = tpu.memref_slice %arg14[%dma_start3A_293, %dma_start3A_294] : memref<10000x128xf32, #tpu.memory_space<vmem_shared>> -> memref<10000x128xf32, #tpu.memory_space<vmem_shared>>
      tpu.enqueue_indirect_dma source(%arg9 : memref<80x128xf32, #tpu.memory_space<vmem>>) target(%dma_start3A_295 : memref<10000x128xf32, #tpu.memory_space<vmem_shared>>) offsets(%dma_start3A_292 : memref<80xi32, #tpu.memory_space<vmem>>) semaphore(%run_scoped3A_289 : memref<!tpu.dma_semaphore, #tpu.memory_space<semaphore_mem>>) {add = true}
      %dma_wait3A_296 = arith.constant 0 : i32
      %dma_wait3A_297 = tpu.memref_slice %arg7[%run_scoped3A_228, %dma_wait3A_296] : memref<8x80xi32, #tpu.memory_space<vmem>> -> memref<1x80xi32, #tpu.memory_space<vmem>>
      %dma_wait3A_298 = tpu.memref_squeeze %dma_wait3A_297 : memref<1x80xi32, #tpu.memory_space<vmem>> -> memref<80xi32, #tpu.memory_space<vmem>>
      %dma_wait3A_299 = arith.constant 0 : i32
      %dma_wait3A_300 = arith.constant 0 : i32
      %dma_wait3A_301 = tpu.memref_slice %arg14[%dma_wait3A_299, %dma_wait3A_300] : memref<10000x128xf32, #tpu.memory_space<vmem_shared>> -> memref<10000x128xf32, #tpu.memory_space<vmem_shared>>
      tpu.wait_indirect_dma semaphore(%run_scoped3A_289 : memref<!tpu.dma_semaphore, #tpu.memory_space<semaphore_mem>>) src(%arg9 : memref<80x128xf32, #tpu.memory_space<vmem>>) dst(%dma_wait3A_301 : memref<10000x128xf32, #tpu.memory_space<vmem_shared>>)
      tpu.yield
    }) : () -> ()
    %barrier3A_229 = arith.constant 0 : index
    tpu.barrier barrier_id(%barrier3A_229)
    %mul3A_230 = arith.constant 625 : i32
    %mul3A_231 = arith.muli %arg1, %mul3A_230 : i32
    %add3A_232 = arith.constant 7 : i32
    %add3A_233 = arith.addi %mul3A_231, %add3A_232 : i32
    %jit3A = arith.constant 8 : i32
    %div3A = arith.divsi %add3A_233, %jit3A : i32
    %sign3A = arith.constant 0 : i32
    %sign3A_234 = arith.cmpi sgt, %add3A_233, %sign3A : i32
    %sign3A_235 = arith.extui %sign3A_234 : i1 to i32
    %sign3A_236 = arith.constant 0 : i32
    %sign3A_237 = arith.cmpi slt, %add3A_233, %sign3A_236 : i32
    %sign3A_238 = arith.extui %sign3A_237 : i1 to i32
    %sign3A_239 = arith.subi %sign3A_235, %sign3A_238 : i32
    %sign3A_240 = arith.constant 0 : i32
    %sign3A_241 = arith.cmpi sgt, %jit3A, %sign3A_240 : i32
    %sign3A_242 = arith.extui %sign3A_241 : i1 to i32
    %sign3A_243 = arith.constant 0 : i32
    %sign3A_244 = arith.cmpi slt, %jit3A, %sign3A_243 : i32
    %sign3A_245 = arith.extui %sign3A_244 : i1 to i32
    %sign3A_246 = arith.subi %sign3A_242, %sign3A_245 : i32
    %ne3A = arith.cmpi ne, %sign3A_239, %sign3A_246 : i32
    %rem3A = arith.remsi %add3A_233, %jit3A : i32
    %ne3A_247 = arith.constant 0 : i32
    %ne3A_248 = arith.cmpi ne, %rem3A, %ne3A_247 : i32
    %and3A_249 = arith.andi %ne3A, %ne3A_248 : i1
    %sub3A_250 = arith.constant 1 : i32
    %sub3A_251 = arith.subi %div3A, %sub3A_250 : i32
    %select_n3A = arith.select %and3A_249, %sub3A_251, %div3A : i32
    %mul3A_252 = arith.constant 8 : i32
    %mul3A_253 = arith.muli %select_n3A, %mul3A_252 : i32
    %multiple_of3A = tpu.assume_multiple %mul3A_253, 8 : i32
    %add3A_254 = arith.constant 1 : i32
    %add3A_255 = arith.addi %arg1, %add3A_254 : i32
    %mul3A_256 = arith.constant 625 : i32
    %mul3A_257 = arith.muli %add3A_255, %mul3A_256 : i32
    %add3A_258 = arith.constant 7 : i32
    %add3A_259 = arith.addi %mul3A_257, %add3A_258 : i32
    %jit3A_260 = arith.constant 8 : i32
    %div3A_261 = arith.divsi %add3A_259, %jit3A_260 : i32
    %sign3A_262 = arith.constant 0 : i32
    %sign3A_263 = arith.cmpi sgt, %add3A_259, %sign3A_262 : i32
    %sign3A_264 = arith.extui %sign3A_263 : i1 to i32
    %sign3A_265 = arith.constant 0 : i32
    %sign3A_266 = arith.cmpi slt, %add3A_259, %sign3A_265 : i32
    %sign3A_267 = arith.extui %sign3A_266 : i1 to i32
    %sign3A_268 = arith.subi %sign3A_264, %sign3A_267 : i32
    %sign3A_269 = arith.constant 0 : i32
    %sign3A_270 = arith.cmpi sgt, %jit3A_260, %sign3A_269 : i32
    %sign3A_271 = arith.extui %sign3A_270 : i1 to i32
    %sign3A_272 = arith.constant 0 : i32
    %sign3A_273 = arith.cmpi slt, %jit3A_260, %sign3A_272 : i32
    %sign3A_274 = arith.extui %sign3A_273 : i1 to i32
    %sign3A_275 = arith.subi %sign3A_271, %sign3A_274 : i32
    %ne3A_276 = arith.cmpi ne, %sign3A_268, %sign3A_275 : i32
    %rem3A_277 = arith.remsi %add3A_259, %jit3A_260 : i32
    %ne3A_278 = arith.constant 0 : i32
    %ne3A_279 = arith.cmpi ne, %rem3A_277, %ne3A_278 : i32
    %and3A_280 = arith.andi %ne3A_276, %ne3A_279 : i1
    %sub3A_281 = arith.constant 1 : i32
    %sub3A_282 = arith.subi %div3A_261, %sub3A_281 : i32
    %select_n3A_283 = arith.select %and3A_280, %sub3A_282, %div3A_261 : i32
    %mul3A_284 = arith.constant 8 : i32
    %mul3A_285 = arith.muli %select_n3A_283, %mul3A_284 : i32
    "tpu.region"() ({
      %run_scoped3A_289 = tpu.sem_alloc : memref<!tpu.dma_semaphore, #tpu.memory_space<semaphore_mem>>
      %dma_start3A_290 = arith.constant 0 : i32
      %dma_start3A_291 = tpu.memref_slice %arg4[%arg0, %multiple_of3A, %dma_start3A_290] : memref<2x10000x128xf32, #tpu.memory_space<hbm>> -> memref<1x624x128xf32, #tpu.memory_space<hbm>>
      %dma_start3A_292 = tpu.memref_squeeze %dma_start3A_291 : memref<1x624x128xf32, #tpu.memory_space<hbm>> -> memref<624x128xf32, #tpu.memory_space<hbm>>
      %dma_start3A_293 = arith.constant 0 : i32
      %dma_start3A_294 = tpu.memref_slice %arg14[%multiple_of3A, %dma_start3A_293] : memref<10000x128xf32, #tpu.memory_space<vmem_shared>> -> memref<624x128xf32, #tpu.memory_space<vmem_shared>>
      tpu.enqueue_dma source(%dma_start3A_294 : memref<624x128xf32, #tpu.memory_space<vmem_shared>>) target(%dma_start3A_292 : memref<624x128xf32, #tpu.memory_space<hbm>>) target_semaphore(%run_scoped3A_289 : memref<!tpu.dma_semaphore, #tpu.memory_space<semaphore_mem>>)
      %dma_wait3A_295 = arith.constant 0 : i32
      %dma_wait3A_296 = tpu.memref_slice %arg4[%arg0, %multiple_of3A, %dma_wait3A_295] : memref<2x10000x128xf32, #tpu.memory_space<hbm>> -> memref<1x624x128xf32, #tpu.memory_space<hbm>>
      %dma_wait3A_297 = tpu.memref_squeeze %dma_wait3A_296 : memref<1x624x128xf32, #tpu.memory_space<hbm>> -> memref<624x128xf32, #tpu.memory_space<hbm>>
      %dma_wait3A_298 = arith.constant 0 : i32
      %dma_wait3A_299 = tpu.memref_slice %arg14[%multiple_of3A, %dma_wait3A_298] : memref<10000x128xf32, #tpu.memory_space<vmem_shared>> -> memref<624x128xf32, #tpu.memory_space<vmem_shared>>
      tpu.wait_dma2 semaphore(%run_scoped3A_289 : memref<!tpu.dma_semaphore, #tpu.memory_space<semaphore_mem>>) src(%dma_wait3A_299 : memref<624x128xf32, #tpu.memory_space<vmem_shared>>) dst(%dma_wait3A_297 : memref<624x128xf32, #tpu.memory_space<hbm>>)
      tpu.yield
    }) : () -> ()
    %sub3A_286 = arith.subi %mul3A_285, %multiple_of3A : i32
    %gt3A = arith.constant 624 : i32
    %gt3A_287 = arith.cmpi sgt, %sub3A_286, %gt3A : i32
    %convert_element_type3A = arith.extui %gt3A_287 : i1 to i32
    %cond3A = arith.constant 0 : i32
    %cond3A_288 = arith.cmpi ne, %convert_element_type3A, %cond3A : i32
    scf.if %cond3A_288 {
      %add3A_289 = arith.constant 624 : i32
      %add3A_290 = arith.addi %multiple_of3A, %add3A_289 : i32
      %multiple_of3A_291 = tpu.assume_multiple %add3A_290, 8 : i32
      "tpu.region"() ({
        %run_scoped3A_292 = tpu.sem_alloc : memref<!tpu.dma_semaphore, #tpu.memory_space<semaphore_mem>>
        %dma_start3A_293 = arith.constant 0 : i32
        %dma_start3A_294 = tpu.memref_slice %arg4[%arg0, %multiple_of3A_291, %dma_start3A_293] : memref<2x10000x128xf32, #tpu.memory_space<hbm>> -> memref<1x8x128xf32, #tpu.memory_space<hbm>>
        %dma_start3A_295 = tpu.memref_squeeze %dma_start3A_294 : memref<1x8x128xf32, #tpu.memory_space<hbm>> -> memref<8x128xf32, #tpu.memory_space<hbm>>
        %dma_start3A_296 = arith.constant 0 : i32
        %dma_start3A_297 = tpu.memref_slice %arg14[%multiple_of3A_291, %dma_start3A_296] : memref<10000x128xf32, #tpu.memory_space<vmem_shared>> -> memref<8x128xf32, #tpu.memory_space<vmem_shared>>
        tpu.enqueue_dma source(%dma_start3A_297 : memref<8x128xf32, #tpu.memory_space<vmem_shared>>) target(%dma_start3A_295 : memref<8x128xf32, #tpu.memory_space<hbm>>) target_semaphore(%run_scoped3A_292 : memref<!tpu.dma_semaphore, #tpu.memory_space<semaphore_mem>>)
        %dma_wait3A_298 = arith.constant 0 : i32
        %dma_wait3A_299 = tpu.memref_slice %arg4[%arg0, %multiple_of3A_291, %dma_wait3A_298] : memref<2x10000x128xf32, #tpu.memory_space<hbm>> -> memref<1x8x128xf32, #tpu.memory_space<hbm>>
        %dma_wait3A_300 = tpu.memref_squeeze %dma_wait3A_299 : memref<1x8x128xf32, #tpu.memory_space<hbm>> -> memref<8x128xf32, #tpu.memory_space<hbm>>
        %dma_wait3A_301 = arith.constant 0 : i32
        %dma_wait3A_302 = tpu.memref_slice %arg14[%multiple_of3A_291, %dma_wait3A_301] : memref<10000x128xf32, #tpu.memory_space<vmem_shared>> -> memref<8x128xf32, #tpu.memory_space<vmem_shared>>
        tpu.wait_dma2 semaphore(%run_scoped3A_292 : memref<!tpu.dma_semaphore, #tpu.memory_space<semaphore_mem>>) src(%dma_wait3A_302 : memref<8x128xf32, #tpu.memory_space<vmem_shared>>) dst(%dma_wait3A_300 : memref<8x128xf32, #tpu.memory_space<hbm>>)
        tpu.yield
      }) : () -> ()
    } else {
    }
    return
  }
}

#map = affine_map<(d0, d1) -> (0, 0)>
#map1 = affine_map<(d0, d1) -> (0)>
#map2 = affine_map<(d0, d1) -> (0, 0, 0)>
module attributes {stable_mosaic.version = 14 : i64} {
  func.func @_sc_agg_body(%arg0: i32, %arg1: i32, %arg2: memref<10000x128xf32, #tpu.memory_space<hbm>>, %arg3: memref<320000xi32, #tpu.memory_space<hbm>>, %arg4: memref<2x10000x128xf32, #tpu.memory_space<hbm>>, %arg5: memref<10000xi32, #tpu.memory_space<vmem>>, %arg6: memref<8x80xi32, #tpu.memory_space<vmem>>, %arg7: memref<8x80xi32, #tpu.memory_space<vmem>>, %arg8: memref<80x128xf32, #tpu.memory_space<vmem>>, %arg9: memref<80x128xf32, #tpu.memory_space<vmem>>, %arg10: memref<80x128xf32, #tpu.memory_space<vmem>>, %arg11: memref<!tpu.dma_semaphore, #tpu.memory_space<semaphore_mem>>, %arg12: memref<!tpu.dma_semaphore, #tpu.memory_space<semaphore_mem>>, %arg13: memref<!tpu.dma_semaphore, #tpu.memory_space<semaphore_mem>>, %arg14: memref<10000x128xf32, #tpu.memory_space<vmem_shared>>) attributes {dimension_semantics = [#tpu.dimension_semantics<core_parallel>, #tpu.dimension_semantics<subcore_parallel>], iteration_bounds = array<i64: 2, 16>, scalar_prefetch = 0 : i64, scratch_operands = 10 : i64, tpu.core_type = #tpu.core_type<sc_vector_subcore>, window_params = [{transform_indices = #map}, {transform_indices = #map1}, {transform_indices = #map2}]} {
    %mul3A = arith.constant 16 : i32
    %mul3A_0 = arith.muli %arg0, %mul3A : i32
    %add3A = arith.addi %mul3A_0, %arg1 : i32
    %broadcast_in_dim3A = arith.constant 0.000000e+00 : f32
    %broadcast_in_dim3A_1 = vector.broadcast %broadcast_in_dim3A : f32 to vector<16xf32>
    %scan3A = arith.constant 0 : i32
    %scan3A_2 = arith.constant 80 : i32
    %scan3A_3 = arith.addi %scan3A, %scan3A_2 : i32
    %scan3A_4 = arith.constant 1 : i32
    scf.for %scan3A_289 = %scan3A to %scan3A_3 step %scan3A_4  : i32 {
      %mul3A_290 = arith.constant 1 : i32
      %mul3A_291 = arith.muli %scan3A_289, %mul3A_290 : i32
      %add3A_292 = arith.constant 0 : i32
      %add3A_293 = arith.addi %add3A_292, %mul3A_291 : i32
      %swap3A_294 = arith.index_cast %add3A_293 : i32 to index
      %swap3A_295 = arith.constant 0 : index
      %swap3A_296 = tpu.vector_load %arg8[%swap3A_294, %swap3A_295] {strides = array<i32>} : memref<80x128xf32, #tpu.memory_space<vmem>>, vector<16xf32>,
      tpu.vector_store %arg8[%swap3A_294, %swap3A_295], %broadcast_in_dim3A_1 {strides = array<i32>} : memref<80x128xf32, #tpu.memory_space<vmem>>, vector<16xf32>,
      %swap3A_297 = arith.index_cast %add3A_293 : i32 to index
      %swap3A_298 = arith.constant 16 : index
      %swap3A_299 = tpu.vector_load %arg8[%swap3A_297, %swap3A_298] {strides = array<i32>} : memref<80x128xf32, #tpu.memory_space<vmem>>, vector<16xf32>,
      tpu.vector_store %arg8[%swap3A_297, %swap3A_298], %broadcast_in_dim3A_1 {strides = array<i32>} : memref<80x128xf32, #tpu.memory_space<vmem>>, vector<16xf32>,
      %swap3A_300 = arith.index_cast %add3A_293 : i32 to index
      %swap3A_301 = arith.constant 32 : index
      %swap3A_302 = tpu.vector_load %arg8[%swap3A_300, %swap3A_301] {strides = array<i32>} : memref<80x128xf32, #tpu.memory_space<vmem>>, vector<16xf32>,
      tpu.vector_store %arg8[%swap3A_300, %swap3A_301], %broadcast_in_dim3A_1 {strides = array<i32>} : memref<80x128xf32, #tpu.memory_space<vmem>>, vector<16xf32>,
      %swap3A_303 = arith.index_cast %add3A_293 : i32 to index
      %swap3A_304 = arith.constant 48 : index
      %swap3A_305 = tpu.vector_load %arg8[%swap3A_303, %swap3A_304] {strides = array<i32>} : memref<80x128xf32, #tpu.memory_space<vmem>>, vector<16xf32>,
      tpu.vector_store %arg8[%swap3A_303, %swap3A_304], %broadcast_in_dim3A_1 {strides = array<i32>} : memref<80x128xf32, #tpu.memory_space<vmem>>, vector<16xf32>,
      %swap3A_306 = arith.index_cast %add3A_293 : i32 to index
      %swap3A_307 = arith.constant 64 : index
      %swap3A_308 = tpu.vector_load %arg8[%swap3A_306, %swap3A_307] {strides = array<i32>} : memref<80x128xf32, #tpu.memory_space<vmem>>, vector<16xf32>,
      tpu.vector_store %arg8[%swap3A_306, %swap3A_307], %broadcast_in_dim3A_1 {strides = array<i32>} : memref<80x128xf32, #tpu.memory_space<vmem>>, vector<16xf32>,
      %swap3A_309 = arith.index_cast %add3A_293 : i32 to index
      %swap3A_310 = arith.constant 80 : index
      %swap3A_311 = tpu.vector_load %arg8[%swap3A_309, %swap3A_310] {strides = array<i32>} : memref<80x128xf32, #tpu.memory_space<vmem>>, vector<16xf32>,
      tpu.vector_store %arg8[%swap3A_309, %swap3A_310], %broadcast_in_dim3A_1 {strides = array<i32>} : memref<80x128xf32, #tpu.memory_space<vmem>>, vector<16xf32>,
      %swap3A_312 = arith.index_cast %add3A_293 : i32 to index
      %swap3A_313 = arith.constant 96 : index
      %swap3A_314 = tpu.vector_load %arg8[%swap3A_312, %swap3A_313] {strides = array<i32>} : memref<80x128xf32, #tpu.memory_space<vmem>>, vector<16xf32>,
      tpu.vector_store %arg8[%swap3A_312, %swap3A_313], %broadcast_in_dim3A_1 {strides = array<i32>} : memref<80x128xf32, #tpu.memory_space<vmem>>, vector<16xf32>,
      %swap3A_315 = arith.index_cast %add3A_293 : i32 to index
      %swap3A_316 = arith.constant 112 : index
      %swap3A_317 = tpu.vector_load %arg8[%swap3A_315, %swap3A_316] {strides = array<i32>} : memref<80x128xf32, #tpu.memory_space<vmem>>, vector<16xf32>,
      tpu.vector_store %arg8[%swap3A_315, %swap3A_316], %broadcast_in_dim3A_1 {strides = array<i32>} : memref<80x128xf32, #tpu.memory_space<vmem>>, vector<16xf32>,
    }
    %scan3A_5 = arith.constant 80 : i32
    %mul3A_6 = arith.constant 625 : i32
    %mul3A_7 = arith.muli %arg1, %mul3A_6 : i32
    %add3A_8 = arith.constant 0 : i32
    %add3A_9 = arith.addi %mul3A_7, %add3A_8 : i32
    "tpu.region"() ({
      %run_scoped3A_289 = tpu.sem_alloc : memref<!tpu.dma_semaphore, #tpu.memory_space<semaphore_mem>>
      %dma_start3A_290 = arith.constant 0 : i32
      %dma_start3A_291 = tpu.memref_slice %arg14[%add3A_9, %dma_start3A_290] : memref<10000x128xf32, #tpu.memory_space<vmem_shared>> -> memref<80x128xf32, #tpu.memory_space<vmem_shared>>
      %dma_start3A_292 = arith.constant 0 : i32
      %dma_start3A_293 = tpu.memref_slice %arg14[%add3A_9, %dma_start3A_292] : memref<10000x128xf32, #tpu.memory_space<vmem_shared>> -> memref<80x128xf32, #tpu.memory_space<vmem_shared>>
      tpu.enqueue_dma source(%arg8 : memref<80x128xf32, #tpu.memory_space<vmem>>) target(%dma_start3A_293 : memref<80x128xf32, #tpu.memory_space<vmem_shared>>) target_semaphore(%run_scoped3A_289 : memref<!tpu.dma_semaphore, #tpu.memory_space<semaphore_mem>>)
      %dma_wait3A_294 = arith.constant 0 : i32
      %dma_wait3A_295 = tpu.memref_slice %arg14[%add3A_9, %dma_wait3A_294] : memref<10000x128xf32, #tpu.memory_space<vmem_shared>> -> memref<80x128xf32, #tpu.memory_space<vmem_shared>>
      %dma_wait3A_296 = arith.constant 0 : i32
      %dma_wait3A_297 = tpu.memref_slice %arg14[%add3A_9, %dma_wait3A_296] : memref<10000x128xf32, #tpu.memory_space<vmem_shared>> -> memref<80x128xf32, #tpu.memory_space<vmem_shared>>
      tpu.wait_dma2 semaphore(%run_scoped3A_289 : memref<!tpu.dma_semaphore, #tpu.memory_space<semaphore_mem>>) src(%arg8 : memref<80x128xf32, #tpu.memory_space<vmem>>) dst(%dma_wait3A_297 : memref<80x128xf32, #tpu.memory_space<vmem_shared>>)
      tpu.yield
    }) : () -> ()
    %mul3A_10 = arith.constant 625 : i32
    %mul3A_11 = arith.muli %arg1, %mul3A_10 : i32
    %add3A_12 = arith.constant 80 : i32
    %add3A_13 = arith.addi %mul3A_11, %add3A_12 : i32
    "tpu.region"() ({
      %run_scoped3A_289 = tpu.sem_alloc : memref<!tpu.dma_semaphore, #tpu.memory_space<semaphore_mem>>
      %dma_start3A_290 = arith.constant 0 : i32
      %dma_start3A_291 = tpu.memref_slice %arg14[%add3A_13, %dma_start3A_290] : memref<10000x128xf32, #tpu.memory_space<vmem_shared>> -> memref<80x128xf32, #tpu.memory_space<vmem_shared>>
      %dma_start3A_292 = arith.constant 0 : i32
      %dma_start3A_293 = tpu.memref_slice %arg14[%add3A_13, %dma_start3A_292] : memref<10000x128xf32, #tpu.memory_space<vmem_shared>> -> memref<80x128xf32, #tpu.memory_space<vmem_shared>>
      tpu.enqueue_dma source(%arg8 : memref<80x128xf32, #tpu.memory_space<vmem>>) target(%dma_start3A_293 : memref<80x128xf32, #tpu.memory_space<vmem_shared>>) target_semaphore(%run_scoped3A_289 : memref<!tpu.dma_semaphore, #tpu.memory_space<semaphore_mem>>)
      %dma_wait3A_294 = arith.constant 0 : i32
      %dma_wait3A_295 = tpu.memref_slice %arg14[%add3A_13, %dma_wait3A_294] : memref<10000x128xf32, #tpu.memory_space<vmem_shared>> -> memref<80x128xf32, #tpu.memory_space<vmem_shared>>
      %dma_wait3A_296 = arith.constant 0 : i32
      %dma_wait3A_297 = tpu.memref_slice %arg14[%add3A_13, %dma_wait3A_296] : memref<10000x128xf32, #tpu.memory_space<vmem_shared>> -> memref<80x128xf32, #tpu.memory_space<vmem_shared>>
      tpu.wait_dma2 semaphore(%run_scoped3A_289 : memref<!tpu.dma_semaphore, #tpu.memory_space<semaphore_mem>>) src(%arg8 : memref<80x128xf32, #tpu.memory_space<vmem>>) dst(%dma_wait3A_297 : memref<80x128xf32, #tpu.memory_space<vmem_shared>>)
      tpu.yield
    }) : () -> ()
    %mul3A_14 = arith.constant 625 : i32
    %mul3A_15 = arith.muli %arg1, %mul3A_14 : i32
    %add3A_16 = arith.constant 160 : i32
    %add3A_17 = arith.addi %mul3A_15, %add3A_16 : i32
    "tpu.region"() ({
      %run_scoped3A_289 = tpu.sem_alloc : memref<!tpu.dma_semaphore, #tpu.memory_space<semaphore_mem>>
      %dma_start3A_290 = arith.constant 0 : i32
      %dma_start3A_291 = tpu.memref_slice %arg14[%add3A_17, %dma_start3A_290] : memref<10000x128xf32, #tpu.memory_space<vmem_shared>> -> memref<80x128xf32, #tpu.memory_space<vmem_shared>>
      %dma_start3A_292 = arith.constant 0 : i32
      %dma_start3A_293 = tpu.memref_slice %arg14[%add3A_17, %dma_start3A_292] : memref<10000x128xf32, #tpu.memory_space<vmem_shared>> -> memref<80x128xf32, #tpu.memory_space<vmem_shared>>
      tpu.enqueue_dma source(%arg8 : memref<80x128xf32, #tpu.memory_space<vmem>>) target(%dma_start3A_293 : memref<80x128xf32, #tpu.memory_space<vmem_shared>>) target_semaphore(%run_scoped3A_289 : memref<!tpu.dma_semaphore, #tpu.memory_space<semaphore_mem>>)
      %dma_wait3A_294 = arith.constant 0 : i32
      %dma_wait3A_295 = tpu.memref_slice %arg14[%add3A_17, %dma_wait3A_294] : memref<10000x128xf32, #tpu.memory_space<vmem_shared>> -> memref<80x128xf32, #tpu.memory_space<vmem_shared>>
      %dma_wait3A_296 = arith.constant 0 : i32
      %dma_wait3A_297 = tpu.memref_slice %arg14[%add3A_17, %dma_wait3A_296] : memref<10000x128xf32, #tpu.memory_space<vmem_shared>> -> memref<80x128xf32, #tpu.memory_space<vmem_shared>>
      tpu.wait_dma2 semaphore(%run_scoped3A_289 : memref<!tpu.dma_semaphore, #tpu.memory_space<semaphore_mem>>) src(%arg8 : memref<80x128xf32, #tpu.memory_space<vmem>>) dst(%dma_wait3A_297 : memref<80x128xf32, #tpu.memory_space<vmem_shared>>)
      tpu.yield
    }) : () -> ()
    %mul3A_18 = arith.constant 625 : i32
    %mul3A_19 = arith.muli %arg1, %mul3A_18 : i32
    %add3A_20 = arith.constant 240 : i32
    %add3A_21 = arith.addi %mul3A_19, %add3A_20 : i32
    "tpu.region"() ({
      %run_scoped3A_289 = tpu.sem_alloc : memref<!tpu.dma_semaphore, #tpu.memory_space<semaphore_mem>>
      %dma_start3A_290 = arith.constant 0 : i32
      %dma_start3A_291 = tpu.memref_slice %arg14[%add3A_21, %dma_start3A_290] : memref<10000x128xf32, #tpu.memory_space<vmem_shared>> -> memref<80x128xf32, #tpu.memory_space<vmem_shared>>
      %dma_start3A_292 = arith.constant 0 : i32
      %dma_start3A_293 = tpu.memref_slice %arg14[%add3A_21, %dma_start3A_292] : memref<10000x128xf32, #tpu.memory_space<vmem_shared>> -> memref<80x128xf32, #tpu.memory_space<vmem_shared>>
      tpu.enqueue_dma source(%arg8 : memref<80x128xf32, #tpu.memory_space<vmem>>) target(%dma_start3A_293 : memref<80x128xf32, #tpu.memory_space<vmem_shared>>) target_semaphore(%run_scoped3A_289 : memref<!tpu.dma_semaphore, #tpu.memory_space<semaphore_mem>>)
      %dma_wait3A_294 = arith.constant 0 : i32
      %dma_wait3A_295 = tpu.memref_slice %arg14[%add3A_21, %dma_wait3A_294] : memref<10000x128xf32, #tpu.memory_space<vmem_shared>> -> memref<80x128xf32, #tpu.memory_space<vmem_shared>>
      %dma_wait3A_296 = arith.constant 0 : i32
      %dma_wait3A_297 = tpu.memref_slice %arg14[%add3A_21, %dma_wait3A_296] : memref<10000x128xf32, #tpu.memory_space<vmem_shared>> -> memref<80x128xf32, #tpu.memory_space<vmem_shared>>
      tpu.wait_dma2 semaphore(%run_scoped3A_289 : memref<!tpu.dma_semaphore, #tpu.memory_space<semaphore_mem>>) src(%arg8 : memref<80x128xf32, #tpu.memory_space<vmem>>) dst(%dma_wait3A_297 : memref<80x128xf32, #tpu.memory_space<vmem_shared>>)
      tpu.yield
    }) : () -> ()
    %mul3A_22 = arith.constant 625 : i32
    %mul3A_23 = arith.muli %arg1, %mul3A_22 : i32
    %add3A_24 = arith.constant 320 : i32
    %add3A_25 = arith.addi %mul3A_23, %add3A_24 : i32
    "tpu.region"() ({
      %run_scoped3A_289 = tpu.sem_alloc : memref<!tpu.dma_semaphore, #tpu.memory_space<semaphore_mem>>
      %dma_start3A_290 = arith.constant 0 : i32
      %dma_start3A_291 = tpu.memref_slice %arg14[%add3A_25, %dma_start3A_290] : memref<10000x128xf32, #tpu.memory_space<vmem_shared>> -> memref<80x128xf32, #tpu.memory_space<vmem_shared>>
      %dma_start3A_292 = arith.constant 0 : i32
      %dma_start3A_293 = tpu.memref_slice %arg14[%add3A_25, %dma_start3A_292] : memref<10000x128xf32, #tpu.memory_space<vmem_shared>> -> memref<80x128xf32, #tpu.memory_space<vmem_shared>>
      tpu.enqueue_dma source(%arg8 : memref<80x128xf32, #tpu.memory_space<vmem>>) target(%dma_start3A_293 : memref<80x128xf32, #tpu.memory_space<vmem_shared>>) target_semaphore(%run_scoped3A_289 : memref<!tpu.dma_semaphore, #tpu.memory_space<semaphore_mem>>)
      %dma_wait3A_294 = arith.constant 0 : i32
      %dma_wait3A_295 = tpu.memref_slice %arg14[%add3A_25, %dma_wait3A_294] : memref<10000x128xf32, #tpu.memory_space<vmem_shared>> -> memref<80x128xf32, #tpu.memory_space<vmem_shared>>
      %dma_wait3A_296 = arith.constant 0 : i32
      %dma_wait3A_297 = tpu.memref_slice %arg14[%add3A_25, %dma_wait3A_296] : memref<10000x128xf32, #tpu.memory_space<vmem_shared>> -> memref<80x128xf32, #tpu.memory_space<vmem_shared>>
      tpu.wait_dma2 semaphore(%run_scoped3A_289 : memref<!tpu.dma_semaphore, #tpu.memory_space<semaphore_mem>>) src(%arg8 : memref<80x128xf32, #tpu.memory_space<vmem>>) dst(%dma_wait3A_297 : memref<80x128xf32, #tpu.memory_space<vmem_shared>>)
      tpu.yield
    }) : () -> ()
    %mul3A_26 = arith.constant 625 : i32
    %mul3A_27 = arith.muli %arg1, %mul3A_26 : i32
    %add3A_28 = arith.constant 400 : i32
    %add3A_29 = arith.addi %mul3A_27, %add3A_28 : i32
    "tpu.region"() ({
      %run_scoped3A_289 = tpu.sem_alloc : memref<!tpu.dma_semaphore, #tpu.memory_space<semaphore_mem>>
      %dma_start3A_290 = arith.constant 0 : i32
      %dma_start3A_291 = tpu.memref_slice %arg14[%add3A_29, %dma_start3A_290] : memref<10000x128xf32, #tpu.memory_space<vmem_shared>> -> memref<80x128xf32, #tpu.memory_space<vmem_shared>>
      %dma_start3A_292 = arith.constant 0 : i32
      %dma_start3A_293 = tpu.memref_slice %arg14[%add3A_29, %dma_start3A_292] : memref<10000x128xf32, #tpu.memory_space<vmem_shared>> -> memref<80x128xf32, #tpu.memory_space<vmem_shared>>
      tpu.enqueue_dma source(%arg8 : memref<80x128xf32, #tpu.memory_space<vmem>>) target(%dma_start3A_293 : memref<80x128xf32, #tpu.memory_space<vmem_shared>>) target_semaphore(%run_scoped3A_289 : memref<!tpu.dma_semaphore, #tpu.memory_space<semaphore_mem>>)
      %dma_wait3A_294 = arith.constant 0 : i32
      %dma_wait3A_295 = tpu.memref_slice %arg14[%add3A_29, %dma_wait3A_294] : memref<10000x128xf32, #tpu.memory_space<vmem_shared>> -> memref<80x128xf32, #tpu.memory_space<vmem_shared>>
      %dma_wait3A_296 = arith.constant 0 : i32
      %dma_wait3A_297 = tpu.memref_slice %arg14[%add3A_29, %dma_wait3A_296] : memref<10000x128xf32, #tpu.memory_space<vmem_shared>> -> memref<80x128xf32, #tpu.memory_space<vmem_shared>>
      tpu.wait_dma2 semaphore(%run_scoped3A_289 : memref<!tpu.dma_semaphore, #tpu.memory_space<semaphore_mem>>) src(%arg8 : memref<80x128xf32, #tpu.memory_space<vmem>>) dst(%dma_wait3A_297 : memref<80x128xf32, #tpu.memory_space<vmem_shared>>)
      tpu.yield
    }) : () -> ()
    %mul3A_30 = arith.constant 625 : i32
    %mul3A_31 = arith.muli %arg1, %mul3A_30 : i32
    %add3A_32 = arith.constant 480 : i32
    %add3A_33 = arith.addi %mul3A_31, %add3A_32 : i32
    "tpu.region"() ({
      %run_scoped3A_289 = tpu.sem_alloc : memref<!tpu.dma_semaphore, #tpu.memory_space<semaphore_mem>>
      %dma_start3A_290 = arith.constant 0 : i32
      %dma_start3A_291 = tpu.memref_slice %arg14[%add3A_33, %dma_start3A_290] : memref<10000x128xf32, #tpu.memory_space<vmem_shared>> -> memref<80x128xf32, #tpu.memory_space<vmem_shared>>
      %dma_start3A_292 = arith.constant 0 : i32
      %dma_start3A_293 = tpu.memref_slice %arg14[%add3A_33, %dma_start3A_292] : memref<10000x128xf32, #tpu.memory_space<vmem_shared>> -> memref<80x128xf32, #tpu.memory_space<vmem_shared>>
      tpu.enqueue_dma source(%arg8 : memref<80x128xf32, #tpu.memory_space<vmem>>) target(%dma_start3A_293 : memref<80x128xf32, #tpu.memory_space<vmem_shared>>) target_semaphore(%run_scoped3A_289 : memref<!tpu.dma_semaphore, #tpu.memory_space<semaphore_mem>>)
      %dma_wait3A_294 = arith.constant 0 : i32
      %dma_wait3A_295 = tpu.memref_slice %arg14[%add3A_33, %dma_wait3A_294] : memref<10000x128xf32, #tpu.memory_space<vmem_shared>> -> memref<80x128xf32, #tpu.memory_space<vmem_shared>>
      %dma_wait3A_296 = arith.constant 0 : i32
      %dma_wait3A_297 = tpu.memref_slice %arg14[%add3A_33, %dma_wait3A_296] : memref<10000x128xf32, #tpu.memory_space<vmem_shared>> -> memref<80x128xf32, #tpu.memory_space<vmem_shared>>
      tpu.wait_dma2 semaphore(%run_scoped3A_289 : memref<!tpu.dma_semaphore, #tpu.memory_space<semaphore_mem>>) src(%arg8 : memref<80x128xf32, #tpu.memory_space<vmem>>) dst(%dma_wait3A_297 : memref<80x128xf32, #tpu.memory_space<vmem_shared>>)
      tpu.yield
    }) : () -> ()
    %mul3A_34 = arith.constant 625 : i32
    %mul3A_35 = arith.muli %arg1, %mul3A_34 : i32
    %add3A_36 = arith.constant 625 : i32
    %add3A_37 = arith.addi %mul3A_35, %add3A_36 : i32
    %sub3A = arith.constant 65 : i32
    %sub3A_38 = arith.subi %add3A_37, %sub3A : i32
    "tpu.region"() ({
      %run_scoped3A_289 = tpu.sem_alloc : memref<!tpu.dma_semaphore, #tpu.memory_space<semaphore_mem>>
      %dma_start3A_290 = arith.constant 0 : i32
      %dma_start3A_291 = arith.constant 0 : i32
      %dma_start3A_292 = tpu.memref_slice %arg8[%dma_start3A_290, %dma_start3A_291] : memref<80x128xf32, #tpu.memory_space<vmem>> -> memref<65x128xf32, #tpu.memory_space<vmem>>
      %dma_start3A_293 = arith.constant 0 : i32
      %dma_start3A_294 = tpu.memref_slice %arg14[%sub3A_38, %dma_start3A_293] : memref<10000x128xf32, #tpu.memory_space<vmem_shared>> -> memref<65x128xf32, #tpu.memory_space<vmem_shared>>
      %dma_start3A_295 = arith.constant 0 : i32
      %dma_start3A_296 = tpu.memref_slice %arg14[%sub3A_38, %dma_start3A_295] : memref<10000x128xf32, #tpu.memory_space<vmem_shared>> -> memref<65x128xf32, #tpu.memory_space<vmem_shared>>
      %dma_start3A_297 = arith.constant 0 : i32
      %dma_start3A_298 = arith.constant 0 : i32
      %dma_start3A_299 = tpu.memref_slice %arg8[%dma_start3A_297, %dma_start3A_298] : memref<80x128xf32, #tpu.memory_space<vmem>> -> memref<65x128xf32, #tpu.memory_space<vmem>>
      tpu.enqueue_dma source(%dma_start3A_299 : memref<65x128xf32, #tpu.memory_space<vmem>>) target(%dma_start3A_296 : memref<65x128xf32, #tpu.memory_space<vmem_shared>>) target_semaphore(%run_scoped3A_289 : memref<!tpu.dma_semaphore, #tpu.memory_space<semaphore_mem>>)
      %dma_wait3A_300 = arith.constant 0 : i32
      %dma_wait3A_301 = arith.constant 0 : i32
      %dma_wait3A_302 = tpu.memref_slice %arg8[%dma_wait3A_300, %dma_wait3A_301] : memref<80x128xf32, #tpu.memory_space<vmem>> -> memref<65x128xf32, #tpu.memory_space<vmem>>
      %dma_wait3A_303 = arith.constant 0 : i32
      %dma_wait3A_304 = tpu.memref_slice %arg14[%sub3A_38, %dma_wait3A_303] : memref<10000x128xf32, #tpu.memory_space<vmem_shared>> -> memref<65x128xf32, #tpu.memory_space<vmem_shared>>
      %dma_wait3A_305 = arith.constant 0 : i32
      %dma_wait3A_306 = tpu.memref_slice %arg14[%sub3A_38, %dma_wait3A_305] : memref<10000x128xf32, #tpu.memory_space<vmem_shared>> -> memref<65x128xf32, #tpu.memory_space<vmem_shared>>
      %dma_wait3A_307 = arith.constant 0 : i32
      %dma_wait3A_308 = arith.constant 0 : i32
      %dma_wait3A_309 = tpu.memref_slice %arg8[%dma_wait3A_307, %dma_wait3A_308] : memref<80x128xf32, #tpu.memory_space<vmem>> -> memref<65x128xf32, #tpu.memory_space<vmem>>
      tpu.wait_dma2 semaphore(%run_scoped3A_289 : memref<!tpu.dma_semaphore, #tpu.memory_space<semaphore_mem>>) src(%dma_wait3A_309 : memref<65x128xf32, #tpu.memory_space<vmem>>) dst(%dma_wait3A_306 : memref<65x128xf32, #tpu.memory_space<vmem_shared>>)
      tpu.yield
    }) : () -> ()
    %barrier3A = arith.constant 0 : index
    tpu.barrier barrier_id(%barrier3A)
    %mul3A_39 = arith.constant 10000 : i32
    %mul3A_40 = arith.muli %add3A, %mul3A_39 : i32
    "tpu.region"() ({
      %run_scoped3A_289 = tpu.sem_alloc : memref<!tpu.dma_semaphore, #tpu.memory_space<semaphore_mem>>
      %dma_start3A_290 = tpu.memref_slice %arg3[%mul3A_40] : memref<320000xi32, #tpu.memory_space<hbm>> -> memref<10000xi32, #tpu.memory_space<hbm>>
      %dma_start3A_291 = tpu.memref_slice %arg3[%mul3A_40] : memref<320000xi32, #tpu.memory_space<hbm>> -> memref<10000xi32, #tpu.memory_space<hbm>>
      tpu.enqueue_dma source(%dma_start3A_291 : memref<10000xi32, #tpu.memory_space<hbm>>) target(%arg5 : memref<10000xi32, #tpu.memory_space<vmem>>) target_semaphore(%run_scoped3A_289 : memref<!tpu.dma_semaphore, #tpu.memory_space<semaphore_mem>>)
      %dma_wait3A_292 = tpu.memref_slice %arg3[%mul3A_40] : memref<320000xi32, #tpu.memory_space<hbm>> -> memref<10000xi32, #tpu.memory_space<hbm>>
      %dma_wait3A_293 = tpu.memref_slice %arg3[%mul3A_40] : memref<320000xi32, #tpu.memory_space<hbm>> -> memref<10000xi32, #tpu.memory_space<hbm>>
      tpu.wait_dma2 semaphore(%run_scoped3A_289 : memref<!tpu.dma_semaphore, #tpu.memory_space<semaphore_mem>>) src(%dma_wait3A_293 : memref<10000xi32, #tpu.memory_space<hbm>>) dst(%arg5 : memref<10000xi32, #tpu.memory_space<vmem>>)
      tpu.yield
    }) : () -> ()
    %get3A = arith.constant 0 : index
    %get3A_41 = tpu.vector_load %arg5[%get3A] {strides = array<i32>} : memref<10000xi32, #tpu.memory_space<vmem>>, vector<16xi32>,
    %and3A = arith.constant 16383 : i32
    %and3A_42 = vector.broadcast %and3A : i32 to vector<16xi32>
    %and3A_43 = arith.andi %get3A_41, %and3A_42 : vector<16xi32>
    %shift_right_arithmetic3A = arith.constant 14 : i32
    %shift_right_arithmetic3A_44 = vector.broadcast %shift_right_arithmetic3A : i32 to vector<16xi32>
    %shift_right_arithmetic3A_45 = arith.shrsi %get3A_41, %shift_right_arithmetic3A_44 : vector<16xi32>
    %swap3A = arith.constant 0 : i32
    %swap3A_46 = arith.index_cast %swap3A : i32 to index
    %swap3A_47 = arith.constant 0 : index
    %swap3A_48 = tpu.vector_load %arg6[%swap3A_46, %swap3A_47] {strides = array<i32>} : memref<8x80xi32, #tpu.memory_space<vmem>>, vector<16xi32>,
    tpu.vector_store %arg6[%swap3A_46, %swap3A_47], %shift_right_arithmetic3A_45 {strides = array<i32>} : memref<8x80xi32, #tpu.memory_space<vmem>>, vector<16xi32>,
    %swap3A_49 = arith.constant 0 : i32
    %swap3A_50 = arith.index_cast %swap3A_49 : i32 to index
    %swap3A_51 = arith.constant 0 : index
    %swap3A_52 = tpu.vector_load %arg7[%swap3A_50, %swap3A_51] {strides = array<i32>} : memref<8x80xi32, #tpu.memory_space<vmem>>, vector<16xi32>,
    tpu.vector_store %arg7[%swap3A_50, %swap3A_51], %and3A_43 {strides = array<i32>} : memref<8x80xi32, #tpu.memory_space<vmem>>, vector<16xi32>,
    %get3A_53 = arith.constant 16 : index
    %get3A_54 = tpu.vector_load %arg5[%get3A_53] {strides = array<i32>} : memref<10000xi32, #tpu.memory_space<vmem>>, vector<16xi32>,
    %and3A_55 = arith.constant 16383 : i32
    %and3A_56 = vector.broadcast %and3A_55 : i32 to vector<16xi32>
    %and3A_57 = arith.andi %get3A_54, %and3A_56 : vector<16xi32>
    %shift_right_arithmetic3A_58 = arith.constant 14 : i32
    %shift_right_arithmetic3A_59 = vector.broadcast %shift_right_arithmetic3A_58 : i32 to vector<16xi32>
    %shift_right_arithmetic3A_60 = arith.shrsi %get3A_54, %shift_right_arithmetic3A_59 : vector<16xi32>
    %swap3A_61 = arith.constant 0 : i32
    %swap3A_62 = arith.index_cast %swap3A_61 : i32 to index
    %swap3A_63 = arith.constant 16 : index
    %swap3A_64 = tpu.vector_load %arg6[%swap3A_62, %swap3A_63] {strides = array<i32>} : memref<8x80xi32, #tpu.memory_space<vmem>>, vector<16xi32>,
    tpu.vector_store %arg6[%swap3A_62, %swap3A_63], %shift_right_arithmetic3A_60 {strides = array<i32>} : memref<8x80xi32, #tpu.memory_space<vmem>>, vector<16xi32>,
    %swap3A_65 = arith.constant 0 : i32
    %swap3A_66 = arith.index_cast %swap3A_65 : i32 to index
    %swap3A_67 = arith.constant 16 : index
    %swap3A_68 = tpu.vector_load %arg7[%swap3A_66, %swap3A_67] {strides = array<i32>} : memref<8x80xi32, #tpu.memory_space<vmem>>, vector<16xi32>,
    tpu.vector_store %arg7[%swap3A_66, %swap3A_67], %and3A_57 {strides = array<i32>} : memref<8x80xi32, #tpu.memory_space<vmem>>, vector<16xi32>,
    %get3A_69 = arith.constant 32 : index
    %get3A_70 = tpu.vector_load %arg5[%get3A_69] {strides = array<i32>} : memref<10000xi32, #tpu.memory_space<vmem>>, vector<16xi32>,
    %and3A_71 = arith.constant 16383 : i32
    %and3A_72 = vector.broadcast %and3A_71 : i32 to vector<16xi32>
    %and3A_73 = arith.andi %get3A_70, %and3A_72 : vector<16xi32>
    %shift_right_arithmetic3A_74 = arith.constant 14 : i32
    %shift_right_arithmetic3A_75 = vector.broadcast %shift_right_arithmetic3A_74 : i32 to vector<16xi32>
    %shift_right_arithmetic3A_76 = arith.shrsi %get3A_70, %shift_right_arithmetic3A_75 : vector<16xi32>
    %swap3A_77 = arith.constant 0 : i32
    %swap3A_78 = arith.index_cast %swap3A_77 : i32 to index
    %swap3A_79 = arith.constant 32 : index
    %swap3A_80 = tpu.vector_load %arg6[%swap3A_78, %swap3A_79] {strides = array<i32>} : memref<8x80xi32, #tpu.memory_space<vmem>>, vector<16xi32>,
    tpu.vector_store %arg6[%swap3A_78, %swap3A_79], %shift_right_arithmetic3A_76 {strides = array<i32>} : memref<8x80xi32, #tpu.memory_space<vmem>>, vector<16xi32>,
    %swap3A_81 = arith.constant 0 : i32
    %swap3A_82 = arith.index_cast %swap3A_81 : i32 to index
    %swap3A_83 = arith.constant 32 : index
    %swap3A_84 = tpu.vector_load %arg7[%swap3A_82, %swap3A_83] {strides = array<i32>} : memref<8x80xi32, #tpu.memory_space<vmem>>, vector<16xi32>,
    tpu.vector_store %arg7[%swap3A_82, %swap3A_83], %and3A_73 {strides = array<i32>} : memref<8x80xi32, #tpu.memory_space<vmem>>, vector<16xi32>,
    %get3A_85 = arith.constant 48 : index
    %get3A_86 = tpu.vector_load %arg5[%get3A_85] {strides = array<i32>} : memref<10000xi32, #tpu.memory_space<vmem>>, vector<16xi32>,
    %and3A_87 = arith.constant 16383 : i32
    %and3A_88 = vector.broadcast %and3A_87 : i32 to vector<16xi32>
    %and3A_89 = arith.andi %get3A_86, %and3A_88 : vector<16xi32>
    %shift_right_arithmetic3A_90 = arith.constant 14 : i32
    %shift_right_arithmetic3A_91 = vector.broadcast %shift_right_arithmetic3A_90 : i32 to vector<16xi32>
    %shift_right_arithmetic3A_92 = arith.shrsi %get3A_86, %shift_right_arithmetic3A_91 : vector<16xi32>
    %swap3A_93 = arith.constant 0 : i32
    %swap3A_94 = arith.index_cast %swap3A_93 : i32 to index
    %swap3A_95 = arith.constant 48 : index
    %swap3A_96 = tpu.vector_load %arg6[%swap3A_94, %swap3A_95] {strides = array<i32>} : memref<8x80xi32, #tpu.memory_space<vmem>>, vector<16xi32>,
    tpu.vector_store %arg6[%swap3A_94, %swap3A_95], %shift_right_arithmetic3A_92 {strides = array<i32>} : memref<8x80xi32, #tpu.memory_space<vmem>>, vector<16xi32>,
    %swap3A_97 = arith.constant 0 : i32
    %swap3A_98 = arith.index_cast %swap3A_97 : i32 to index
    %swap3A_99 = arith.constant 48 : index
    %swap3A_100 = tpu.vector_load %arg7[%swap3A_98, %swap3A_99] {strides = array<i32>} : memref<8x80xi32, #tpu.memory_space<vmem>>, vector<16xi32>,
    tpu.vector_store %arg7[%swap3A_98, %swap3A_99], %and3A_89 {strides = array<i32>} : memref<8x80xi32, #tpu.memory_space<vmem>>, vector<16xi32>,
    %get3A_101 = arith.constant 64 : index
    %get3A_102 = tpu.vector_load %arg5[%get3A_101] {strides = array<i32>} : memref<10000xi32, #tpu.memory_space<vmem>>, vector<16xi32>,
    %and3A_103 = arith.constant 16383 : i32
    %and3A_104 = vector.broadcast %and3A_103 : i32 to vector<16xi32>
    %and3A_105 = arith.andi %get3A_102, %and3A_104 : vector<16xi32>
    %shift_right_arithmetic3A_106 = arith.constant 14 : i32
    %shift_right_arithmetic3A_107 = vector.broadcast %shift_right_arithmetic3A_106 : i32 to vector<16xi32>
    %shift_right_arithmetic3A_108 = arith.shrsi %get3A_102, %shift_right_arithmetic3A_107 : vector<16xi32>
    %swap3A_109 = arith.constant 0 : i32
    %swap3A_110 = arith.index_cast %swap3A_109 : i32 to index
    %swap3A_111 = arith.constant 64 : index
    %swap3A_112 = tpu.vector_load %arg6[%swap3A_110, %swap3A_111] {strides = array<i32>} : memref<8x80xi32, #tpu.memory_space<vmem>>, vector<16xi32>,
    tpu.vector_store %arg6[%swap3A_110, %swap3A_111], %shift_right_arithmetic3A_108 {strides = array<i32>} : memref<8x80xi32, #tpu.memory_space<vmem>>, vector<16xi32>,
    %swap3A_113 = arith.constant 0 : i32
    %swap3A_114 = arith.index_cast %swap3A_113 : i32 to index
    %swap3A_115 = arith.constant 64 : index
    %swap3A_116 = tpu.vector_load %arg7[%swap3A_114, %swap3A_115] {strides = array<i32>} : memref<8x80xi32, #tpu.memory_space<vmem>>, vector<16xi32>,
    tpu.vector_store %arg7[%swap3A_114, %swap3A_115], %and3A_105 {strides = array<i32>} : memref<8x80xi32, #tpu.memory_space<vmem>>, vector<16xi32>,
    %dma_start3A = arith.constant 0 : i32
    %dma_start3A_117 = arith.constant 0 : i32
    %dma_start3A_118 = tpu.memref_slice %arg6[%dma_start3A, %dma_start3A_117] : memref<8x80xi32, #tpu.memory_space<vmem>> -> memref<1x80xi32, #tpu.memory_space<vmem>>
    %dma_start3A_119 = tpu.memref_squeeze %dma_start3A_118 : memref<1x80xi32, #tpu.memory_space<vmem>> -> memref<80xi32, #tpu.memory_space<vmem>>
    %dma_start3A_120 = arith.constant 0 : i32
    %dma_start3A_121 = arith.constant 0 : i32
    %dma_start3A_122 = tpu.memref_slice %arg2[%dma_start3A_120, %dma_start3A_121] : memref<10000x128xf32, #tpu.memory_space<hbm>> -> memref<10000x128xf32, #tpu.memory_space<hbm>>
    tpu.enqueue_indirect_dma source(%dma_start3A_122 : memref<10000x128xf32, #tpu.memory_space<hbm>>) target(%arg8 : memref<80x128xf32, #tpu.memory_space<vmem>>) offsets(%dma_start3A_119 : memref<80xi32, #tpu.memory_space<vmem>>) semaphore(%arg11 : memref<!tpu.dma_semaphore, #tpu.memory_space<semaphore_mem>>)
    %get3A_123 = arith.constant 80 : index
    %get3A_124 = tpu.vector_load %arg5[%get3A_123] {strides = array<i32>} : memref<10000xi32, #tpu.memory_space<vmem>>, vector<16xi32>,
    %and3A_125 = arith.constant 16383 : i32
    %and3A_126 = vector.broadcast %and3A_125 : i32 to vector<16xi32>
    %and3A_127 = arith.andi %get3A_124, %and3A_126 : vector<16xi32>
    %shift_right_arithmetic3A_128 = arith.constant 14 : i32
    %shift_right_arithmetic3A_129 = vector.broadcast %shift_right_arithmetic3A_128 : i32 to vector<16xi32>
    %shift_right_arithmetic3A_130 = arith.shrsi %get3A_124, %shift_right_arithmetic3A_129 : vector<16xi32>
    %swap3A_131 = arith.constant 1 : i32
    %swap3A_132 = arith.index_cast %swap3A_131 : i32 to index
    %swap3A_133 = arith.constant 0 : index
    %swap3A_134 = tpu.vector_load %arg6[%swap3A_132, %swap3A_133] {strides = array<i32>} : memref<8x80xi32, #tpu.memory_space<vmem>>, vector<16xi32>,
    tpu.vector_store %arg6[%swap3A_132, %swap3A_133], %shift_right_arithmetic3A_130 {strides = array<i32>} : memref<8x80xi32, #tpu.memory_space<vmem>>, vector<16xi32>,
    %swap3A_135 = arith.constant 1 : i32
    %swap3A_136 = arith.index_cast %swap3A_135 : i32 to index
    %swap3A_137 = arith.constant 0 : index
    %swap3A_138 = tpu.vector_load %arg7[%swap3A_136, %swap3A_137] {strides = array<i32>} : memref<8x80xi32, #tpu.memory_space<vmem>>, vector<16xi32>,
    tpu.vector_store %arg7[%swap3A_136, %swap3A_137], %and3A_127 {strides = array<i32>} : memref<8x80xi32, #tpu.memory_space<vmem>>, vector<16xi32>,
    %get3A_139 = arith.constant 96 : index
    %get3A_140 = tpu.vector_load %arg5[%get3A_139] {strides = array<i32>} : memref<10000xi32, #tpu.memory_space<vmem>>, vector<16xi32>,
    %and3A_141 = arith.constant 16383 : i32
    %and3A_142 = vector.broadcast %and3A_141 : i32 to vector<16xi32>
    %and3A_143 = arith.andi %get3A_140, %and3A_142 : vector<16xi32>
    %shift_right_arithmetic3A_144 = arith.constant 14 : i32
    %shift_right_arithmetic3A_145 = vector.broadcast %shift_right_arithmetic3A_144 : i32 to vector<16xi32>
    %shift_right_arithmetic3A_146 = arith.shrsi %get3A_140, %shift_right_arithmetic3A_145 : vector<16xi32>
    %swap3A_147 = arith.constant 1 : i32
    %swap3A_148 = arith.index_cast %swap3A_147 : i32 to index
    %swap3A_149 = arith.constant 16 : index
    %swap3A_150 = tpu.vector_load %arg6[%swap3A_148, %swap3A_149] {strides = array<i32>} : memref<8x80xi32, #tpu.memory_space<vmem>>, vector<16xi32>,
    tpu.vector_store %arg6[%swap3A_148, %swap3A_149], %shift_right_arithmetic3A_146 {strides = array<i32>} : memref<8x80xi32, #tpu.memory_space<vmem>>, vector<16xi32>,
    %swap3A_151 = arith.constant 1 : i32
    %swap3A_152 = arith.index_cast %swap3A_151 : i32 to index
    %swap3A_153 = arith.constant 16 : index
    %swap3A_154 = tpu.vector_load %arg7[%swap3A_152, %swap3A_153] {strides = array<i32>} : memref<8x80xi32, #tpu.memory_space<vmem>>, vector<16xi32>,
    tpu.vector_store %arg7[%swap3A_152, %swap3A_153], %and3A_143 {strides = array<i32>} : memref<8x80xi32, #tpu.memory_space<vmem>>, vector<16xi32>,
    %get3A_155 = arith.constant 112 : index
    %get3A_156 = tpu.vector_load %arg5[%get3A_155] {strides = array<i32>} : memref<10000xi32, #tpu.memory_space<vmem>>, vector<16xi32>,
    %and3A_157 = arith.constant 16383 : i32
    %and3A_158 = vector.broadcast %and3A_157 : i32 to vector<16xi32>
    %and3A_159 = arith.andi %get3A_156, %and3A_158 : vector<16xi32>
    %shift_right_arithmetic3A_160 = arith.constant 14 : i32
    %shift_right_arithmetic3A_161 = vector.broadcast %shift_right_arithmetic3A_160 : i32 to vector<16xi32>
    %shift_right_arithmetic3A_162 = arith.shrsi %get3A_156, %shift_right_arithmetic3A_161 : vector<16xi32>
    %swap3A_163 = arith.constant 1 : i32
    %swap3A_164 = arith.index_cast %swap3A_163 : i32 to index
    %swap3A_165 = arith.constant 32 : index
    %swap3A_166 = tpu.vector_load %arg6[%swap3A_164, %swap3A_165] {strides = array<i32>} : memref<8x80xi32, #tpu.memory_space<vmem>>, vector<16xi32>,
    tpu.vector_store %arg6[%swap3A_164, %swap3A_165], %shift_right_arithmetic3A_162 {strides = array<i32>} : memref<8x80xi32, #tpu.memory_space<vmem>>, vector<16xi32>,
    %swap3A_167 = arith.constant 1 : i32
    %swap3A_168 = arith.index_cast %swap3A_167 : i32 to index
    %swap3A_169 = arith.constant 32 : index
    %swap3A_170 = tpu.vector_load %arg7[%swap3A_168, %swap3A_169] {strides = array<i32>} : memref<8x80xi32, #tpu.memory_space<vmem>>, vector<16xi32>,
    tpu.vector_store %arg7[%swap3A_168, %swap3A_169], %and3A_159 {strides = array<i32>} : memref<8x80xi32, #tpu.memory_space<vmem>>, vector<16xi32>,
    %get3A_171 = arith.constant 128 : index
    %get3A_172 = tpu.vector_load %arg5[%get3A_171] {strides = array<i32>} : memref<10000xi32, #tpu.memory_space<vmem>>, vector<16xi32>,
    %and3A_173 = arith.constant 16383 : i32
    %and3A_174 = vector.broadcast %and3A_173 : i32 to vector<16xi32>
    %and3A_175 = arith.andi %get3A_172, %and3A_174 : vector<16xi32>
    %shift_right_arithmetic3A_176 = arith.constant 14 : i32
    %shift_right_arithmetic3A_177 = vector.broadcast %shift_right_arithmetic3A_176 : i32 to vector<16xi32>
    %shift_right_arithmetic3A_178 = arith.shrsi %get3A_172, %shift_right_arithmetic3A_177 : vector<16xi32>
    %swap3A_179 = arith.constant 1 : i32
    %swap3A_180 = arith.index_cast %swap3A_179 : i32 to index
    %swap3A_181 = arith.constant 48 : index
    %swap3A_182 = tpu.vector_load %arg6[%swap3A_180, %swap3A_181] {strides = array<i32>} : memref<8x80xi32, #tpu.memory_space<vmem>>, vector<16xi32>,
    tpu.vector_store %arg6[%swap3A_180, %swap3A_181], %shift_right_arithmetic3A_178 {strides = array<i32>} : memref<8x80xi32, #tpu.memory_space<vmem>>, vector<16xi32>,
    %swap3A_183 = arith.constant 1 : i32
    %swap3A_184 = arith.index_cast %swap3A_183 : i32 to index
    %swap3A_185 = arith.constant 48 : index
    %swap3A_186 = tpu.vector_load %arg7[%swap3A_184, %swap3A_185] {strides = array<i32>} : memref<8x80xi32, #tpu.memory_space<vmem>>, vector<16xi32>,
    tpu.vector_store %arg7[%swap3A_184, %swap3A_185], %and3A_175 {strides = array<i32>} : memref<8x80xi32, #tpu.memory_space<vmem>>, vector<16xi32>,
    %get3A_187 = arith.constant 144 : index
    %get3A_188 = tpu.vector_load %arg5[%get3A_187] {strides = array<i32>} : memref<10000xi32, #tpu.memory_space<vmem>>, vector<16xi32>,
    %and3A_189 = arith.constant 16383 : i32
    %and3A_190 = vector.broadcast %and3A_189 : i32 to vector<16xi32>
    %and3A_191 = arith.andi %get3A_188, %and3A_190 : vector<16xi32>
    %shift_right_arithmetic3A_192 = arith.constant 14 : i32
    %shift_right_arithmetic3A_193 = vector.broadcast %shift_right_arithmetic3A_192 : i32 to vector<16xi32>
    %shift_right_arithmetic3A_194 = arith.shrsi %get3A_188, %shift_right_arithmetic3A_193 : vector<16xi32>
    %swap3A_195 = arith.constant 1 : i32
    %swap3A_196 = arith.index_cast %swap3A_195 : i32 to index
    %swap3A_197 = arith.constant 64 : index
    %swap3A_198 = tpu.vector_load %arg6[%swap3A_196, %swap3A_197] {strides = array<i32>} : memref<8x80xi32, #tpu.memory_space<vmem>>, vector<16xi32>,
    tpu.vector_store %arg6[%swap3A_196, %swap3A_197], %shift_right_arithmetic3A_194 {strides = array<i32>} : memref<8x80xi32, #tpu.memory_space<vmem>>, vector<16xi32>,
    %swap3A_199 = arith.constant 1 : i32
    %swap3A_200 = arith.index_cast %swap3A_199 : i32 to index
    %swap3A_201 = arith.constant 64 : index
    %swap3A_202 = tpu.vector_load %arg7[%swap3A_200, %swap3A_201] {strides = array<i32>} : memref<8x80xi32, #tpu.memory_space<vmem>>, vector<16xi32>,
    tpu.vector_store %arg7[%swap3A_200, %swap3A_201], %and3A_191 {strides = array<i32>} : memref<8x80xi32, #tpu.memory_space<vmem>>, vector<16xi32>,
    %dma_start3A_203 = arith.constant 1 : i32
    %dma_start3A_204 = arith.constant 0 : i32
    %dma_start3A_205 = tpu.memref_slice %arg6[%dma_start3A_203, %dma_start3A_204] : memref<8x80xi32, #tpu.memory_space<vmem>> -> memref<1x80xi32, #tpu.memory_space<vmem>>
    %dma_start3A_206 = tpu.memref_squeeze %dma_start3A_205 : memref<1x80xi32, #tpu.memory_space<vmem>> -> memref<80xi32, #tpu.memory_space<vmem>>
    %dma_start3A_207 = arith.constant 0 : i32
    %dma_start3A_208 = arith.constant 0 : i32
    %dma_start3A_209 = tpu.memref_slice %arg2[%dma_start3A_207, %dma_start3A_208] : memref<10000x128xf32, #tpu.memory_space<hbm>> -> memref<10000x128xf32, #tpu.memory_space<hbm>>
    tpu.enqueue_indirect_dma source(%dma_start3A_209 : memref<10000x128xf32, #tpu.memory_space<hbm>>) target(%arg9 : memref<80x128xf32, #tpu.memory_space<vmem>>) offsets(%dma_start3A_206 : memref<80xi32, #tpu.memory_space<vmem>>) semaphore(%arg12 : memref<!tpu.dma_semaphore, #tpu.memory_space<semaphore_mem>>)
    %scan3A_210 = arith.constant 0 : i32
    %scan3A_211 = arith.constant 41 : i32
    %scan3A_212 = arith.addi %scan3A_210, %scan3A_211 : i32
    %scan3A_213 = arith.constant 1 : i32
    scf.for %scan3A_289 = %scan3A_210 to %scan3A_212 step %scan3A_213  : i32 {
      %mul3A_290 = arith.constant 1 : i32
      %mul3A_291 = arith.muli %scan3A_289, %mul3A_290 : i32
      %add3A_292 = arith.constant 0 : i32
      %add3A_293 = arith.addi %add3A_292, %mul3A_291 : i32
      %mul3A_294 = arith.constant 3 : i32
      %mul3A_295 = arith.muli %mul3A_294, %add3A_293 : i32
      %add3A_296 = arith.constant 2 : i32
      %add3A_297 = arith.addi %mul3A_295, %add3A_296 : i32
      %mul3A_298 = arith.constant 80 : i32
      %mul3A_299 = arith.muli %add3A_297, %mul3A_298 : i32
      %add3A_300 = arith.constant 0 : i32
      %add3A_301 = arith.addi %mul3A_299, %add3A_300 : i32
      %get3A_302 = arith.index_cast %add3A_301 : i32 to index
      %get3A_303 = tpu.vector_load %arg5[%get3A_302] {strides = array<i32>} : memref<10000xi32, #tpu.memory_space<vmem>>, vector<16xi32>,
      %and3A_304 = arith.constant 16383 : i32
      %and3A_305 = vector.broadcast %and3A_304 : i32 to vector<16xi32>
      %and3A_306 = arith.andi %get3A_303, %and3A_305 : vector<16xi32>
      %shift_right_arithmetic3A_307 = arith.constant 14 : i32
      %shift_right_arithmetic3A_308 = vector.broadcast %shift_right_arithmetic3A_307 : i32 to vector<16xi32>
      %shift_right_arithmetic3A_309 = arith.shrsi %get3A_303, %shift_right_arithmetic3A_308 : vector<16xi32>
      %swap3A_310 = arith.constant 2 : i32
      %swap3A_311 = arith.index_cast %swap3A_310 : i32 to index
      %swap3A_312 = arith.constant 0 : index
      %swap3A_313 = tpu.vector_load %arg6[%swap3A_311, %swap3A_312] {strides = array<i32>} : memref<8x80xi32, #tpu.memory_space<vmem>>, vector<16xi32>,
      tpu.vector_store %arg6[%swap3A_311, %swap3A_312], %shift_right_arithmetic3A_309 {strides = array<i32>} : memref<8x80xi32, #tpu.memory_space<vmem>>, vector<16xi32>,
      %swap3A_314 = arith.constant 2 : i32
      %swap3A_315 = arith.index_cast %swap3A_314 : i32 to index
      %swap3A_316 = arith.constant 0 : index
      %swap3A_317 = tpu.vector_load %arg7[%swap3A_315, %swap3A_316] {strides = array<i32>} : memref<8x80xi32, #tpu.memory_space<vmem>>, vector<16xi32>,
      tpu.vector_store %arg7[%swap3A_315, %swap3A_316], %and3A_306 {strides = array<i32>} : memref<8x80xi32, #tpu.memory_space<vmem>>, vector<16xi32>,
      %mul3A_318 = arith.constant 80 : i32
      %mul3A_319 = arith.muli %add3A_297, %mul3A_318 : i32
      %add3A_320 = arith.constant 16 : i32
      %add3A_321 = arith.addi %mul3A_319, %add3A_320 : i32
      %get3A_322 = arith.index_cast %add3A_321 : i32 to index
      %get3A_323 = tpu.vector_load %arg5[%get3A_322] {strides = array<i32>} : memref<10000xi32, #tpu.memory_space<vmem>>, vector<16xi32>,
      %and3A_324 = arith.constant 16383 : i32
      %and3A_325 = vector.broadcast %and3A_324 : i32 to vector<16xi32>
      %and3A_326 = arith.andi %get3A_323, %and3A_325 : vector<16xi32>
      %shift_right_arithmetic3A_327 = arith.constant 14 : i32
      %shift_right_arithmetic3A_328 = vector.broadcast %shift_right_arithmetic3A_327 : i32 to vector<16xi32>
      %shift_right_arithmetic3A_329 = arith.shrsi %get3A_323, %shift_right_arithmetic3A_328 : vector<16xi32>
      %swap3A_330 = arith.constant 2 : i32
      %swap3A_331 = arith.index_cast %swap3A_330 : i32 to index
      %swap3A_332 = arith.constant 16 : index
      %swap3A_333 = tpu.vector_load %arg6[%swap3A_331, %swap3A_332] {strides = array<i32>} : memref<8x80xi32, #tpu.memory_space<vmem>>, vector<16xi32>,
      tpu.vector_store %arg6[%swap3A_331, %swap3A_332], %shift_right_arithmetic3A_329 {strides = array<i32>} : memref<8x80xi32, #tpu.memory_space<vmem>>, vector<16xi32>,
      %swap3A_334 = arith.constant 2 : i32
      %swap3A_335 = arith.index_cast %swap3A_334 : i32 to index
      %swap3A_336 = arith.constant 16 : index
      %swap3A_337 = tpu.vector_load %arg7[%swap3A_335, %swap3A_336] {strides = array<i32>} : memref<8x80xi32, #tpu.memory_space<vmem>>, vector<16xi32>,
      tpu.vector_store %arg7[%swap3A_335, %swap3A_336], %and3A_326 {strides = array<i32>} : memref<8x80xi32, #tpu.memory_space<vmem>>, vector<16xi32>,
      %mul3A_338 = arith.constant 80 : i32
      %mul3A_339 = arith.muli %add3A_297, %mul3A_338 : i32
      %add3A_340 = arith.constant 32 : i32
      %add3A_341 = arith.addi %mul3A_339, %add3A_340 : i32
      %get3A_342 = arith.index_cast %add3A_341 : i32 to index
      %get3A_343 = tpu.vector_load %arg5[%get3A_342] {strides = array<i32>} : memref<10000xi32, #tpu.memory_space<vmem>>, vector<16xi32>,
      %and3A_344 = arith.constant 16383 : i32
      %and3A_345 = vector.broadcast %and3A_344 : i32 to vector<16xi32>
      %and3A_346 = arith.andi %get3A_343, %and3A_345 : vector<16xi32>
      %shift_right_arithmetic3A_347 = arith.constant 14 : i32
      %shift_right_arithmetic3A_348 = vector.broadcast %shift_right_arithmetic3A_347 : i32 to vector<16xi32>
      %shift_right_arithmetic3A_349 = arith.shrsi %get3A_343, %shift_right_arithmetic3A_348 : vector<16xi32>
      %swap3A_350 = arith.constant 2 : i32
      %swap3A_351 = arith.index_cast %swap3A_350 : i32 to index
      %swap3A_352 = arith.constant 32 : index
      %swap3A_353 = tpu.vector_load %arg6[%swap3A_351, %swap3A_352] {strides = array<i32>} : memref<8x80xi32, #tpu.memory_space<vmem>>, vector<16xi32>,
      tpu.vector_store %arg6[%swap3A_351, %swap3A_352], %shift_right_arithmetic3A_349 {strides = array<i32>} : memref<8x80xi32, #tpu.memory_space<vmem>>, vector<16xi32>,
      %swap3A_354 = arith.constant 2 : i32
      %swap3A_355 = arith.index_cast %swap3A_354 : i32 to index
      %swap3A_356 = arith.constant 32 : index
      %swap3A_357 = tpu.vector_load %arg7[%swap3A_355, %swap3A_356] {strides = array<i32>} : memref<8x80xi32, #tpu.memory_space<vmem>>, vector<16xi32>,
      tpu.vector_store %arg7[%swap3A_355, %swap3A_356], %and3A_346 {strides = array<i32>} : memref<8x80xi32, #tpu.memory_space<vmem>>, vector<16xi32>,
      %mul3A_358 = arith.constant 80 : i32
      %mul3A_359 = arith.muli %add3A_297, %mul3A_358 : i32
      %add3A_360 = arith.constant 48 : i32
      %add3A_361 = arith.addi %mul3A_359, %add3A_360 : i32
      %get3A_362 = arith.index_cast %add3A_361 : i32 to index
      %get3A_363 = tpu.vector_load %arg5[%get3A_362] {strides = array<i32>} : memref<10000xi32, #tpu.memory_space<vmem>>, vector<16xi32>,
      %and3A_364 = arith.constant 16383 : i32
      %and3A_365 = vector.broadcast %and3A_364 : i32 to vector<16xi32>
      %and3A_366 = arith.andi %get3A_363, %and3A_365 : vector<16xi32>
      %shift_right_arithmetic3A_367 = arith.constant 14 : i32
      %shift_right_arithmetic3A_368 = vector.broadcast %shift_right_arithmetic3A_367 : i32 to vector<16xi32>
      %shift_right_arithmetic3A_369 = arith.shrsi %get3A_363, %shift_right_arithmetic3A_368 : vector<16xi32>
      %swap3A_370 = arith.constant 2 : i32
      %swap3A_371 = arith.index_cast %swap3A_370 : i32 to index
      %swap3A_372 = arith.constant 48 : index
      %swap3A_373 = tpu.vector_load %arg6[%swap3A_371, %swap3A_372] {strides = array<i32>} : memref<8x80xi32, #tpu.memory_space<vmem>>, vector<16xi32>,
      tpu.vector_store %arg6[%swap3A_371, %swap3A_372], %shift_right_arithmetic3A_369 {strides = array<i32>} : memref<8x80xi32, #tpu.memory_space<vmem>>, vector<16xi32>,
      %swap3A_374 = arith.constant 2 : i32
      %swap3A_375 = arith.index_cast %swap3A_374 : i32 to index
      %swap3A_376 = arith.constant 48 : index
      %swap3A_377 = tpu.vector_load %arg7[%swap3A_375, %swap3A_376] {strides = array<i32>} : memref<8x80xi32, #tpu.memory_space<vmem>>, vector<16xi32>,
      tpu.vector_store %arg7[%swap3A_375, %swap3A_376], %and3A_366 {strides = array<i32>} : memref<8x80xi32, #tpu.memory_space<vmem>>, vector<16xi32>,
      %mul3A_378 = arith.constant 80 : i32
      %mul3A_379 = arith.muli %add3A_297, %mul3A_378 : i32
      %add3A_380 = arith.constant 64 : i32
      %add3A_381 = arith.addi %mul3A_379, %add3A_380 : i32
      %get3A_382 = arith.index_cast %add3A_381 : i32 to index
      %get3A_383 = tpu.vector_load %arg5[%get3A_382] {strides = array<i32>} : memref<10000xi32, #tpu.memory_space<vmem>>, vector<16xi32>,
      %and3A_384 = arith.constant 16383 : i32
      %and3A_385 = vector.broadcast %and3A_384 : i32 to vector<16xi32>
      %and3A_386 = arith.andi %get3A_383, %and3A_385 : vector<16xi32>
      %shift_right_arithmetic3A_387 = arith.constant 14 : i32
      %shift_right_arithmetic3A_388 = vector.broadcast %shift_right_arithmetic3A_387 : i32 to vector<16xi32>
      %shift_right_arithmetic3A_389 = arith.shrsi %get3A_383, %shift_right_arithmetic3A_388 : vector<16xi32>
      %swap3A_390 = arith.constant 2 : i32
      %swap3A_391 = arith.index_cast %swap3A_390 : i32 to index
      %swap3A_392 = arith.constant 64 : index
      %swap3A_393 = tpu.vector_load %arg6[%swap3A_391, %swap3A_392] {strides = array<i32>} : memref<8x80xi32, #tpu.memory_space<vmem>>, vector<16xi32>,
      tpu.vector_store %arg6[%swap3A_391, %swap3A_392], %shift_right_arithmetic3A_389 {strides = array<i32>} : memref<8x80xi32, #tpu.memory_space<vmem>>, vector<16xi32>,
      %swap3A_394 = arith.constant 2 : i32
      %swap3A_395 = arith.index_cast %swap3A_394 : i32 to index
      %swap3A_396 = arith.constant 64 : index
      %swap3A_397 = tpu.vector_load %arg7[%swap3A_395, %swap3A_396] {strides = array<i32>} : memref<8x80xi32, #tpu.memory_space<vmem>>, vector<16xi32>,
      tpu.vector_store %arg7[%swap3A_395, %swap3A_396], %and3A_386 {strides = array<i32>} : memref<8x80xi32, #tpu.memory_space<vmem>>, vector<16xi32>,
      %dma_wait3A_398 = arith.constant 0 : i32
      %dma_wait3A_399 = arith.constant 0 : i32
      %dma_wait3A_400 = tpu.memref_slice %arg6[%dma_wait3A_398, %dma_wait3A_399] : memref<8x80xi32, #tpu.memory_space<vmem>> -> memref<1x80xi32, #tpu.memory_space<vmem>>
      %dma_wait3A_401 = tpu.memref_squeeze %dma_wait3A_400 : memref<1x80xi32, #tpu.memory_space<vmem>> -> memref<80xi32, #tpu.memory_space<vmem>>
      %dma_wait3A_402 = arith.constant 0 : i32
      %dma_wait3A_403 = arith.constant 0 : i32
      %dma_wait3A_404 = tpu.memref_slice %arg2[%dma_wait3A_402, %dma_wait3A_403] : memref<10000x128xf32, #tpu.memory_space<hbm>> -> memref<10000x128xf32, #tpu.memory_space<hbm>>
      tpu.wait_indirect_dma semaphore(%arg11 : memref<!tpu.dma_semaphore, #tpu.memory_space<semaphore_mem>>) src(%dma_wait3A_404 : memref<10000x128xf32, #tpu.memory_space<hbm>>) dst(%arg8 : memref<80x128xf32, #tpu.memory_space<vmem>>)
      %dma_start3A_405 = arith.constant 2 : i32
      %dma_start3A_406 = arith.constant 0 : i32
      %dma_start3A_407 = tpu.memref_slice %arg6[%dma_start3A_405, %dma_start3A_406] : memref<8x80xi32, #tpu.memory_space<vmem>> -> memref<1x80xi32, #tpu.memory_space<vmem>>
      %dma_start3A_408 = tpu.memref_squeeze %dma_start3A_407 : memref<1x80xi32, #tpu.memory_space<vmem>> -> memref<80xi32, #tpu.memory_space<vmem>>
      %dma_start3A_409 = arith.constant 0 : i32
      %dma_start3A_410 = arith.constant 0 : i32
      %dma_start3A_411 = tpu.memref_slice %arg2[%dma_start3A_409, %dma_start3A_410] : memref<10000x128xf32, #tpu.memory_space<hbm>> -> memref<10000x128xf32, #tpu.memory_space<hbm>>
      tpu.enqueue_indirect_dma source(%dma_start3A_411 : memref<10000x128xf32, #tpu.memory_space<hbm>>) target(%arg10 : memref<80x128xf32, #tpu.memory_space<vmem>>) offsets(%dma_start3A_408 : memref<80xi32, #tpu.memory_space<vmem>>) semaphore(%arg13 : memref<!tpu.dma_semaphore, #tpu.memory_space<semaphore_mem>>)
      %run_scoped3A_412 = arith.constant 0 : i32
      "tpu.region"() ({
        %run_scoped3A_651 = tpu.sem_alloc : memref<!tpu.dma_semaphore, #tpu.memory_space<semaphore_mem>>
        %dma_start3A_652 = arith.constant 0 : i32
        %dma_start3A_653 = tpu.memref_slice %arg7[%run_scoped3A_412, %dma_start3A_652] : memref<8x80xi32, #tpu.memory_space<vmem>> -> memref<1x80xi32, #tpu.memory_space<vmem>>
        %dma_start3A_654 = tpu.memref_squeeze %dma_start3A_653 : memref<1x80xi32, #tpu.memory_space<vmem>> -> memref<80xi32, #tpu.memory_space<vmem>>
        %dma_start3A_655 = arith.constant 0 : i32
        %dma_start3A_656 = arith.constant 0 : i32
        %dma_start3A_657 = tpu.memref_slice %arg14[%dma_start3A_655, %dma_start3A_656] : memref<10000x128xf32, #tpu.memory_space<vmem_shared>> -> memref<10000x128xf32, #tpu.memory_space<vmem_shared>>
        tpu.enqueue_indirect_dma source(%arg8 : memref<80x128xf32, #tpu.memory_space<vmem>>) target(%dma_start3A_657 : memref<10000x128xf32, #tpu.memory_space<vmem_shared>>) offsets(%dma_start3A_654 : memref<80xi32, #tpu.memory_space<vmem>>) semaphore(%run_scoped3A_651 : memref<!tpu.dma_semaphore, #tpu.memory_space<semaphore_mem>>) {add = true}
        %dma_wait3A_658 = arith.constant 0 : i32
        %dma_wait3A_659 = tpu.memref_slice %arg7[%run_scoped3A_412, %dma_wait3A_658] : memref<8x80xi32, #tpu.memory_space<vmem>> -> memref<1x80xi32, #tpu.memory_space<vmem>>
        %dma_wait3A_660 = tpu.memref_squeeze %dma_wait3A_659 : memref<1x80xi32, #tpu.memory_space<vmem>> -> memref<80xi32, #tpu.memory_space<vmem>>
        %dma_wait3A_661 = arith.constant 0 : i32
        %dma_wait3A_662 = arith.constant 0 : i32
        %dma_wait3A_663 = tpu.memref_slice %arg14[%dma_wait3A_661, %dma_wait3A_662] : memref<10000x128xf32, #tpu.memory_space<vmem_shared>> -> memref<10000x128xf32, #tpu.memory_space<vmem_shared>>
        tpu.wait_indirect_dma semaphore(%run_scoped3A_651 : memref<!tpu.dma_semaphore, #tpu.memory_space<semaphore_mem>>) src(%arg8 : memref<80x128xf32, #tpu.memory_space<vmem>>) dst(%dma_wait3A_663 : memref<10000x128xf32, #tpu.memory_space<vmem_shared>>)
        tpu.yield
      }) : () -> ()
      %add3A_413 = arith.constant 1 : i32
      %add3A_414 = arith.addi %mul3A_295, %add3A_413 : i32
      %add3A_415 = arith.constant 2 : i32
      %add3A_416 = arith.addi %add3A_414, %add3A_415 : i32
      %mul3A_417 = arith.constant 80 : i32
      %mul3A_418 = arith.muli %add3A_416, %mul3A_417 : i32
      %add3A_419 = arith.constant 0 : i32
      %add3A_420 = arith.addi %mul3A_418, %add3A_419 : i32
      %get3A_421 = arith.index_cast %add3A_420 : i32 to index
      %get3A_422 = tpu.vector_load %arg5[%get3A_421] {strides = array<i32>} : memref<10000xi32, #tpu.memory_space<vmem>>, vector<16xi32>,
      %and3A_423 = arith.constant 16383 : i32
      %and3A_424 = vector.broadcast %and3A_423 : i32 to vector<16xi32>
      %and3A_425 = arith.andi %get3A_422, %and3A_424 : vector<16xi32>
      %shift_right_arithmetic3A_426 = arith.constant 14 : i32
      %shift_right_arithmetic3A_427 = vector.broadcast %shift_right_arithmetic3A_426 : i32 to vector<16xi32>
      %shift_right_arithmetic3A_428 = arith.shrsi %get3A_422, %shift_right_arithmetic3A_427 : vector<16xi32>
      %swap3A_429 = arith.constant 0 : i32
      %swap3A_430 = arith.index_cast %swap3A_429 : i32 to index
      %swap3A_431 = arith.constant 0 : index
      %swap3A_432 = tpu.vector_load %arg6[%swap3A_430, %swap3A_431] {strides = array<i32>} : memref<8x80xi32, #tpu.memory_space<vmem>>, vector<16xi32>,
      tpu.vector_store %arg6[%swap3A_430, %swap3A_431], %shift_right_arithmetic3A_428 {strides = array<i32>} : memref<8x80xi32, #tpu.memory_space<vmem>>, vector<16xi32>,
      %swap3A_433 = arith.constant 0 : i32
      %swap3A_434 = arith.index_cast %swap3A_433 : i32 to index
      %swap3A_435 = arith.constant 0 : index
      %swap3A_436 = tpu.vector_load %arg7[%swap3A_434, %swap3A_435] {strides = array<i32>} : memref<8x80xi32, #tpu.memory_space<vmem>>, vector<16xi32>,
      tpu.vector_store %arg7[%swap3A_434, %swap3A_435], %and3A_425 {strides = array<i32>} : memref<8x80xi32, #tpu.memory_space<vmem>>, vector<16xi32>,
      %mul3A_437 = arith.constant 80 : i32
      %mul3A_438 = arith.muli %add3A_416, %mul3A_437 : i32
      %add3A_439 = arith.constant 16 : i32
      %add3A_440 = arith.addi %mul3A_438, %add3A_439 : i32
      %get3A_441 = arith.index_cast %add3A_440 : i32 to index
      %get3A_442 = tpu.vector_load %arg5[%get3A_441] {strides = array<i32>} : memref<10000xi32, #tpu.memory_space<vmem>>, vector<16xi32>,
      %and3A_443 = arith.constant 16383 : i32
      %and3A_444 = vector.broadcast %and3A_443 : i32 to vector<16xi32>
      %and3A_445 = arith.andi %get3A_442, %and3A_444 : vector<16xi32>
      %shift_right_arithmetic3A_446 = arith.constant 14 : i32
      %shift_right_arithmetic3A_447 = vector.broadcast %shift_right_arithmetic3A_446 : i32 to vector<16xi32>
      %shift_right_arithmetic3A_448 = arith.shrsi %get3A_442, %shift_right_arithmetic3A_447 : vector<16xi32>
      %swap3A_449 = arith.constant 0 : i32
      %swap3A_450 = arith.index_cast %swap3A_449 : i32 to index
      %swap3A_451 = arith.constant 16 : index
      %swap3A_452 = tpu.vector_load %arg6[%swap3A_450, %swap3A_451] {strides = array<i32>} : memref<8x80xi32, #tpu.memory_space<vmem>>, vector<16xi32>,
      tpu.vector_store %arg6[%swap3A_450, %swap3A_451], %shift_right_arithmetic3A_448 {strides = array<i32>} : memref<8x80xi32, #tpu.memory_space<vmem>>, vector<16xi32>,
      %swap3A_453 = arith.constant 0 : i32
      %swap3A_454 = arith.index_cast %swap3A_453 : i32 to index
      %swap3A_455 = arith.constant 16 : index
      %swap3A_456 = tpu.vector_load %arg7[%swap3A_454, %swap3A_455] {strides = array<i32>} : memref<8x80xi32, #tpu.memory_space<vmem>>, vector<16xi32>,
      tpu.vector_store %arg7[%swap3A_454, %swap3A_455], %and3A_445 {strides = array<i32>} : memref<8x80xi32, #tpu.memory_space<vmem>>, vector<16xi32>,
      %mul3A_457 = arith.constant 80 : i32
      %mul3A_458 = arith.muli %add3A_416, %mul3A_457 : i32
      %add3A_459 = arith.constant 32 : i32
      %add3A_460 = arith.addi %mul3A_458, %add3A_459 : i32
      %get3A_461 = arith.index_cast %add3A_460 : i32 to index
      %get3A_462 = tpu.vector_load %arg5[%get3A_461] {strides = array<i32>} : memref<10000xi32, #tpu.memory_space<vmem>>, vector<16xi32>,
      %and3A_463 = arith.constant 16383 : i32
      %and3A_464 = vector.broadcast %and3A_463 : i32 to vector<16xi32>
      %and3A_465 = arith.andi %get3A_462, %and3A_464 : vector<16xi32>
      %shift_right_arithmetic3A_466 = arith.constant 14 : i32
      %shift_right_arithmetic3A_467 = vector.broadcast %shift_right_arithmetic3A_466 : i32 to vector<16xi32>
      %shift_right_arithmetic3A_468 = arith.shrsi %get3A_462, %shift_right_arithmetic3A_467 : vector<16xi32>
      %swap3A_469 = arith.constant 0 : i32
      %swap3A_470 = arith.index_cast %swap3A_469 : i32 to index
      %swap3A_471 = arith.constant 32 : index
      %swap3A_472 = tpu.vector_load %arg6[%swap3A_470, %swap3A_471] {strides = array<i32>} : memref<8x80xi32, #tpu.memory_space<vmem>>, vector<16xi32>,
      tpu.vector_store %arg6[%swap3A_470, %swap3A_471], %shift_right_arithmetic3A_468 {strides = array<i32>} : memref<8x80xi32, #tpu.memory_space<vmem>>, vector<16xi32>,
      %swap3A_473 = arith.constant 0 : i32
      %swap3A_474 = arith.index_cast %swap3A_473 : i32 to index
      %swap3A_475 = arith.constant 32 : index
      %swap3A_476 = tpu.vector_load %arg7[%swap3A_474, %swap3A_475] {strides = array<i32>} : memref<8x80xi32, #tpu.memory_space<vmem>>, vector<16xi32>,
      tpu.vector_store %arg7[%swap3A_474, %swap3A_475], %and3A_465 {strides = array<i32>} : memref<8x80xi32, #tpu.memory_space<vmem>>, vector<16xi32>,
      %mul3A_477 = arith.constant 80 : i32
      %mul3A_478 = arith.muli %add3A_416, %mul3A_477 : i32
      %add3A_479 = arith.constant 48 : i32
      %add3A_480 = arith.addi %mul3A_478, %add3A_479 : i32
      %get3A_481 = arith.index_cast %add3A_480 : i32 to index
      %get3A_482 = tpu.vector_load %arg5[%get3A_481] {strides = array<i32>} : memref<10000xi32, #tpu.memory_space<vmem>>, vector<16xi32>,
      %and3A_483 = arith.constant 16383 : i32
      %and3A_484 = vector.broadcast %and3A_483 : i32 to vector<16xi32>
      %and3A_485 = arith.andi %get3A_482, %and3A_484 : vector<16xi32>
      %shift_right_arithmetic3A_486 = arith.constant 14 : i32
      %shift_right_arithmetic3A_487 = vector.broadcast %shift_right_arithmetic3A_486 : i32 to vector<16xi32>
      %shift_right_arithmetic3A_488 = arith.shrsi %get3A_482, %shift_right_arithmetic3A_487 : vector<16xi32>
      %swap3A_489 = arith.constant 0 : i32
      %swap3A_490 = arith.index_cast %swap3A_489 : i32 to index
      %swap3A_491 = arith.constant 48 : index
      %swap3A_492 = tpu.vector_load %arg6[%swap3A_490, %swap3A_491] {strides = array<i32>} : memref<8x80xi32, #tpu.memory_space<vmem>>, vector<16xi32>,
      tpu.vector_store %arg6[%swap3A_490, %swap3A_491], %shift_right_arithmetic3A_488 {strides = array<i32>} : memref<8x80xi32, #tpu.memory_space<vmem>>, vector<16xi32>,
      %swap3A_493 = arith.constant 0 : i32
      %swap3A_494 = arith.index_cast %swap3A_493 : i32 to index
      %swap3A_495 = arith.constant 48 : index
      %swap3A_496 = tpu.vector_load %arg7[%swap3A_494, %swap3A_495] {strides = array<i32>} : memref<8x80xi32, #tpu.memory_space<vmem>>, vector<16xi32>,
      tpu.vector_store %arg7[%swap3A_494, %swap3A_495], %and3A_485 {strides = array<i32>} : memref<8x80xi32, #tpu.memory_space<vmem>>, vector<16xi32>,
      %mul3A_497 = arith.constant 80 : i32
      %mul3A_498 = arith.muli %add3A_416, %mul3A_497 : i32
      %add3A_499 = arith.constant 64 : i32
      %add3A_500 = arith.addi %mul3A_498, %add3A_499 : i32
      %get3A_501 = arith.index_cast %add3A_500 : i32 to index
      %get3A_502 = tpu.vector_load %arg5[%get3A_501] {strides = array<i32>} : memref<10000xi32, #tpu.memory_space<vmem>>, vector<16xi32>,
      %and3A_503 = arith.constant 16383 : i32
      %and3A_504 = vector.broadcast %and3A_503 : i32 to vector<16xi32>
      %and3A_505 = arith.andi %get3A_502, %and3A_504 : vector<16xi32>
      %shift_right_arithmetic3A_506 = arith.constant 14 : i32
      %shift_right_arithmetic3A_507 = vector.broadcast %shift_right_arithmetic3A_506 : i32 to vector<16xi32>
      %shift_right_arithmetic3A_508 = arith.shrsi %get3A_502, %shift_right_arithmetic3A_507 : vector<16xi32>
      %swap3A_509 = arith.constant 0 : i32
      %swap3A_510 = arith.index_cast %swap3A_509 : i32 to index
      %swap3A_511 = arith.constant 64 : index
      %swap3A_512 = tpu.vector_load %arg6[%swap3A_510, %swap3A_511] {strides = array<i32>} : memref<8x80xi32, #tpu.memory_space<vmem>>, vector<16xi32>,
      tpu.vector_store %arg6[%swap3A_510, %swap3A_511], %shift_right_arithmetic3A_508 {strides = array<i32>} : memref<8x80xi32, #tpu.memory_space<vmem>>, vector<16xi32>,
      %swap3A_513 = arith.constant 0 : i32
      %swap3A_514 = arith.index_cast %swap3A_513 : i32 to index
      %swap3A_515 = arith.constant 64 : index
      %swap3A_516 = tpu.vector_load %arg7[%swap3A_514, %swap3A_515] {strides = array<i32>} : memref<8x80xi32, #tpu.memory_space<vmem>>, vector<16xi32>,
      tpu.vector_store %arg7[%swap3A_514, %swap3A_515], %and3A_505 {strides = array<i32>} : memref<8x80xi32, #tpu.memory_space<vmem>>, vector<16xi32>,
      %dma_wait3A_517 = arith.constant 1 : i32
      %dma_wait3A_518 = arith.constant 0 : i32
      %dma_wait3A_519 = tpu.memref_slice %arg6[%dma_wait3A_517, %dma_wait3A_518] : memref<8x80xi32, #tpu.memory_space<vmem>> -> memref<1x80xi32, #tpu.memory_space<vmem>>
      %dma_wait3A_520 = tpu.memref_squeeze %dma_wait3A_519 : memref<1x80xi32, #tpu.memory_space<vmem>> -> memref<80xi32, #tpu.memory_space<vmem>>
      %dma_wait3A_521 = arith.constant 0 : i32
      %dma_wait3A_522 = arith.constant 0 : i32
      %dma_wait3A_523 = tpu.memref_slice %arg2[%dma_wait3A_521, %dma_wait3A_522] : memref<10000x128xf32, #tpu.memory_space<hbm>> -> memref<10000x128xf32, #tpu.memory_space<hbm>>
      tpu.wait_indirect_dma semaphore(%arg12 : memref<!tpu.dma_semaphore, #tpu.memory_space<semaphore_mem>>) src(%dma_wait3A_523 : memref<10000x128xf32, #tpu.memory_space<hbm>>) dst(%arg9 : memref<80x128xf32, #tpu.memory_space<vmem>>)
      %dma_start3A_524 = arith.constant 0 : i32
      %dma_start3A_525 = arith.constant 0 : i32
      %dma_start3A_526 = tpu.memref_slice %arg6[%dma_start3A_524, %dma_start3A_525] : memref<8x80xi32, #tpu.memory_space<vmem>> -> memref<1x80xi32, #tpu.memory_space<vmem>>
      %dma_start3A_527 = tpu.memref_squeeze %dma_start3A_526 : memref<1x80xi32, #tpu.memory_space<vmem>> -> memref<80xi32, #tpu.memory_space<vmem>>
      %dma_start3A_528 = arith.constant 0 : i32
      %dma_start3A_529 = arith.constant 0 : i32
      %dma_start3A_530 = tpu.memref_slice %arg2[%dma_start3A_528, %dma_start3A_529] : memref<10000x128xf32, #tpu.memory_space<hbm>> -> memref<10000x128xf32, #tpu.memory_space<hbm>>
      tpu.enqueue_indirect_dma source(%dma_start3A_530 : memref<10000x128xf32, #tpu.memory_space<hbm>>) target(%arg8 : memref<80x128xf32, #tpu.memory_space<vmem>>) offsets(%dma_start3A_527 : memref<80xi32, #tpu.memory_space<vmem>>) semaphore(%arg11 : memref<!tpu.dma_semaphore, #tpu.memory_space<semaphore_mem>>)
      %run_scoped3A_531 = arith.constant 1 : i32
      "tpu.region"() ({
        %run_scoped3A_651 = tpu.sem_alloc : memref<!tpu.dma_semaphore, #tpu.memory_space<semaphore_mem>>
        %dma_start3A_652 = arith.constant 0 : i32
        %dma_start3A_653 = tpu.memref_slice %arg7[%run_scoped3A_531, %dma_start3A_652] : memref<8x80xi32, #tpu.memory_space<vmem>> -> memref<1x80xi32, #tpu.memory_space<vmem>>
        %dma_start3A_654 = tpu.memref_squeeze %dma_start3A_653 : memref<1x80xi32, #tpu.memory_space<vmem>> -> memref<80xi32, #tpu.memory_space<vmem>>
        %dma_start3A_655 = arith.constant 0 : i32
        %dma_start3A_656 = arith.constant 0 : i32
        %dma_start3A_657 = tpu.memref_slice %arg14[%dma_start3A_655, %dma_start3A_656] : memref<10000x128xf32, #tpu.memory_space<vmem_shared>> -> memref<10000x128xf32, #tpu.memory_space<vmem_shared>>
        tpu.enqueue_indirect_dma source(%arg9 : memref<80x128xf32, #tpu.memory_space<vmem>>) target(%dma_start3A_657 : memref<10000x128xf32, #tpu.memory_space<vmem_shared>>) offsets(%dma_start3A_654 : memref<80xi32, #tpu.memory_space<vmem>>) semaphore(%run_scoped3A_651 : memref<!tpu.dma_semaphore, #tpu.memory_space<semaphore_mem>>) {add = true}
        %dma_wait3A_658 = arith.constant 0 : i32
        %dma_wait3A_659 = tpu.memref_slice %arg7[%run_scoped3A_531, %dma_wait3A_658] : memref<8x80xi32, #tpu.memory_space<vmem>> -> memref<1x80xi32, #tpu.memory_space<vmem>>
        %dma_wait3A_660 = tpu.memref_squeeze %dma_wait3A_659 : memref<1x80xi32, #tpu.memory_space<vmem>> -> memref<80xi32, #tpu.memory_space<vmem>>
        %dma_wait3A_661 = arith.constant 0 : i32
        %dma_wait3A_662 = arith.constant 0 : i32
        %dma_wait3A_663 = tpu.memref_slice %arg14[%dma_wait3A_661, %dma_wait3A_662] : memref<10000x128xf32, #tpu.memory_space<vmem_shared>> -> memref<10000x128xf32, #tpu.memory_space<vmem_shared>>
        tpu.wait_indirect_dma semaphore(%run_scoped3A_651 : memref<!tpu.dma_semaphore, #tpu.memory_space<semaphore_mem>>) src(%arg9 : memref<80x128xf32, #tpu.memory_space<vmem>>) dst(%dma_wait3A_663 : memref<10000x128xf32, #tpu.memory_space<vmem_shared>>)
        tpu.yield
      }) : () -> ()
      %add3A_532 = arith.constant 2 : i32
      %add3A_533 = arith.addi %mul3A_295, %add3A_532 : i32
      %add3A_534 = arith.constant 2 : i32
      %add3A_535 = arith.addi %add3A_533, %add3A_534 : i32
      %mul3A_536 = arith.constant 80 : i32
      %mul3A_537 = arith.muli %add3A_535, %mul3A_536 : i32
      %add3A_538 = arith.constant 0 : i32
      %add3A_539 = arith.addi %mul3A_537, %add3A_538 : i32
      %get3A_540 = arith.index_cast %add3A_539 : i32 to index
      %get3A_541 = tpu.vector_load %arg5[%get3A_540] {strides = array<i32>} : memref<10000xi32, #tpu.memory_space<vmem>>, vector<16xi32>,
      %and3A_542 = arith.constant 16383 : i32
      %and3A_543 = vector.broadcast %and3A_542 : i32 to vector<16xi32>
      %and3A_544 = arith.andi %get3A_541, %and3A_543 : vector<16xi32>
      %shift_right_arithmetic3A_545 = arith.constant 14 : i32
      %shift_right_arithmetic3A_546 = vector.broadcast %shift_right_arithmetic3A_545 : i32 to vector<16xi32>
      %shift_right_arithmetic3A_547 = arith.shrsi %get3A_541, %shift_right_arithmetic3A_546 : vector<16xi32>
      %swap3A_548 = arith.constant 1 : i32
      %swap3A_549 = arith.index_cast %swap3A_548 : i32 to index
      %swap3A_550 = arith.constant 0 : index
      %swap3A_551 = tpu.vector_load %arg6[%swap3A_549, %swap3A_550] {strides = array<i32>} : memref<8x80xi32, #tpu.memory_space<vmem>>, vector<16xi32>,
      tpu.vector_store %arg6[%swap3A_549, %swap3A_550], %shift_right_arithmetic3A_547 {strides = array<i32>} : memref<8x80xi32, #tpu.memory_space<vmem>>, vector<16xi32>,
      %swap3A_552 = arith.constant 1 : i32
      %swap3A_553 = arith.index_cast %swap3A_552 : i32 to index
      %swap3A_554 = arith.constant 0 : index
      %swap3A_555 = tpu.vector_load %arg7[%swap3A_553, %swap3A_554] {strides = array<i32>} : memref<8x80xi32, #tpu.memory_space<vmem>>, vector<16xi32>,
      tpu.vector_store %arg7[%swap3A_553, %swap3A_554], %and3A_544 {strides = array<i32>} : memref<8x80xi32, #tpu.memory_space<vmem>>, vector<16xi32>,
      %mul3A_556 = arith.constant 80 : i32
      %mul3A_557 = arith.muli %add3A_535, %mul3A_556 : i32
      %add3A_558 = arith.constant 16 : i32
      %add3A_559 = arith.addi %mul3A_557, %add3A_558 : i32
      %get3A_560 = arith.index_cast %add3A_559 : i32 to index
      %get3A_561 = tpu.vector_load %arg5[%get3A_560] {strides = array<i32>} : memref<10000xi32, #tpu.memory_space<vmem>>, vector<16xi32>,
      %and3A_562 = arith.constant 16383 : i32
      %and3A_563 = vector.broadcast %and3A_562 : i32 to vector<16xi32>
      %and3A_564 = arith.andi %get3A_561, %and3A_563 : vector<16xi32>
      %shift_right_arithmetic3A_565 = arith.constant 14 : i32
      %shift_right_arithmetic3A_566 = vector.broadcast %shift_right_arithmetic3A_565 : i32 to vector<16xi32>
      %shift_right_arithmetic3A_567 = arith.shrsi %get3A_561, %shift_right_arithmetic3A_566 : vector<16xi32>
      %swap3A_568 = arith.constant 1 : i32
      %swap3A_569 = arith.index_cast %swap3A_568 : i32 to index
      %swap3A_570 = arith.constant 16 : index
      %swap3A_571 = tpu.vector_load %arg6[%swap3A_569, %swap3A_570] {strides = array<i32>} : memref<8x80xi32, #tpu.memory_space<vmem>>, vector<16xi32>,
      tpu.vector_store %arg6[%swap3A_569, %swap3A_570], %shift_right_arithmetic3A_567 {strides = array<i32>} : memref<8x80xi32, #tpu.memory_space<vmem>>, vector<16xi32>,
      %swap3A_572 = arith.constant 1 : i32
      %swap3A_573 = arith.index_cast %swap3A_572 : i32 to index
      %swap3A_574 = arith.constant 16 : index
      %swap3A_575 = tpu.vector_load %arg7[%swap3A_573, %swap3A_574] {strides = array<i32>} : memref<8x80xi32, #tpu.memory_space<vmem>>, vector<16xi32>,
      tpu.vector_store %arg7[%swap3A_573, %swap3A_574], %and3A_564 {strides = array<i32>} : memref<8x80xi32, #tpu.memory_space<vmem>>, vector<16xi32>,
      %mul3A_576 = arith.constant 80 : i32
      %mul3A_577 = arith.muli %add3A_535, %mul3A_576 : i32
      %add3A_578 = arith.constant 32 : i32
      %add3A_579 = arith.addi %mul3A_577, %add3A_578 : i32
      %get3A_580 = arith.index_cast %add3A_579 : i32 to index
      %get3A_581 = tpu.vector_load %arg5[%get3A_580] {strides = array<i32>} : memref<10000xi32, #tpu.memory_space<vmem>>, vector<16xi32>,
      %and3A_582 = arith.constant 16383 : i32
      %and3A_583 = vector.broadcast %and3A_582 : i32 to vector<16xi32>
      %and3A_584 = arith.andi %get3A_581, %and3A_583 : vector<16xi32>
      %shift_right_arithmetic3A_585 = arith.constant 14 : i32
      %shift_right_arithmetic3A_586 = vector.broadcast %shift_right_arithmetic3A_585 : i32 to vector<16xi32>
      %shift_right_arithmetic3A_587 = arith.shrsi %get3A_581, %shift_right_arithmetic3A_586 : vector<16xi32>
      %swap3A_588 = arith.constant 1 : i32
      %swap3A_589 = arith.index_cast %swap3A_588 : i32 to index
      %swap3A_590 = arith.constant 32 : index
      %swap3A_591 = tpu.vector_load %arg6[%swap3A_589, %swap3A_590] {strides = array<i32>} : memref<8x80xi32, #tpu.memory_space<vmem>>, vector<16xi32>,
      tpu.vector_store %arg6[%swap3A_589, %swap3A_590], %shift_right_arithmetic3A_587 {strides = array<i32>} : memref<8x80xi32, #tpu.memory_space<vmem>>, vector<16xi32>,
      %swap3A_592 = arith.constant 1 : i32
      %swap3A_593 = arith.index_cast %swap3A_592 : i32 to index
      %swap3A_594 = arith.constant 32 : index
      %swap3A_595 = tpu.vector_load %arg7[%swap3A_593, %swap3A_594] {strides = array<i32>} : memref<8x80xi32, #tpu.memory_space<vmem>>, vector<16xi32>,
      tpu.vector_store %arg7[%swap3A_593, %swap3A_594], %and3A_584 {strides = array<i32>} : memref<8x80xi32, #tpu.memory_space<vmem>>, vector<16xi32>,
      %mul3A_596 = arith.constant 80 : i32
      %mul3A_597 = arith.muli %add3A_535, %mul3A_596 : i32
      %add3A_598 = arith.constant 48 : i32
      %add3A_599 = arith.addi %mul3A_597, %add3A_598 : i32
      %get3A_600 = arith.index_cast %add3A_599 : i32 to index
      %get3A_601 = tpu.vector_load %arg5[%get3A_600] {strides = array<i32>} : memref<10000xi32, #tpu.memory_space<vmem>>, vector<16xi32>,
      %and3A_602 = arith.constant 16383 : i32
      %and3A_603 = vector.broadcast %and3A_602 : i32 to vector<16xi32>
      %and3A_604 = arith.andi %get3A_601, %and3A_603 : vector<16xi32>
      %shift_right_arithmetic3A_605 = arith.constant 14 : i32
      %shift_right_arithmetic3A_606 = vector.broadcast %shift_right_arithmetic3A_605 : i32 to vector<16xi32>
      %shift_right_arithmetic3A_607 = arith.shrsi %get3A_601, %shift_right_arithmetic3A_606 : vector<16xi32>
      %swap3A_608 = arith.constant 1 : i32
      %swap3A_609 = arith.index_cast %swap3A_608 : i32 to index
      %swap3A_610 = arith.constant 48 : index
      %swap3A_611 = tpu.vector_load %arg6[%swap3A_609, %swap3A_610] {strides = array<i32>} : memref<8x80xi32, #tpu.memory_space<vmem>>, vector<16xi32>,
      tpu.vector_store %arg6[%swap3A_609, %swap3A_610], %shift_right_arithmetic3A_607 {strides = array<i32>} : memref<8x80xi32, #tpu.memory_space<vmem>>, vector<16xi32>,
      %swap3A_612 = arith.constant 1 : i32
      %swap3A_613 = arith.index_cast %swap3A_612 : i32 to index
      %swap3A_614 = arith.constant 48 : index
      %swap3A_615 = tpu.vector_load %arg7[%swap3A_613, %swap3A_614] {strides = array<i32>} : memref<8x80xi32, #tpu.memory_space<vmem>>, vector<16xi32>,
      tpu.vector_store %arg7[%swap3A_613, %swap3A_614], %and3A_604 {strides = array<i32>} : memref<8x80xi32, #tpu.memory_space<vmem>>, vector<16xi32>,
      %mul3A_616 = arith.constant 80 : i32
      %mul3A_617 = arith.muli %add3A_535, %mul3A_616 : i32
      %add3A_618 = arith.constant 64 : i32
      %add3A_619 = arith.addi %mul3A_617, %add3A_618 : i32
      %get3A_620 = arith.index_cast %add3A_619 : i32 to index
      %get3A_621 = tpu.vector_load %arg5[%get3A_620] {strides = array<i32>} : memref<10000xi32, #tpu.memory_space<vmem>>, vector<16xi32>,
      %and3A_622 = arith.constant 16383 : i32
      %and3A_623 = vector.broadcast %and3A_622 : i32 to vector<16xi32>
      %and3A_624 = arith.andi %get3A_621, %and3A_623 : vector<16xi32>
      %shift_right_arithmetic3A_625 = arith.constant 14 : i32
      %shift_right_arithmetic3A_626 = vector.broadcast %shift_right_arithmetic3A_625 : i32 to vector<16xi32>
      %shift_right_arithmetic3A_627 = arith.shrsi %get3A_621, %shift_right_arithmetic3A_626 : vector<16xi32>
      %swap3A_628 = arith.constant 1 : i32
      %swap3A_629 = arith.index_cast %swap3A_628 : i32 to index
      %swap3A_630 = arith.constant 64 : index
      %swap3A_631 = tpu.vector_load %arg6[%swap3A_629, %swap3A_630] {strides = array<i32>} : memref<8x80xi32, #tpu.memory_space<vmem>>, vector<16xi32>,
      tpu.vector_store %arg6[%swap3A_629, %swap3A_630], %shift_right_arithmetic3A_627 {strides = array<i32>} : memref<8x80xi32, #tpu.memory_space<vmem>>, vector<16xi32>,
      %swap3A_632 = arith.constant 1 : i32
      %swap3A_633 = arith.index_cast %swap3A_632 : i32 to index
      %swap3A_634 = arith.constant 64 : index
      %swap3A_635 = tpu.vector_load %arg7[%swap3A_633, %swap3A_634] {strides = array<i32>} : memref<8x80xi32, #tpu.memory_space<vmem>>, vector<16xi32>,
      tpu.vector_store %arg7[%swap3A_633, %swap3A_634], %and3A_624 {strides = array<i32>} : memref<8x80xi32, #tpu.memory_space<vmem>>, vector<16xi32>,
      %dma_wait3A_636 = arith.constant 2 : i32
      %dma_wait3A_637 = arith.constant 0 : i32
      %dma_wait3A_638 = tpu.memref_slice %arg6[%dma_wait3A_636, %dma_wait3A_637] : memref<8x80xi32, #tpu.memory_space<vmem>> -> memref<1x80xi32, #tpu.memory_space<vmem>>
      %dma_wait3A_639 = tpu.memref_squeeze %dma_wait3A_638 : memref<1x80xi32, #tpu.memory_space<vmem>> -> memref<80xi32, #tpu.memory_space<vmem>>
      %dma_wait3A_640 = arith.constant 0 : i32
      %dma_wait3A_641 = arith.constant 0 : i32
      %dma_wait3A_642 = tpu.memref_slice %arg2[%dma_wait3A_640, %dma_wait3A_641] : memref<10000x128xf32, #tpu.memory_space<hbm>> -> memref<10000x128xf32, #tpu.memory_space<hbm>>
      tpu.wait_indirect_dma semaphore(%arg13 : memref<!tpu.dma_semaphore, #tpu.memory_space<semaphore_mem>>) src(%dma_wait3A_642 : memref<10000x128xf32, #tpu.memory_space<hbm>>) dst(%arg10 : memref<80x128xf32, #tpu.memory_space<vmem>>)
      %dma_start3A_643 = arith.constant 1 : i32
      %dma_start3A_644 = arith.constant 0 : i32
      %dma_start3A_645 = tpu.memref_slice %arg6[%dma_start3A_643, %dma_start3A_644] : memref<8x80xi32, #tpu.memory_space<vmem>> -> memref<1x80xi32, #tpu.memory_space<vmem>>
      %dma_start3A_646 = tpu.memref_squeeze %dma_start3A_645 : memref<1x80xi32, #tpu.memory_space<vmem>> -> memref<80xi32, #tpu.memory_space<vmem>>
      %dma_start3A_647 = arith.constant 0 : i32
      %dma_start3A_648 = arith.constant 0 : i32
      %dma_start3A_649 = tpu.memref_slice %arg2[%dma_start3A_647, %dma_start3A_648] : memref<10000x128xf32, #tpu.memory_space<hbm>> -> memref<10000x128xf32, #tpu.memory_space<hbm>>
      tpu.enqueue_indirect_dma source(%dma_start3A_649 : memref<10000x128xf32, #tpu.memory_space<hbm>>) target(%arg9 : memref<80x128xf32, #tpu.memory_space<vmem>>) offsets(%dma_start3A_646 : memref<80xi32, #tpu.memory_space<vmem>>) semaphore(%arg12 : memref<!tpu.dma_semaphore, #tpu.memory_space<semaphore_mem>>)
      %run_scoped3A_650 = arith.constant 2 : i32
      "tpu.region"() ({
        %run_scoped3A_651 = tpu.sem_alloc : memref<!tpu.dma_semaphore, #tpu.memory_space<semaphore_mem>>
        %dma_start3A_652 = arith.constant 0 : i32
        %dma_start3A_653 = tpu.memref_slice %arg7[%run_scoped3A_650, %dma_start3A_652] : memref<8x80xi32, #tpu.memory_space<vmem>> -> memref<1x80xi32, #tpu.memory_space<vmem>>
        %dma_start3A_654 = tpu.memref_squeeze %dma_start3A_653 : memref<1x80xi32, #tpu.memory_space<vmem>> -> memref<80xi32, #tpu.memory_space<vmem>>
        %dma_start3A_655 = arith.constant 0 : i32
        %dma_start3A_656 = arith.constant 0 : i32
        %dma_start3A_657 = tpu.memref_slice %arg14[%dma_start3A_655, %dma_start3A_656] : memref<10000x128xf32, #tpu.memory_space<vmem_shared>> -> memref<10000x128xf32, #tpu.memory_space<vmem_shared>>
        tpu.enqueue_indirect_dma source(%arg10 : memref<80x128xf32, #tpu.memory_space<vmem>>) target(%dma_start3A_657 : memref<10000x128xf32, #tpu.memory_space<vmem_shared>>) offsets(%dma_start3A_654 : memref<80xi32, #tpu.memory_space<vmem>>) semaphore(%run_scoped3A_651 : memref<!tpu.dma_semaphore, #tpu.memory_space<semaphore_mem>>) {add = true}
        %dma_wait3A_658 = arith.constant 0 : i32
        %dma_wait3A_659 = tpu.memref_slice %arg7[%run_scoped3A_650, %dma_wait3A_658] : memref<8x80xi32, #tpu.memory_space<vmem>> -> memref<1x80xi32, #tpu.memory_space<vmem>>
        %dma_wait3A_660 = tpu.memref_squeeze %dma_wait3A_659 : memref<1x80xi32, #tpu.memory_space<vmem>> -> memref<80xi32, #tpu.memory_space<vmem>>
        %dma_wait3A_661 = arith.constant 0 : i32
        %dma_wait3A_662 = arith.constant 0 : i32
        %dma_wait3A_663 = tpu.memref_slice %arg14[%dma_wait3A_661, %dma_wait3A_662] : memref<10000x128xf32, #tpu.memory_space<vmem_shared>> -> memref<10000x128xf32, #tpu.memory_space<vmem_shared>>
        tpu.wait_indirect_dma semaphore(%run_scoped3A_651 : memref<!tpu.dma_semaphore, #tpu.memory_space<semaphore_mem>>) src(%arg10 : memref<80x128xf32, #tpu.memory_space<vmem>>) dst(%dma_wait3A_663 : memref<10000x128xf32, #tpu.memory_space<vmem_shared>>)
        tpu.yield
      }) : () -> ()
    }
    %scan3A_214 = arith.constant 41 : i32
    %dma_wait3A = arith.constant 0 : i32
    %dma_wait3A_215 = arith.constant 0 : i32
    %dma_wait3A_216 = tpu.memref_slice %arg6[%dma_wait3A, %dma_wait3A_215] : memref<8x80xi32, #tpu.memory_space<vmem>> -> memref<1x80xi32, #tpu.memory_space<vmem>>
    %dma_wait3A_217 = tpu.memref_squeeze %dma_wait3A_216 : memref<1x80xi32, #tpu.memory_space<vmem>> -> memref<80xi32, #tpu.memory_space<vmem>>
    %dma_wait3A_218 = arith.constant 0 : i32
    %dma_wait3A_219 = arith.constant 0 : i32
    %dma_wait3A_220 = tpu.memref_slice %arg2[%dma_wait3A_218, %dma_wait3A_219] : memref<10000x128xf32, #tpu.memory_space<hbm>> -> memref<10000x128xf32, #tpu.memory_space<hbm>>
    tpu.wait_indirect_dma semaphore(%arg11 : memref<!tpu.dma_semaphore, #tpu.memory_space<semaphore_mem>>) src(%dma_wait3A_220 : memref<10000x128xf32, #tpu.memory_space<hbm>>) dst(%arg8 : memref<80x128xf32, #tpu.memory_space<vmem>>)
    %run_scoped3A = arith.constant 0 : i32
    "tpu.region"() ({
      %run_scoped3A_289 = tpu.sem_alloc : memref<!tpu.dma_semaphore, #tpu.memory_space<semaphore_mem>>
      %dma_start3A_290 = arith.constant 0 : i32
      %dma_start3A_291 = tpu.memref_slice %arg7[%run_scoped3A, %dma_start3A_290] : memref<8x80xi32, #tpu.memory_space<vmem>> -> memref<1x80xi32, #tpu.memory_space<vmem>>
      %dma_start3A_292 = tpu.memref_squeeze %dma_start3A_291 : memref<1x80xi32, #tpu.memory_space<vmem>> -> memref<80xi32, #tpu.memory_space<vmem>>
      %dma_start3A_293 = arith.constant 0 : i32
      %dma_start3A_294 = arith.constant 0 : i32
      %dma_start3A_295 = tpu.memref_slice %arg14[%dma_start3A_293, %dma_start3A_294] : memref<10000x128xf32, #tpu.memory_space<vmem_shared>> -> memref<10000x128xf32, #tpu.memory_space<vmem_shared>>
      tpu.enqueue_indirect_dma source(%arg8 : memref<80x128xf32, #tpu.memory_space<vmem>>) target(%dma_start3A_295 : memref<10000x128xf32, #tpu.memory_space<vmem_shared>>) offsets(%dma_start3A_292 : memref<80xi32, #tpu.memory_space<vmem>>) semaphore(%run_scoped3A_289 : memref<!tpu.dma_semaphore, #tpu.memory_space<semaphore_mem>>) {add = true}
      %dma_wait3A_296 = arith.constant 0 : i32
      %dma_wait3A_297 = tpu.memref_slice %arg7[%run_scoped3A, %dma_wait3A_296] : memref<8x80xi32, #tpu.memory_space<vmem>> -> memref<1x80xi32, #tpu.memory_space<vmem>>
      %dma_wait3A_298 = tpu.memref_squeeze %dma_wait3A_297 : memref<1x80xi32, #tpu.memory_space<vmem>> -> memref<80xi32, #tpu.memory_space<vmem>>
      %dma_wait3A_299 = arith.constant 0 : i32
      %dma_wait3A_300 = arith.constant 0 : i32
      %dma_wait3A_301 = tpu.memref_slice %arg14[%dma_wait3A_299, %dma_wait3A_300] : memref<10000x128xf32, #tpu.memory_space<vmem_shared>> -> memref<10000x128xf32, #tpu.memory_space<vmem_shared>>
      tpu.wait_indirect_dma semaphore(%run_scoped3A_289 : memref<!tpu.dma_semaphore, #tpu.memory_space<semaphore_mem>>) src(%arg8 : memref<80x128xf32, #tpu.memory_space<vmem>>) dst(%dma_wait3A_301 : memref<10000x128xf32, #tpu.memory_space<vmem_shared>>)
      tpu.yield
    }) : () -> ()
    %dma_wait3A_221 = arith.constant 1 : i32
    %dma_wait3A_222 = arith.constant 0 : i32
    %dma_wait3A_223 = tpu.memref_slice %arg6[%dma_wait3A_221, %dma_wait3A_222] : memref<8x80xi32, #tpu.memory_space<vmem>> -> memref<1x80xi32, #tpu.memory_space<vmem>>
    %dma_wait3A_224 = tpu.memref_squeeze %dma_wait3A_223 : memref<1x80xi32, #tpu.memory_space<vmem>> -> memref<80xi32, #tpu.memory_space<vmem>>
    %dma_wait3A_225 = arith.constant 0 : i32
    %dma_wait3A_226 = arith.constant 0 : i32
    %dma_wait3A_227 = tpu.memref_slice %arg2[%dma_wait3A_225, %dma_wait3A_226] : memref<10000x128xf32, #tpu.memory_space<hbm>> -> memref<10000x128xf32, #tpu.memory_space<hbm>>
    tpu.wait_indirect_dma semaphore(%arg12 : memref<!tpu.dma_semaphore, #tpu.memory_space<semaphore_mem>>) src(%dma_wait3A_227 : memref<10000x128xf32, #tpu.memory_space<hbm>>) dst(%arg9 : memref<80x128xf32, #tpu.memory_space<vmem>>)
    %run_scoped3A_228 = arith.constant 1 : i32
    "tpu.region"() ({
      %run_scoped3A_289 = tpu.sem_alloc : memref<!tpu.dma_semaphore, #tpu.memory_space<semaphore_mem>>
      %dma_start3A_290 = arith.constant 0 : i32
      %dma_start3A_291 = tpu.memref_slice %arg7[%run_scoped3A_228, %dma_start3A_290] : memref<8x80xi32, #tpu.memory_space<vmem>> -> memref<1x80xi32, #tpu.memory_space<vmem>>
      %dma_start3A_292 = tpu.memref_squeeze %dma_start3A_291 : memref<1x80xi32, #tpu.memory_space<vmem>> -> memref<80xi32, #tpu.memory_space<vmem>>
      %dma_start3A_293 = arith.constant 0 : i32
      %dma_start3A_294 = arith.constant 0 : i32
      %dma_start3A_295 = tpu.memref_slice %arg14[%dma_start3A_293, %dma_start3A_294] : memref<10000x128xf32, #tpu.memory_space<vmem_shared>> -> memref<10000x128xf32, #tpu.memory_space<vmem_shared>>
      tpu.enqueue_indirect_dma source(%arg9 : memref<80x128xf32, #tpu.memory_space<vmem>>) target(%dma_start3A_295 : memref<10000x128xf32, #tpu.memory_space<vmem_shared>>) offsets(%dma_start3A_292 : memref<80xi32, #tpu.memory_space<vmem>>) semaphore(%run_scoped3A_289 : memref<!tpu.dma_semaphore, #tpu.memory_space<semaphore_mem>>) {add = true}
      %dma_wait3A_296 = arith.constant 0 : i32
      %dma_wait3A_297 = tpu.memref_slice %arg7[%run_scoped3A_228, %dma_wait3A_296] : memref<8x80xi32, #tpu.memory_space<vmem>> -> memref<1x80xi32, #tpu.memory_space<vmem>>
      %dma_wait3A_298 = tpu.memref_squeeze %dma_wait3A_297 : memref<1x80xi32, #tpu.memory_space<vmem>> -> memref<80xi32, #tpu.memory_space<vmem>>
      %dma_wait3A_299 = arith.constant 0 : i32
      %dma_wait3A_300 = arith.constant 0 : i32
      %dma_wait3A_301 = tpu.memref_slice %arg14[%dma_wait3A_299, %dma_wait3A_300] : memref<10000x128xf32, #tpu.memory_space<vmem_shared>> -> memref<10000x128xf32, #tpu.memory_space<vmem_shared>>
      tpu.wait_indirect_dma semaphore(%run_scoped3A_289 : memref<!tpu.dma_semaphore, #tpu.memory_space<semaphore_mem>>) src(%arg9 : memref<80x128xf32, #tpu.memory_space<vmem>>) dst(%dma_wait3A_301 : memref<10000x128xf32, #tpu.memory_space<vmem_shared>>)
      tpu.yield
    }) : () -> ()
    %barrier3A_229 = arith.constant 0 : index
    tpu.barrier barrier_id(%barrier3A_229)
    %mul3A_230 = arith.constant 625 : i32
    %mul3A_231 = arith.muli %arg1, %mul3A_230 : i32
    %add3A_232 = arith.constant 7 : i32
    %add3A_233 = arith.addi %mul3A_231, %add3A_232 : i32
    %jit3A = arith.constant 8 : i32
    %div3A = arith.divsi %add3A_233, %jit3A : i32
    %sign3A = arith.constant 0 : i32
    %sign3A_234 = arith.cmpi sgt, %add3A_233, %sign3A : i32
    %sign3A_235 = arith.extui %sign3A_234 : i1 to i32
    %sign3A_236 = arith.constant 0 : i32
    %sign3A_237 = arith.cmpi slt, %add3A_233, %sign3A_236 : i32
    %sign3A_238 = arith.extui %sign3A_237 : i1 to i32
    %sign3A_239 = arith.subi %sign3A_235, %sign3A_238 : i32
    %sign3A_240 = arith.constant 0 : i32
    %sign3A_241 = arith.cmpi sgt, %jit3A, %sign3A_240 : i32
    %sign3A_242 = arith.extui %sign3A_241 : i1 to i32
    %sign3A_243 = arith.constant 0 : i32
    %sign3A_244 = arith.cmpi slt, %jit3A, %sign3A_243 : i32
    %sign3A_245 = arith.extui %sign3A_244 : i1 to i32
    %sign3A_246 = arith.subi %sign3A_242, %sign3A_245 : i32
    %ne3A = arith.cmpi ne, %sign3A_239, %sign3A_246 : i32
    %rem3A = arith.remsi %add3A_233, %jit3A : i32
    %ne3A_247 = arith.constant 0 : i32
    %ne3A_248 = arith.cmpi ne, %rem3A, %ne3A_247 : i32
    %and3A_249 = arith.andi %ne3A, %ne3A_248 : i1
    %sub3A_250 = arith.constant 1 : i32
    %sub3A_251 = arith.subi %div3A, %sub3A_250 : i32
    %select_n3A = arith.select %and3A_249, %sub3A_251, %div3A : i32
    %mul3A_252 = arith.constant 8 : i32
    %mul3A_253 = arith.muli %select_n3A, %mul3A_252 : i32
    %multiple_of3A = tpu.assume_multiple %mul3A_253, 8 : i32
    %add3A_254 = arith.constant 1 : i32
    %add3A_255 = arith.addi %arg1, %add3A_254 : i32
    %mul3A_256 = arith.constant 625 : i32
    %mul3A_257 = arith.muli %add3A_255, %mul3A_256 : i32
    %add3A_258 = arith.constant 7 : i32
    %add3A_259 = arith.addi %mul3A_257, %add3A_258 : i32
    %jit3A_260 = arith.constant 8 : i32
    %div3A_261 = arith.divsi %add3A_259, %jit3A_260 : i32
    %sign3A_262 = arith.constant 0 : i32
    %sign3A_263 = arith.cmpi sgt, %add3A_259, %sign3A_262 : i32
    %sign3A_264 = arith.extui %sign3A_263 : i1 to i32
    %sign3A_265 = arith.constant 0 : i32
    %sign3A_266 = arith.cmpi slt, %add3A_259, %sign3A_265 : i32
    %sign3A_267 = arith.extui %sign3A_266 : i1 to i32
    %sign3A_268 = arith.subi %sign3A_264, %sign3A_267 : i32
    %sign3A_269 = arith.constant 0 : i32
    %sign3A_270 = arith.cmpi sgt, %jit3A_260, %sign3A_269 : i32
    %sign3A_271 = arith.extui %sign3A_270 : i1 to i32
    %sign3A_272 = arith.constant 0 : i32
    %sign3A_273 = arith.cmpi slt, %jit3A_260, %sign3A_272 : i32
    %sign3A_274 = arith.extui %sign3A_273 : i1 to i32
    %sign3A_275 = arith.subi %sign3A_271, %sign3A_274 : i32
    %ne3A_276 = arith.cmpi ne, %sign3A_268, %sign3A_275 : i32
    %rem3A_277 = arith.remsi %add3A_259, %jit3A_260 : i32
    %ne3A_278 = arith.constant 0 : i32
    %ne3A_279 = arith.cmpi ne, %rem3A_277, %ne3A_278 : i32
    %and3A_280 = arith.andi %ne3A_276, %ne3A_279 : i1
    %sub3A_281 = arith.constant 1 : i32
    %sub3A_282 = arith.subi %div3A_261, %sub3A_281 : i32
    %select_n3A_283 = arith.select %and3A_280, %sub3A_282, %div3A_261 : i32
    %mul3A_284 = arith.constant 8 : i32
    %mul3A_285 = arith.muli %select_n3A_283, %mul3A_284 : i32
    "tpu.region"() ({
      %run_scoped3A_289 = tpu.sem_alloc : memref<!tpu.dma_semaphore, #tpu.memory_space<semaphore_mem>>
      %dma_start3A_290 = arith.constant 0 : i32
      %dma_start3A_291 = tpu.memref_slice %arg4[%arg0, %multiple_of3A, %dma_start3A_290] : memref<2x10000x128xf32, #tpu.memory_space<hbm>> -> memref<1x624x128xf32, #tpu.memory_space<hbm>>
      %dma_start3A_292 = tpu.memref_squeeze %dma_start3A_291 : memref<1x624x128xf32, #tpu.memory_space<hbm>> -> memref<624x128xf32, #tpu.memory_space<hbm>>
      %dma_start3A_293 = arith.constant 0 : i32
      %dma_start3A_294 = tpu.memref_slice %arg14[%multiple_of3A, %dma_start3A_293] : memref<10000x128xf32, #tpu.memory_space<vmem_shared>> -> memref<624x128xf32, #tpu.memory_space<vmem_shared>>
      tpu.enqueue_dma source(%dma_start3A_294 : memref<624x128xf32, #tpu.memory_space<vmem_shared>>) target(%dma_start3A_292 : memref<624x128xf32, #tpu.memory_space<hbm>>) target_semaphore(%run_scoped3A_289 : memref<!tpu.dma_semaphore, #tpu.memory_space<semaphore_mem>>)
      %dma_wait3A_295 = arith.constant 0 : i32
      %dma_wait3A_296 = tpu.memref_slice %arg4[%arg0, %multiple_of3A, %dma_wait3A_295] : memref<2x10000x128xf32, #tpu.memory_space<hbm>> -> memref<1x624x128xf32, #tpu.memory_space<hbm>>
      %dma_wait3A_297 = tpu.memref_squeeze %dma_wait3A_296 : memref<1x624x128xf32, #tpu.memory_space<hbm>> -> memref<624x128xf32, #tpu.memory_space<hbm>>
      %dma_wait3A_298 = arith.constant 0 : i32
      %dma_wait3A_299 = tpu.memref_slice %arg14[%multiple_of3A, %dma_wait3A_298] : memref<10000x128xf32, #tpu.memory_space<vmem_shared>> -> memref<624x128xf32, #tpu.memory_space<vmem_shared>>
      tpu.wait_dma2 semaphore(%run_scoped3A_289 : memref<!tpu.dma_semaphore, #tpu.memory_space<semaphore_mem>>) src(%dma_wait3A_299 : memref<624x128xf32, #tpu.memory_space<vmem_shared>>) dst(%dma_wait3A_297 : memref<624x128xf32, #tpu.memory_space<hbm>>)
      tpu.yield
    }) : () -> ()
    %sub3A_286 = arith.subi %mul3A_285, %multiple_of3A : i32
    %gt3A = arith.constant 624 : i32
    %gt3A_287 = arith.cmpi sgt, %sub3A_286, %gt3A : i32
    %convert_element_type3A = arith.extui %gt3A_287 : i1 to i32
    %cond3A = arith.constant 0 : i32
    %cond3A_288 = arith.cmpi ne, %convert_element_type3A, %cond3A : i32
    scf.if %cond3A_288 {
      %add3A_289 = arith.constant 624 : i32
      %add3A_290 = arith.addi %multiple_of3A, %add3A_289 : i32
      %multiple_of3A_291 = tpu.assume_multiple %add3A_290, 8 : i32
      "tpu.region"() ({
        %run_scoped3A_292 = tpu.sem_alloc : memref<!tpu.dma_semaphore, #tpu.memory_space<semaphore_mem>>
        %dma_start3A_293 = arith.constant 0 : i32
        %dma_start3A_294 = tpu.memref_slice %arg4[%arg0, %multiple_of3A_291, %dma_start3A_293] : memref<2x10000x128xf32, #tpu.memory_space<hbm>> -> memref<1x8x128xf32, #tpu.memory_space<hbm>>
        %dma_start3A_295 = tpu.memref_squeeze %dma_start3A_294 : memref<1x8x128xf32, #tpu.memory_space<hbm>> -> memref<8x128xf32, #tpu.memory_space<hbm>>
        %dma_start3A_296 = arith.constant 0 : i32
        %dma_start3A_297 = tpu.memref_slice %arg14[%multiple_of3A_291, %dma_start3A_296] : memref<10000x128xf32, #tpu.memory_space<vmem_shared>> -> memref<8x128xf32, #tpu.memory_space<vmem_shared>>
        tpu.enqueue_dma source(%dma_start3A_297 : memref<8x128xf32, #tpu.memory_space<vmem_shared>>) target(%dma_start3A_295 : memref<8x128xf32, #tpu.memory_space<hbm>>) target_semaphore(%run_scoped3A_292 : memref<!tpu.dma_semaphore, #tpu.memory_space<semaphore_mem>>)
        %dma_wait3A_298 = arith.constant 0 : i32
        %dma_wait3A_299 = tpu.memref_slice %arg4[%arg0, %multiple_of3A_291, %dma_wait3A_298] : memref<2x10000x128xf32, #tpu.memory_space<hbm>> -> memref<1x8x128xf32, #tpu.memory_space<hbm>>
        %dma_wait3A_300 = tpu.memref_squeeze %dma_wait3A_299 : memref<1x8x128xf32, #tpu.memory_space<hbm>> -> memref<8x128xf32, #tpu.memory_space<hbm>>
        %dma_wait3A_301 = arith.constant 0 : i32
        %dma_wait3A_302 = tpu.memref_slice %arg14[%multiple_of3A_291, %dma_wait3A_301] : memref<10000x128xf32, #tpu.memory_space<vmem_shared>> -> memref<8x128xf32, #tpu.memory_space<vmem_shared>>
        tpu.wait_dma2 semaphore(%run_scoped3A_292 : memref<!tpu.dma_semaphore, #tpu.memory_space<semaphore_mem>>) src(%dma_wait3A_302 : memref<8x128xf32, #tpu.memory_space<vmem_shared>>) dst(%dma_wait3A_300 : memref<8x128xf32, #tpu.memory_space<hbm>>)
        tpu.yield
      }) : () -> ()
    } else {
    }
    return
  }
}

module attributes {stable_mosaic.version = 14 : i64} {
  func.func @_tc_layer_body(%arg0: i32, %arg1: memref<2x400x128xf32, #tpu.memory_space<vmem>>, %arg2: memref<400x32xf32, #tpu.memory_space<vmem>>, %arg3: memref<400x128xf32, #tpu.memory_space<vmem>>, %arg4: memref<128x128xf32, #tpu.memory_space<vmem>>, %arg5: memref<1x128xf32, #tpu.memory_space<vmem>>, %arg6: memref<128x128xf32, #tpu.memory_space<vmem>>, %arg7: memref<400x128xf32, #tpu.memory_space<vmem>>, %arg8: memref<400x128xf32, #tpu.memory_space<vmem>>) attributes {dimension_semantics = [#tpu.dimension_semantics<arbitrary>], iteration_bounds = array<i64: 25>, scalar_prefetch = 0 : i64, scratch_operands = 0 : i64, tpu.core_type = #tpu.core_type<tc>, window_params = [{transform_indices = @transform_0, window_bounds = array<i64: 2, 400, 128>}, {transform_indices = @transform_1, window_bounds = array<i64: 400, 32>}, {transform_indices = @transform_2, window_bounds = array<i64: 400, 128>}, {pipeline_mode = #tpu.pipeline_mode<synchronous>, transform_indices = @transform_3, window_bounds = array<i64: 128, 128>}, {pipeline_mode = #tpu.pipeline_mode<synchronous>, transform_indices = @transform_4, window_bounds = array<i64: 1, 128>}, {pipeline_mode = #tpu.pipeline_mode<synchronous>, transform_indices = @transform_5, window_bounds = array<i64: 128, 128>}, {transform_indices = @transform_6, window_bounds = array<i64: 400, 128>}, {transform_indices = @transform_7, window_bounds = array<i64: 400, 128>}]} {
    %get3A = arith.constant 0 : index
    %get3A_0 = arith.constant 0 : index
    %get3A_1 = vector.load %arg2[%get3A, %get3A_0] : memref<400x32xf32, #tpu.memory_space<vmem>>, vector<400x32xf32>
    %reduce_sum3A = arith.constant dense<0.000000e+00> : vector<400xf32>
    %reduce_sum3A_2 = vector.multi_reduction <add>, %get3A_1, %reduce_sum3A [1] : vector<400x32xf32> to vector<400xf32>
    %broadcast_in_dim3A = vector.shape_cast %reduce_sum3A_2 : vector<400xf32> to vector<400x1xf32>
    %max3A = arith.constant 1.000000e+00 : f32
    %max3A_3 = vector.broadcast %max3A : f32 to vector<400x1xf32>
    %max3A_4 = arith.maximumf %broadcast_in_dim3A, %max3A_3 : vector<400x1xf32>
    %div3A = arith.constant 1.000000e+00 : f32
    %div3A_5 = vector.broadcast %div3A : f32 to vector<400x1xf32>
    %div3A_6 = arith.divf %div3A_5, %max3A_4 : vector<400x1xf32>
    %get3A_7 = arith.constant 0 : index
    %get3A_8 = arith.constant 0 : index
    %get3A_9 = arith.constant 0 : index
    %get3A_10 = vector.load %arg1[%get3A_7, %get3A_8, %get3A_9] : memref<2x400x128xf32, #tpu.memory_space<vmem>>, vector<1x400x128xf32>
    %get3A_11 = vector.shape_cast %get3A_10 : vector<1x400x128xf32> to vector<400x128xf32>
    %get3A_12 = arith.constant 1 : index
    %get3A_13 = arith.constant 0 : index
    %get3A_14 = arith.constant 0 : index
    %get3A_15 = vector.load %arg1[%get3A_12, %get3A_13, %get3A_14] : memref<2x400x128xf32, #tpu.memory_space<vmem>>, vector<1x400x128xf32>
    %get3A_16 = vector.shape_cast %get3A_15 : vector<1x400x128xf32> to vector<400x128xf32>
    %add3A = arith.addf %get3A_11, %get3A_16 : vector<400x128xf32>
    %mul3A = vector.broadcast %div3A_6 : vector<400x1xf32> to vector<400x128xf32>
    %mul3A_17 = arith.mulf %add3A, %mul3A : vector<400x128xf32>
    %get3A_18 = arith.constant 0 : index
    %get3A_19 = arith.constant 0 : index
    %get3A_20 = vector.load %arg4[%get3A_18, %get3A_19] : memref<128x128xf32, #tpu.memory_space<vmem>>, vector<128x128xf32>
    %dot_general3A = arith.constant dense<0.000000e+00> : vector<400x128xf32>
    %dot_general3A_21 = tpu.matmul %mul3A_17, %get3A_20, %dot_general3A {dimension_numbers = #tpu.dot_dimension_numbers<[1], [1], [0], [0], [0, 0, 1, 0], [], []>, transpose_lhs_hint = false} : vector<400x128xf32>, vector<128x128xf32>, vector<400x128xf32> -> vector<400x128xf32>
    %get3A_22 = arith.constant 0 : index
    %get3A_23 = arith.constant 0 : index
    %get3A_24 = vector.load %arg5[%get3A_22, %get3A_23] : memref<1x128xf32, #tpu.memory_space<vmem>>, vector<1x128xf32>
    %add3A_25 = vector.broadcast %get3A_24 : vector<1x128xf32> to vector<400x128xf32>
    %add3A_26 = arith.addf %dot_general3A_21, %add3A_25 : vector<400x128xf32>
    %get3A_27 = arith.constant 0 : index
    %get3A_28 = arith.constant 0 : index
    %get3A_29 = vector.load %arg3[%get3A_27, %get3A_28] : memref<400x128xf32, #tpu.memory_space<vmem>>, vector<400x128xf32>
    %get3A_30 = arith.constant 0 : index
    %get3A_31 = arith.constant 0 : index
    %get3A_32 = vector.load %arg6[%get3A_30, %get3A_31] : memref<128x128xf32, #tpu.memory_space<vmem>>, vector<128x128xf32>
    %dot_general3A_33 = arith.constant dense<0.000000e+00> : vector<400x128xf32>
    %dot_general3A_34 = tpu.matmul %get3A_29, %get3A_32, %dot_general3A_33 {dimension_numbers = #tpu.dot_dimension_numbers<[1], [1], [0], [0], [0, 0, 1, 0], [], []>, transpose_lhs_hint = false} : vector<400x128xf32>, vector<128x128xf32>, vector<400x128xf32> -> vector<400x128xf32>
    %add3A_35 = arith.addf %add3A_26, %dot_general3A_34 : vector<400x128xf32>
    %swap3A = arith.constant 0 : index
    %swap3A_36 = arith.constant 0 : index
    %swap3A_37 = vector.load %arg7[%swap3A, %swap3A_36] : memref<400x128xf32, #tpu.memory_space<vmem>>, vector<400x128xf32>
    tpu.vector_store %arg7[%swap3A, %swap3A_36], %add3A_35 {strides = array<i32>} : memref<400x128xf32, #tpu.memory_space<vmem>>, vector<400x128xf32>,
    %max3A_38 = arith.constant 0.000000e+00 : f32
    %max3A_39 = vector.broadcast %max3A_38 : f32 to vector<400x128xf32>
    %max3A_40 = arith.maximumf %add3A_35, %max3A_39 : vector<400x128xf32>
    %swap3A_41 = arith.constant 0 : index
    %swap3A_42 = arith.constant 0 : index
    %swap3A_43 = vector.load %arg8[%swap3A_41, %swap3A_42] : memref<400x128xf32, #tpu.memory_space<vmem>>, vector<400x128xf32>
    tpu.vector_store %arg8[%swap3A_41, %swap3A_42], %max3A_40 {strides = array<i32>} : memref<400x128xf32, #tpu.memory_space<vmem>>, vector<400x128xf32>,
    return
  }
  func.func @transform_0(%arg0: i32) -> (i32, i32, i32) {
    %c0_i32 = arith.constant 0 : i32
    %c0_i32_0 = arith.constant 0 : i32
    %c0_i32_1 = arith.constant 0 : i32
    return %c0_i32, %arg0, %c0_i32_0 : i32, i32, i32
  }
  func.func @transform_1(%arg0: i32) -> (i32, i32) {
    %c0_i32 = arith.constant 0 : i32
    %c0_i32_0 = arith.constant 0 : i32
    return %arg0, %c0_i32 : i32, i32
  }
  func.func @transform_2(%arg0: i32) -> (i32, i32) {
    %c0_i32 = arith.constant 0 : i32
    %c0_i32_0 = arith.constant 0 : i32
    return %arg0, %c0_i32 : i32, i32
  }
  func.func @transform_3(%arg0: i32) -> (i32, i32) {
    %c0_i32 = arith.constant 0 : i32
    %c0_i32_0 = arith.constant 0 : i32
    %c0_i32_1 = arith.constant 0 : i32
    return %c0_i32, %c0_i32_0 : i32, i32
  }
  func.func @transform_4(%arg0: i32) -> (i32, i32) {
    %c0_i32 = arith.constant 0 : i32
    %c0_i32_0 = arith.constant 0 : i32
    %c0_i32_1 = arith.constant 0 : i32
    return %c0_i32, %c0_i32_0 : i32, i32
  }
  func.func @transform_5(%arg0: i32) -> (i32, i32) {
    %c0_i32 = arith.constant 0 : i32
    %c0_i32_0 = arith.constant 0 : i32
    %c0_i32_1 = arith.constant 0 : i32
    return %c0_i32, %c0_i32_0 : i32, i32
  }
  func.func @transform_6(%arg0: i32) -> (i32, i32) {
    %c0_i32 = arith.constant 0 : i32
    %c0_i32_0 = arith.constant 0 : i32
    return %arg0, %c0_i32 : i32, i32
  }
  func.func @transform_7(%arg0: i32) -> (i32, i32) {
    %c0_i32 = arith.constant 0 : i32
    %c0_i32_0 = arith.constant 0 : i32
    return %arg0, %c0_i32 : i32, i32
  }
}

module attributes {stable_mosaic.version = 14 : i64} {
  func.func @_tc_layer_body(%arg0: i32, %arg1: memref<2x400x128xf32, #tpu.memory_space<vmem>>, %arg2: memref<400x32xf32, #tpu.memory_space<vmem>>, %arg3: memref<400x128xf32, #tpu.memory_space<vmem>>, %arg4: memref<128x128xf32, #tpu.memory_space<vmem>>, %arg5: memref<1x128xf32, #tpu.memory_space<vmem>>, %arg6: memref<128x128xf32, #tpu.memory_space<vmem>>, %arg7: memref<400x128xf32, #tpu.memory_space<vmem>>) attributes {dimension_semantics = [#tpu.dimension_semantics<arbitrary>], iteration_bounds = array<i64: 25>, scalar_prefetch = 0 : i64, scratch_operands = 0 : i64, tpu.core_type = #tpu.core_type<tc>, window_params = [{transform_indices = @transform_0, window_bounds = array<i64: 2, 400, 128>}, {transform_indices = @transform_1, window_bounds = array<i64: 400, 32>}, {transform_indices = @transform_2, window_bounds = array<i64: 400, 128>}, {pipeline_mode = #tpu.pipeline_mode<synchronous>, transform_indices = @transform_3, window_bounds = array<i64: 128, 128>}, {pipeline_mode = #tpu.pipeline_mode<synchronous>, transform_indices = @transform_4, window_bounds = array<i64: 1, 128>}, {pipeline_mode = #tpu.pipeline_mode<synchronous>, transform_indices = @transform_5, window_bounds = array<i64: 128, 128>}, {transform_indices = @transform_6, window_bounds = array<i64: 400, 128>}]} {
    %get3A = arith.constant 0 : index
    %get3A_0 = arith.constant 0 : index
    %get3A_1 = vector.load %arg2[%get3A, %get3A_0] : memref<400x32xf32, #tpu.memory_space<vmem>>, vector<400x32xf32>
    %reduce_sum3A = arith.constant dense<0.000000e+00> : vector<400xf32>
    %reduce_sum3A_2 = vector.multi_reduction <add>, %get3A_1, %reduce_sum3A [1] : vector<400x32xf32> to vector<400xf32>
    %broadcast_in_dim3A = vector.shape_cast %reduce_sum3A_2 : vector<400xf32> to vector<400x1xf32>
    %max3A = arith.constant 1.000000e+00 : f32
    %max3A_3 = vector.broadcast %max3A : f32 to vector<400x1xf32>
    %max3A_4 = arith.maximumf %broadcast_in_dim3A, %max3A_3 : vector<400x1xf32>
    %div3A = arith.constant 1.000000e+00 : f32
    %div3A_5 = vector.broadcast %div3A : f32 to vector<400x1xf32>
    %div3A_6 = arith.divf %div3A_5, %max3A_4 : vector<400x1xf32>
    %get3A_7 = arith.constant 0 : index
    %get3A_8 = arith.constant 0 : index
    %get3A_9 = arith.constant 0 : index
    %get3A_10 = vector.load %arg1[%get3A_7, %get3A_8, %get3A_9] : memref<2x400x128xf32, #tpu.memory_space<vmem>>, vector<1x400x128xf32>
    %get3A_11 = vector.shape_cast %get3A_10 : vector<1x400x128xf32> to vector<400x128xf32>
    %get3A_12 = arith.constant 1 : index
    %get3A_13 = arith.constant 0 : index
    %get3A_14 = arith.constant 0 : index
    %get3A_15 = vector.load %arg1[%get3A_12, %get3A_13, %get3A_14] : memref<2x400x128xf32, #tpu.memory_space<vmem>>, vector<1x400x128xf32>
    %get3A_16 = vector.shape_cast %get3A_15 : vector<1x400x128xf32> to vector<400x128xf32>
    %add3A = arith.addf %get3A_11, %get3A_16 : vector<400x128xf32>
    %mul3A = vector.broadcast %div3A_6 : vector<400x1xf32> to vector<400x128xf32>
    %mul3A_17 = arith.mulf %add3A, %mul3A : vector<400x128xf32>
    %get3A_18 = arith.constant 0 : index
    %get3A_19 = arith.constant 0 : index
    %get3A_20 = vector.load %arg4[%get3A_18, %get3A_19] : memref<128x128xf32, #tpu.memory_space<vmem>>, vector<128x128xf32>
    %dot_general3A = arith.constant dense<0.000000e+00> : vector<400x128xf32>
    %dot_general3A_21 = tpu.matmul %mul3A_17, %get3A_20, %dot_general3A {dimension_numbers = #tpu.dot_dimension_numbers<[1], [1], [0], [0], [0, 0, 1, 0], [], []>, transpose_lhs_hint = false} : vector<400x128xf32>, vector<128x128xf32>, vector<400x128xf32> -> vector<400x128xf32>
    %get3A_22 = arith.constant 0 : index
    %get3A_23 = arith.constant 0 : index
    %get3A_24 = vector.load %arg5[%get3A_22, %get3A_23] : memref<1x128xf32, #tpu.memory_space<vmem>>, vector<1x128xf32>
    %add3A_25 = vector.broadcast %get3A_24 : vector<1x128xf32> to vector<400x128xf32>
    %add3A_26 = arith.addf %dot_general3A_21, %add3A_25 : vector<400x128xf32>
    %get3A_27 = arith.constant 0 : index
    %get3A_28 = arith.constant 0 : index
    %get3A_29 = vector.load %arg3[%get3A_27, %get3A_28] : memref<400x128xf32, #tpu.memory_space<vmem>>, vector<400x128xf32>
    %get3A_30 = arith.constant 0 : index
    %get3A_31 = arith.constant 0 : index
    %get3A_32 = vector.load %arg6[%get3A_30, %get3A_31] : memref<128x128xf32, #tpu.memory_space<vmem>>, vector<128x128xf32>
    %dot_general3A_33 = arith.constant dense<0.000000e+00> : vector<400x128xf32>
    %dot_general3A_34 = tpu.matmul %get3A_29, %get3A_32, %dot_general3A_33 {dimension_numbers = #tpu.dot_dimension_numbers<[1], [1], [0], [0], [0, 0, 1, 0], [], []>, transpose_lhs_hint = false} : vector<400x128xf32>, vector<128x128xf32>, vector<400x128xf32> -> vector<400x128xf32>
    %add3A_35 = arith.addf %add3A_26, %dot_general3A_34 : vector<400x128xf32>
    %swap3A = arith.constant 0 : index
    %swap3A_36 = arith.constant 0 : index
    %swap3A_37 = vector.load %arg7[%swap3A, %swap3A_36] : memref<400x128xf32, #tpu.memory_space<vmem>>, vector<400x128xf32>
    tpu.vector_store %arg7[%swap3A, %swap3A_36], %add3A_35 {strides = array<i32>} : memref<400x128xf32, #tpu.memory_space<vmem>>, vector<400x128xf32>,
    return
  }
  func.func @transform_0(%arg0: i32) -> (i32, i32, i32) {
    %c0_i32 = arith.constant 0 : i32
    %c0_i32_0 = arith.constant 0 : i32
    %c0_i32_1 = arith.constant 0 : i32
    return %c0_i32, %arg0, %c0_i32_0 : i32, i32, i32
  }
  func.func @transform_1(%arg0: i32) -> (i32, i32) {
    %c0_i32 = arith.constant 0 : i32
    %c0_i32_0 = arith.constant 0 : i32
    return %arg0, %c0_i32 : i32, i32
  }
  func.func @transform_2(%arg0: i32) -> (i32, i32) {
    %c0_i32 = arith.constant 0 : i32
    %c0_i32_0 = arith.constant 0 : i32
    return %arg0, %c0_i32 : i32, i32
  }
  func.func @transform_3(%arg0: i32) -> (i32, i32) {
    %c0_i32 = arith.constant 0 : i32
    %c0_i32_0 = arith.constant 0 : i32
    %c0_i32_1 = arith.constant 0 : i32
    return %c0_i32, %c0_i32_0 : i32, i32
  }
  func.func @transform_4(%arg0: i32) -> (i32, i32) {
    %c0_i32 = arith.constant 0 : i32
    %c0_i32_0 = arith.constant 0 : i32
    %c0_i32_1 = arith.constant 0 : i32
    return %c0_i32, %c0_i32_0 : i32, i32
  }
  func.func @transform_5(%arg0: i32) -> (i32, i32) {
    %c0_i32 = arith.constant 0 : i32
    %c0_i32_0 = arith.constant 0 : i32
    %c0_i32_1 = arith.constant 0 : i32
    return %c0_i32, %c0_i32_0 : i32, i32
  }
  func.func @transform_6(%arg0: i32) -> (i32, i32) {
    %c0_i32 = arith.constant 0 : i32
    %c0_i32_0 = arith.constant 0 : i32
    return %arg0, %c0_i32 : i32, i32
  }
}

</mosaic_0001>

<sc_bundles>
// kernel: kernel.10.cloned.1.call-start
scs
__scs_entry_jumppad:
0x0: {  	(pc) =	sbr.rel $0x88, $3  }
0x1: {  	(tag) =	ssettag $0x0;
	lr =	simm.s32 $0x1  }
0x2: {  	[smem:$0x3F99] =	sst lr;
	_ =	strace $0xD0000000  }
0x3: {  	_ = 	snop  }
0x4: {  	_ = 	snop  }
0x5: {  	_ = 	snop  }
0x6: {  	_ = 	snop  }
0x7: {  	_ = 	snop  }
__scs_overlays_trampoline_lowered:
0x8: {  	[smem:$0x3FA8] =	sst s0  }
0x9: {  	[smem:$0x3FA9] =	sst s1  }
0xa: {  	[smem:$0x3FAA] =	sst s2  }
0xb: {  	[smem:$0x3FAB] =	sst s3  }
0xc: {  	[smem:$0x3FAC] =	sst s4  }
0xd: {  	[smem:$0x3FAD] =	sst s5  }
0xe: {  	[smem:$0x3FAE] =	sst s6  }
0xf: {  	[smem:$0x3FAF] =	sst s7  }
0x10: {  	[smem:$0x3FB0] =	sst s8  }
0x11: {  	[smem:$0x3FB1] =	sst s9;
	s0 =	simm.s32 @!p0 $0x0  }
0x12: {  	s1 =	sld [smem:$0x3F97];
	s0 =	simm.s32 @p0 $0x1  }
0x13: {  	[smem:$0x3FB2] =	sst s0;
	s0 =	simm.s32 @!p1 $0x0  }
0x14: {  	s2 =	sld [smem:$0x3F96];
	s0 =	simm.s32 @p1 $0x1  }
0x15: {  	[smem:$0x3FB3] =	sst s0;
	s0 =	simm.s32 @!p2 $0x0  }
0x16: {  	s3 =	sld [smem:$0x3FDB];
	s0 =	simm.s32 @p2 $0x1  }
0x17: {  	s4 =	simm.s32 $0x1BF5;
	[smem:$0x3FB5] =	sst s0  }
0x18: {  	s0 =	sld [smem:$0x3F98];
	_ =	swait.ge [sflag:s4], $0x0  }
0x19: {  	s7 =	sld [smem:$0x3F99]  }
0x1a: {  	s8 =	sadd.s32 $0xFFFFE003, lr  }
0x1b: {  	s9 =	sadd.s32 $0xFFFFFEF7, lr;
	s5 =	simm.s32 $0xFFFFFFFF;
	p2 =	slt.u32 s8, $0xFFFFF086  }
0x1c: {  	p1 =	slt.u32 s9, $0xF7A;
	s5 =	simm.s32 @!p2 $0x0  }
0x1d: {  	s5 =	simm.s32 @p1 $0x1;
	p0 =	seq.s32 s7, s2  }
0x1e: {  	s7 =	smul.u32 @!p0 $0xF7A, s2;
	p2 =	seq.s32 @!p0 s5, $0x0  }
0x1f: {  	s9 =	smul.u32 $0xF7A, s1;
	s8 =	simm.s32 @!p0 $0x1BF5;
	p2 =	por !p2, p0  }
0x20: {  	[sflag:s8] =	ssyncset.s32 @!p0 $0xFFFFF086;
	s6 =	sadd.s32 @!p0 s3, s7;
	s7 =	simm.s32 @!p0 $0x108  }
0x21: {  	s3 =	sadd.s32 s3, s9;
	s6 =	sadd.s32 @!p0 $0x88, s6;
	s7 =	simm.s32 @p2 $0x1082  }
0x22: {  	[simem:s7], [sflag:s8] =	dma.local @!p0 [hbm:s6], $0xF7A  }
0x23: {  	s9 =	sor.u32 $0xD0000000, s2;
	s6 =	simm.s32 $0x108;
	_ =	swait.ge @!p0 [sflag:s8], $0x0  }
0x24: {  	s3 =	sadd.s32 $0x88, s3;
	s6 =	simm.s32 @!p1 $0x1082;
	[sflag:s4] =	ssyncset.s32 $0xFFFFF086  }
0x25: {  	[simem:s6], [sflag:s4] =	dma.local [hbm:s3], $0xF7A  }
0x26: {  	[smem:$0x3F99] =	sst s1;
	(tag) =	ssettag s2;
	_ =	strace s9  }
0x27: {  	s1 =	sld [smem:$0x3FA9]  }
0x28: {  	s2 =	sld [smem:$0x3FAA]  }
0x29: {  	s4 =	sld [smem:$0x3FAC]  }
0x2a: {  	p0 =	seq.s32 s5, $0x0;
	s5 =	sld [smem:$0x3FAD]  }
0x2b: {  	s6 =	sld [smem:$0x3FAE]  }
0x2c: {  	s7 =	sld [smem:$0x3FAF]  }
0x2d: {  	s3 =	simm.s32 $0x108;
	s8 =	sld [smem:$0x3FB0]  }
0x2e: {  	s3 =	simm.s32 @!p0 $0x1082;
	s9 =	sld [smem:$0x3FB1]  }
0x2f: {  	lr =	sadd.s32 s0, s3;
	s0 =	sld [smem:$0x3FA8]  }
0x30: {  	s3 =	sld [smem:$0x3FAB]  }
0x31: {  	[smem:$0x3FB4] =	sst s10  }
0x32: {  	s10 =	sld [smem:$0x3FB2];
	_ =	sdelay $0x3  }
0x33: {  	p0 =	seq.s32 s10, $0x1;
	s10 =	sld [smem:$0x3FB4];
	_ =	sdelay $0x3  }
0x34: {  	[smem:$0x3FB4] =	sst s10  }
0x35: {  	s10 =	sld [smem:$0x3FB3];
	_ =	sdelay $0x3  }
0x36: {  	p1 =	seq.s32 s10, $0x1;
	s10 =	sld [smem:$0x3FB4];
	_ =	sdelay $0x3  }
0x37: {  	[smem:$0x3FB4] =	sst s10  }
0x38: {  	s10 =	sld [smem:$0x3FB5]  }
0x39: {  	_ = 	snop;
	(pc) =	sbr.ind lr, $3  }
0x3a: {  	_ = 	snop  }
0x3b: {  	_ = 	snop  }
0x3c: {  	p2 =	seq.s32 s10, $0x1;
	s10 =	sld [smem:$0x3FB4]  }
0x3d: {  	_ =	shalt  }
0x3e: {  	_ =	shalt  }
0x3f: {  	_ =	shalt  }
0x40: {  	_ =	shalt  }
0x41: {  	_ =	shalt  }
0x42: {  	_ =	shalt  }
0x43: {  	_ =	shalt  }
0x44: {  	_ =	shalt  }
0x45: {  	_ =	shalt  }
0x46: {  	_ =	shalt  }
0x47: {  	_ =	shalt  }
0x48: {  	_ =	shalt  }
0x49: {  	_ =	shalt  }
0x4a: {  	_ =	shalt  }
0x4b: {  	_ =	shalt  }
0x4c: {  	_ =	shalt  }
0x4d: {  	_ =	shalt  }
0x4e: {  	_ =	shalt  }
0x4f: {  	_ =	shalt  }
0x50: {  	_ =	shalt  }
0x51: {  	_ =	shalt  }
0x52: {  	_ =	shalt  }
0x53: {  	_ =	shalt  }
0x54: {  	_ =	shalt  }
0x55: {  	_ =	shalt  }
0x56: {  	_ =	shalt  }
0x57: {  	_ =	shalt  }
0x58: {  	_ =	shalt  }
0x59: {  	_ =	shalt  }
0x5a: {  	_ =	shalt  }
0x5b: {  	_ =	shalt  }
0x5c: {  	_ =	shalt  }
0x5d: {  	_ =	shalt  }
0x5e: {  	_ =	shalt  }
0x5f: {  	_ =	shalt  }
0x60: {  	_ =	shalt  }
0x61: {  	_ =	shalt  }
0x62: {  	_ =	shalt  }
0x63: {  	_ =	shalt  }
0x64: {  	_ =	shalt  }
0x65: {  	_ =	shalt  }
0x66: {  	_ =	shalt  }
0x67: {  	_ =	shalt  }
0x68: {  	_ =	shalt  }
0x69: {  	_ =	shalt  }
0x6a: {  	_ =	shalt  }
0x6b: {  	_ =	shalt  }
0x6c: {  	_ =	shalt  }
0x6d: {  	_ =	shalt  }
0x6e: {  	_ =	shalt  }
0x6f: {  	_ =	shalt  }
0x70: {  	_ =	shalt  }
0x71: {  	_ =	shalt  }
0x72: {  	_ =	shalt  }
0x73: {  	_ =	shalt  }
0x74: {  	_ =	shalt  }
0x75: {  	_ =	shalt  }
0x76: {  	_ =	shalt  }
0x77: {  	_ =	shalt  }
0x78: {  	_ =	shalt  }
0x79: {  	_ =	shalt  }
0x7a: {  	_ =	shalt  }
0x7b: {  	_ =	shalt  }
0x7c: {  	_ =	shalt  }
0x7d: {  	_ =	shalt  }
0x7e: {  	_ =	shalt  }
0x7f: {  	_ =	shalt  }
0x80: {  	_ =	shalt  }
0x81: {  	_ =	shalt  }
0x82: {  	_ =	shalt  }
0x83: {  	_ =	shalt  }
0x84: {  	_ =	shalt  }
0x85: {  	_ =	shalt  }
0x86: {  	_ =	shalt  }
0x87: {  	_ =	shalt  }
.Lfunc_end0:
.L_simem_size_0:
called_computation.1_lowered:
.L_overlay_start_0:
0x88: {  	s2 =	sld [smem:$0x3FD9]  }
0x89: {  	s3 =	sld [smem:$0x3FFE];
	_ =	sdelay $0x1  }
0x8a: {  	s1 =	srdreg.scid  }
0x8b: {  	s0 =	sand.u32 $0x1, s1  }
0x8c: {  	s17 =	sshll.u32 s0, $0xA;
	s2 =	sadd.s32 s3, s2  }
0x8d: {  	s2 =	sadd.s32 s2, s17  }
0x8e: {  	[smem:$0x3FC0] =	sst s2  }
0x8f: {  	_ = 	snop  }
0x90: {  	s2 =	sld [smem:$0x3FC9];
	(tm) =	ssettm $0x1  }
0x91: {  	s18 =	sld [smem:$0x3FFB];
	_ =	sdelay $0x3  }
0x92: {  	_ =	strace s18  }
0x93: {  	s3 =	sld [smem:$0x3FFC];
	_ =	sdelay $0x3  }
0x94: {  	_ =	strace s3  }
0x95: {  	s3 =	sld [smem:$0x3FFD];
	_ =	sdelay $0x3  }
0x96: {  	_ =	strace s3  }
0x97: {  	_ =	strace $0x8FFFFFFF  }
0x98: {  	s19 =	sld [smem:$0x3FDB];
	_ =	sdelay $0x1  }
0x99: {  	s4 =	simm.s32 $_scs_section_size  }
0x9a: {  	s5 =	simm.s32 $_size__tile_overlayer_lowered;
	s6 =	simm.s32 $_tile_overlayer_lowered  }
0x9b: {  	s22 =	simm.s32 $0x1BFF;
	s21 =	sshll.u32 s6, $0x1;
	s3 =	sadd.s32 s4, s19  }
0x9c: {  	s7 =	simm.s32 $0x0;
	s20 =	sshll.u32 s5, $0x1;
	s5 =	sadd.s32 s21, s3  }
0x9d: {  	[timem:s7], [sflag:s22] =	dma.local [hbm:s5], s20  }
0x9e: {  	_ =	swait.ge [sflag:s22], s20  }
0x9f: {  	s4 =	ssub.s32 $0x0, s20;
	[sflag:s22] =	ssyncset.done $0x0  }
0xa0: {  	[sflag:s22] =	ssyncadd.s32 s4;
	_ =	sdelay $0x1  }
0xa1: {  	s23 =	simm.s32 $0x1B8B  }
0xa2: {  	_ =	swait.ge [sflag:s23], $0x1  }
0xa3: {  	[sflag:s23] =	ssyncset.done $0x0  }
0xa4: {  	s25 =	simm.s32 $0x1B8E;
	s24 =	sld [smem:$0x3FFE];
	[sflag:s23] =	ssyncadd.s32 $0xFFFFFFFF  }
0xa5: {  	s26 =	simm.s32 $execute0_lowered;
	[smem:$0x3FD2] =	sst s25  }
0xa6: {  	s5 =	sshll.u32 s26, $0x1;
	_ =	strace $0x80000049;
	[dreg:$0x1] =	wrdreg $0xFFFFFFFF  }
0xa7: {  	s28 =	simm.s32 $_size_execute0_lowered;
	s3 =	sadd.s32 s3, s5;
	[dreg:$0x0] =	wrdreg $0x0  }
0xa8: {  	s5 =	sshll.u32 s28, $0x1;
	[dreg:$0x2] =	wrdreg s3  }
0xa9: {  	[dreg:$0x3] =	wrdreg s5  }
0xaa: {  	[dreg:$0x4] =	wrdreg $0xC0  }
0xab: {  	_ =	task [dreg:s7], $0x5FFFF  }
0xac: {  	[dreg:$0x1] =	wrdreg $0xFFFFFFFF  }
0xad: {  	[dreg:$0x0] =	wrdreg $0x60  }
0xae: {  	[dreg:$0x2] =	wrdreg s2  }
0xaf: {  	[dreg:$0x3] =	wrdreg s24  }
0xb0: {  	[dreg:$0x4] =	wrdreg $0xA7800  }
0xb1: {  	[dreg:$0x5] =	wrdreg $0x9  }
0xb2: {  	_ =	task.clear_ibuf [dreg:s7], $0x6FFFF;
	_ =	strace $0x90000049  }
0xb3: {  	s29 =	simm.s32 $0x9;
	_ =	strace $0x8000004B  }
0xb4: {  	_ =	swait.ge [sflag:s29], $0x1  }
0xb5: {  	[sflag:s29] =	ssyncadd.s32 $0xFFFFFFFF  }
0xb6: {  	_ =	strace $0x9000004B  }
0xb7: {  	_ =	sfence  }
0xb8: {  	s30 =	sld [smem:$0x0];
	_ =	sdelay $0x2  }
0xb9: {  	s31 =	sshll.u32 s1, $0xD;
	s1 =	sshrl.u32 s1, $0x2  }
0xba: {  	s3 =	sand.u32 $0x4000, s31;
	s1 =	sadd.s32 s1, s30  }
0xbb: {  	s0 =	sor.u32 s3, s0;
	s1 =	sshll.u32 s1, $0x11  }
0xbc: {  	s0 =	sor.u32 s1, s0  }
0xbd: {  	s0 =	sadd.s32 $0x8F2B, s0  }
0xbe: {  	[sflag:s0] =	ssyncadd.remote.s32 $0x1  }
0xbf: {  	_ =	sfence.sel $0xFFFF  }
0xc0: {  	[dreg:$0x0] =	wrdreg $0xFFFFFFFF;
	(pc) =	sbr.abs _section_cstart, $3  }
0xc1: {  	[dreg:$0x1] =	wrdreg $0xFFFFFFFF  }
0xc2: {  	_ =	task.clear_ibuf [dreg:s7], $0x2FFFF;
	_ =	strace $0x9FFFFFFF  }
0xc3: {  	(tm) =	ssettm $0x7FFFFFFF  }
tec
execute0_lowered:
.L_overlay_start_1:
0x0: {  	(tag) =	ssettag $0x1  }
0x1: {  	s1 =	rddreg [dreg:$0x0]  }
0x2: {  	s0 =	srdreg.scid;
	s2 =	rddreg [dreg:$0x1]  }
0x3: {  	s9 =	stileid.u32;
	s3 =	rddreg [dreg:$0x2]  }
0x4: {  	s28 =	simm.s32 $0x7F80;
	s29 =	simm.s32 $0x2B80;
	s30 =	simm.s32 $0x2  }
0x5: {  	s31 =	simm.s32 $0x2C00;
	s0 =	sand.u32 $0x1, s0;
	s6 =	smul.u32 $0x4E200, s9  }
0x6: {  	s15 =	smul.u32 $0x271, s9;
	s4 =	sshll.u32 s0, $0x4;
	s8 =	ssub.s32 $0x2, s0  }
0x7: {  	s0 =	smul.u32 $0x138800, s0;
	s5 =	sor.u32 s9, s4;
	s4 =	simm.s32 $0x0  }
0x8: {  	s18 =	sshrl.u32 s6, $0x2;
	s19 =	sshrl.u32 s8, $0x1;
	s23 =	sadd.s32 $0x7, s15  }
0x9: {  	s5 =	smul.u32 $0x4E2, s5;
	[smem:$0x7FF] =	sst s4;
	s6 =	ssub.s32 s8, s19  }
0xa: {  	s12 =	sshll.u32 s23, $0x7;
	s8 =	sand.u32 $0x7FF8, s23;
	s19 =	simm.s32 $0x50  }
0xb: {  	s23 =	simm.s32 $0x1;
	_ =	strace $0x8000004A;
	s16 =	sand.u32 $0x3FFC00, s12  }
0xc: {  	s17 =	sshll.u32 s8, $0x7;
	s25 =	ssub.s32 s15, s8;
	s7 =	sadd.s32 s5, s2  }
0xd: {  	s2 =	sadd.s32 $0x16800, s2;
	s5 =	sadd.s32 s18, s3;
	s14 =	sadd.s32 s0, s16  }
0xe: {  	s17 =	sadd.s32 $0x13800, s17;
	s26 =	sadd.s32 s16, s3;
	s16 =	smax.u32 s6, $0x1  }
0xf: {  	s18 =	simm.s32 $0x4;
	s20 =	sadd.s32 $0x2800, s5;
	s21 =	sadd.s32 $0x5000, s5  }
0x10: {  	s22 =	sadd.s32 $0x7800, s5;
	s9 =	sadd.s32 $0xA000, s5;
	s10 =	sadd.s32 $0xC800, s5  }
0x11: {  	s11 =	sadd.s32 $0xF000, s5;
	s12 =	sadd.s32 $0x11800, s5;
	[dreg:$0x4] =	wrdreg s20  }
0x12: {  	s13 =	sadd.s32 $0xCA00, s7;
	s24 =	sshrl.u32 s14, $0x3;
	[dreg:$0x5] =	wrdreg s21  }
0x13: {  	s0 =	sadd.s32 s0, s17;
	s7 =	sadd.s32 $0x278, s25;
	[dreg:$0x6] =	wrdreg s22  }
0x14: {  	s14 =	sadd.s32 s2, s24;
	s0 =	sshrl.u32 s0, $0x3;
	s7 =	sand.u32 $0xFFFFFFF8, s7  }
0x15: {  	s20 =	simm.s32 $0x2780;
	s21 =	simm.s32 $0x2800;
	s22 =	simm.s32 $0x5780  }
0x16: {  	s24 =	sshrl.u32 s26, $0x3;
	s26 =	simm.s32 $0x2880;
	s15 =	sadd.s32 s2, s0  }
0x17: {  	s0 =	sadd.s32 s17, s3;
	s17 =	simm.s32 $0x2F80;
	p0 =	slt.s32 s7, $0x271  }
0x18: {  	v0 =	vimm.f32 $0.0e+00;
	s2 =	simm.s32 $0x3;
	s25 =	sshrl.u32 @!p0 s0, $0x3;
	s0 =	simm.s32 $0x2C80  }
.LBB2_1:
0x19: {  	s6 =	simm.s32 $0x0;
	s7 =	simm.s32 $0x200  }
.LBB2_2:
0x1a: {  	p1 =	sne.s32 s7, $0x9E00;
	[tilespmem:s6+$0x2FF0] =	vst v0  }
0x1b: {  	[tilespmem:s6+$0x2F80] =	vst v0  }
0x1c: {  	[tilespmem:s6+$0x2F90] =	vst v0  }
.Ltmp0:
0x1d: {  	[tilespmem:s6+$0x2FA0] =	vst v0;
	(pc) =	sbr.rel @p1 .LBB2_2-.Ltmp0, $4  }
0x1e: {  	[tilespmem:s6+$0x2FB0] =	vst v0  }
0x1f: {  	[tilespmem:s6+$0x2FC0] =	vst v0  }
0x20: {  	[tilespmem:s6+$0x2FD0] =	vst v0  }
0x21: {  	[tilespmem:s6+$0x2FE0] =	vst v0;
	s6 =	sshra.s32 s7, $0x2;
	s7 =	sadd.s32 $0x200, s7  }
0x22: {  	[tilespmem:s6+$0x2FF0] =	vst v0  }
0x23: {  	[tilespmem:s6+$0x2F80] =	vst v0  }
0x24: {  	[tilespmem:s6+$0x2F90] =	vst v0  }
0x25: {  	[tilespmem:s6+$0x2FA0] =	vst v0  }
0x26: {  	[tilespmem:s6+$0x2FB0] =	vst v0  }
0x27: {  	[tilespmem:s6+$0x2FC0] =	vst v0  }
0x28: {  	[tilespmem:s6+$0x2FD0] =	vst v0  }
0x29: {  	[tilespmem:s6+$0x2FE0] =	vst v0  }
0x2a: {  	[spmem:s5] =	stream.linear.scatter [tilespmem:s17], [sflag:$0x4], $0x2800, $0x38;
	[tilespmem:$0x1E000] =	vst v63  }
0x2b: {  	_ =	swait.ge [sflag:s18], $0x2800  }
0x2c: {  	[sflag:s18] =	ssyncset.done $0x0  }
0x2d: {  	s8 =	rddreg [dreg:$0x4];
	[sflag:s18] =	ssyncadd.s32 $0xFFFFD800  }
0x2e: {  	[spmem:s8] =	stream.linear.scatter [tilespmem:s17], [sflag:$0x4], $0x2800, $0x38;
	[tilespmem:$0x1E000] =	vst v63  }
0x2f: {  	_ =	swait.ge [sflag:s18], $0x2800  }
0x30: {  	[sflag:s18] =	ssyncset.done $0x0  }
0x31: {  	s7 =	rddreg [dreg:$0x5];
	[sflag:s18] =	ssyncadd.s32 $0xFFFFD800  }
0x32: {  	[spmem:s7] =	stream.linear.scatter [tilespmem:s17], [sflag:$0x4], $0x2800, $0x38;
	[tilespmem:$0x1E000] =	vst v63  }
0x33: {  	_ =	swait.ge [sflag:s18], $0x2800  }
0x34: {  	[sflag:s18] =	ssyncset.done $0x0  }
0x35: {  	s8 =	rddreg [dreg:$0x6];
	[sflag:s18] =	ssyncadd.s32 $0xFFFFD800  }
0x36: {  	[spmem:s8] =	stream.linear.scatter [tilespmem:s17], [sflag:$0x4], $0x2800, $0x38;
	[tilespmem:$0x1E000] =	vst v63  }
0x37: {  	_ =	swait.ge [sflag:s18], $0x2800  }
0x38: {  	[sflag:s18] =	ssyncset.done $0x0  }
0x39: {  	[sflag:s18] =	ssyncadd.s32 $0xFFFFD800  }
0x3a: {  	[spmem:s9] =	stream.linear.scatter [tilespmem:s17], [sflag:$0x4], $0x2800, $0x38;
	[tilespmem:$0x1E000] =	vst v63  }
0x3b: {  	_ =	swait.ge [sflag:s18], $0x2800  }
0x3c: {  	[sflag:s18] =	ssyncset.done $0x0  }
0x3d: {  	[sflag:s18] =	ssyncadd.s32 $0xFFFFD800  }
0x3e: {  	[spmem:s10] =	stream.linear.scatter [tilespmem:s17], [sflag:$0x4], $0x2800, $0x38;
	[tilespmem:$0x1E000] =	vst v63  }
0x3f: {  	_ =	swait.ge [sflag:s18], $0x2800  }
0x40: {  	[sflag:s18] =	ssyncset.done $0x0  }
0x41: {  	[sflag:s18] =	ssyncadd.s32 $0xFFFFD800  }
0x42: {  	[spmem:s11] =	stream.linear.scatter [tilespmem:s17], [sflag:$0x4], $0x2800, $0x38;
	[tilespmem:$0x1E000] =	vst v63  }
0x43: {  	_ =	swait.ge [sflag:s18], $0x2800  }
0x44: {  	[sflag:s18] =	ssyncset.done $0x0  }
0x45: {  	[sflag:s18] =	ssyncadd.s32 $0xFFFFD800  }
0x46: {  	[spmem:s12] =	stream.linear.scatter [tilespmem:s17], [sflag:$0x4], $0x2080, $0x38;
	[tilespmem:$0x1E000] =	vst v63  }
0x47: {  	_ =	swait.ge [sflag:s18], $0x2080  }
0x48: {  	[sflag:s18] =	ssyncset.done $0x0  }
0x49: {  	[sflag:s18] =	ssyncadd.s32 $0xFFFFDF80  }
0x4a: {  	s7 =	simm.s32 $0x0;
	[bflag:$0x0] =	sbarrier.arrive $0xFFFF  }
0x4b: {  	[tilespmem:s7], [sflag:$0x4] =	stream.linear.gather [hbm4b:s13+s7], $0x2710, $0x38;
	[tilespmem:$0x1E000] =	vst v63  }
0x4c: {  	_ =	swait.ge [sflag:s18], $0x2710  }
0x4d: {  	[sflag:s18] =	ssyncset.done $0x0  }
0x4e: {  	[sflag:s18] =	ssyncadd.s32 $0xFFFFD8F0  }
0x4f: {  	v1 =	vld [tilespmem:$0x0];
	_ =	sdelay $0x1  }
0x50: {  	v2 =	vld [tilespmem:$0x10];
	_ =	sdelay $0x1  }
0x51: {  	v3 =	vld [tilespmem:$0x20]  }
0x52: {  	v4 =	vshra.s32 v1, $0xE  }
0x53: {  	v61 =	vld [tilespmem:$0x30];
	v1 =	vand.u32 $0x3FFF, v1;
	[tilespmem:$0x2780] =	vst v4  }
0x54: {  	[tilespmem:$0x2B80] =	vst v1;
	v1 =	vshra.s32 v2, $0xE  }
0x55: {  	v2 =	vand.u32 $0x3FFF, v2;
	[tilespmem:$0x2790] =	vst v1;
	v1 =	vld [tilespmem:$0x40]  }
0x56: {  	[tilespmem:$0x2B90] =	vst v2;
	v2 =	vshra.s32 v3, $0xE  }
0x57: {  	v3 =	vand.u32 $0x3FFF, v3;
	[tilespmem:$0x27A0] =	vst v2  }
0x58: {  	[tilespmem:$0x2BA0] =	vst v3;
	v2 =	vshra.s32 v61, $0xE  }
0x59: {  	v3 =	vand.u32 $0x3FFF, v61;
	[tilespmem:$0x27B0] =	vst v2  }
0x5a: {  	[tilespmem:$0x2BB0] =	vst v3;
	v2 =	vshra.s32 v1, $0xE  }
0x5b: {  	v1 =	vand.u32 $0x3FFF, v1;
	[tilespmem:$0x27C0] =	vst v2  }
0x5c: {  	[tilespmem:$0x2BC0] =	vst v1  }
0x5d: {  	[tilespmem:s17], [sflag:$0x1] =	stream.indirect.gather [hbm4b:s1+s19], $0x80, s20, s19, $0xb8;
	[tilespmem:$0x1E000] =	vst v63  }
0x5e: {  	v1 =	vld [tilespmem:$0x50];
	_ =	sdelay $0x1  }
0x5f: {  	v2 =	vld [tilespmem:$0x60];
	_ =	sdelay $0x1  }
0x60: {  	v3 =	vld [tilespmem:$0x70]  }
0x61: {  	v62 =	vshra.s32 v1, $0xE  }
0x62: {  	v63 =	vld [tilespmem:$0x80];
	v1 =	vand.u32 $0x3FFF, v1;
	[tilespmem:$0x2800] =	vst v62  }
0x63: {  	[tilespmem:$0x2C00] =	vst v1;
	v1 =	vshra.s32 v2, $0xE  }
0x64: {  	v2 =	vand.u32 $0x3FFF, v2;
	[tilespmem:$0x2810] =	vst v1;
	v1 =	vld [tilespmem:$0x90]  }
0x65: {  	[tilespmem:$0x2C10] =	vst v2;
	v2 =	vshra.s32 v3, $0xE  }
0x66: {  	[tilespmem:$0x2820] =	vst v2;
	v2 =	vand.u32 $0x3FFF, v3  }
0x67: {  	[tilespmem:$0x2C20] =	vst v2;
	v2 =	vshra.s32 v63, $0xE  }
0x68: {  	[tilespmem:$0x2830] =	vst v2;
	v2 =	vand.u32 $0x3FFF, v63  }
0x69: {  	[tilespmem:$0x2C30] =	vst v2;
	v2 =	vshra.s32 v1, $0xE  }
0x6a: {  	v1 =	vand.u32 $0x3FFF, v1;
	[tilespmem:$0x2840] =	vst v2  }
0x6b: {  	s6 =	simm.s32 $0xC0;
	[tilespmem:$0x2C40] =	vst v1  }
0x6c: {  	[tilespmem:s22], [sflag:$0x2] =	stream.indirect.gather [hbm4b:s1+s19], $0x80, s21, s19, $0xb8;
	[tilespmem:$0x1E000] =	vst v63  }
0x6d: {  	v1 =	vld [tilespmem:s6+$0xFFFFFFE0];
	_ =	sdelay $0x4  }
0x6e: {  	v2 =	vshra.s32 v1, $0xE  }
0x6f: {  	v1 =	vand.u32 $0x3FFF, v1;
	[tilespmem:$0x2880] =	vst v2  }
0x70: {  	[tilespmem:$0x2C80] =	vst v1  }
0x71: {  	v1 =	vld [tilespmem:s6+$0xFFFFFFF0];
	_ =	sdelay $0x4  }
0x72: {  	v2 =	vshra.s32 v1, $0xE  }
0x73: {  	v1 =	vand.u32 $0x3FFF, v1;
	[tilespmem:$0x2890] =	vst v2  }
0x74: {  	[tilespmem:$0x2C90] =	vst v1  }
0x75: {  	v1 =	vld [tilespmem:s6+$0x0];
	_ =	sdelay $0x4  }
0x76: {  	v2 =	vshra.s32 v1, $0xE  }
0x77: {  	v1 =	vand.u32 $0x3FFF, v1;
	[tilespmem:$0x28A0] =	vst v2  }
0x78: {  	[tilespmem:$0x2CA0] =	vst v1  }
0x79: {  	v1 =	vld [tilespmem:s6+$0x10];
	_ =	sdelay $0x4  }
0x7a: {  	v2 =	vshra.s32 v1, $0xE  }
0x7b: {  	v1 =	vand.u32 $0x3FFF, v1;
	[tilespmem:$0x28B0] =	vst v2  }
0x7c: {  	[tilespmem:$0x2CB0] =	vst v1  }
0x7d: {  	v1 =	vld [tilespmem:s6+$0x20];
	_ =	sdelay $0x4  }
0x7e: {  	v2 =	vshra.s32 v1, $0xE  }
0x7f: {  	v1 =	vand.u32 $0x3FFF, v1;
	[tilespmem:$0x28C0] =	vst v2  }
0x80: {  	[tilespmem:$0x2CC0] =	vst v1  }
0x81: {  	_ =	swait.ge [sflag:s23], $0x2800  }
0x82: {  	[sflag:s23] =	ssyncset.done $0x0  }
0x83: {  	[sflag:s23] =	ssyncadd.s32 $0xFFFFD800  }
0x84: {  	[tilespmem:s28], [sflag:$0x3] =	stream.indirect.gather [hbm4b:s1+s19], $0x80, s26, s19, $0xb8;
	[tilespmem:$0x1E000] =	vst v63  }
0x85: {  	_ = 	snop  }
0x86: {  	[spmem:s3] =	stream.indirect.scatter.add.f32 [tilespmem:s17], [sflag:$0x4], $0x80, s29, s19, $0xb8;
	[tilespmem:$0x1E000] =	vst v63  }
0x87: {  	_ =	swait.ge [sflag:s18], $0x2800  }
0x88: {  	[sflag:s18] =	ssyncset.done $0x0  }
0x89: {  	[sflag:s18] =	ssyncadd.s32 $0xFFFFD800  }
0x8a: {  	v1 =	vld [tilespmem:s6+$0x30];
	_ =	sdelay $0x4  }
0x8b: {  	v2 =	vshra.s32 v1, $0xE  }
0x8c: {  	v1 =	vand.u32 $0x3FFF, v1;
	[tilespmem:$0x2780] =	vst v2  }
0x8d: {  	s8 =	sand.u32 $0x3FF0, s7;
	[tilespmem:$0x2B80] =	vst v1  }
0x8e: {  	v1 =	vld [tilespmem:s8+$0x100];
	_ =	sdelay $0x4  }
0x8f: {  	v2 =	vshra.s32 v1, $0xE  }
0x90: {  	v1 =	vand.u32 $0x3FFF, v1;
	[tilespmem:$0x2790] =	vst v2  }
0x91: {  	[tilespmem:$0x2B90] =	vst v1  }
0x92: {  	v1 =	vld [tilespmem:s6+$0x50];
	_ =	sdelay $0x4  }
0x93: {  	v2 =	vshra.s32 v1, $0xE  }
0x94: {  	v1 =	vand.u32 $0x3FFF, v1;
	[tilespmem:$0x27A0] =	vst v2  }
0x95: {  	[tilespmem:$0x2BA0] =	vst v1  }
0x96: {  	v1 =	vld [tilespmem:s6+$0x60];
	_ =	sdelay $0x4  }
0x97: {  	v2 =	vshra.s32 v1, $0xE  }
0x98: {  	v1 =	vand.u32 $0x3FFF, v1;
	[tilespmem:$0x27B0] =	vst v2  }
0x99: {  	[tilespmem:$0x2BB0] =	vst v1  }
0x9a: {  	v1 =	vld [tilespmem:s6+$0x70];
	_ =	sdelay $0x4  }
0x9b: {  	v2 =	vshra.s32 v1, $0xE  }
0x9c: {  	v1 =	vand.u32 $0x3FFF, v1;
	[tilespmem:$0x27C0] =	vst v2  }
0x9d: {  	[tilespmem:$0x2BC0] =	vst v1  }
0x9e: {  	_ =	swait.ge [sflag:s30], $0x2800  }
0x9f: {  	[sflag:s30] =	ssyncset.done $0x0  }
0xa0: {  	[sflag:s30] =	ssyncadd.s32 $0xFFFFD800  }
0xa1: {  	[tilespmem:s17], [sflag:$0x1] =	stream.indirect.gather [hbm4b:s1+s19], $0x80, s20, s19, $0xb8;
	[tilespmem:$0x1E000] =	vst v63  }
0xa2: {  	_ = 	snop  }
0xa3: {  	[spmem:s3] =	stream.indirect.scatter.add.f32 [tilespmem:s22], [sflag:$0x4], $0x80, s31, s19, $0xb8;
	[tilespmem:$0x1E000] =	vst v63  }
0xa4: {  	_ =	swait.ge [sflag:s18], $0x2800  }
0xa5: {  	[sflag:s18] =	ssyncset.done $0x0  }
0xa6: {  	[sflag:s18] =	ssyncadd.s32 $0xFFFFD800  }
0xa7: {  	v1 =	vld [tilespmem:s6+$0x80];
	_ =	sdelay $0x4  }
0xa8: {  	v2 =	vshra.s32 v1, $0xE  }
0xa9: {  	v1 =	vand.u32 $0x3FFF, v1;
	[tilespmem:$0x2800] =	vst v2  }
0xaa: {  	[tilespmem:$0x2C00] =	vst v1  }
0xab: {  	v1 =	vld [tilespmem:s6+$0x90];
	_ =	sdelay $0x4  }
0xac: {  	v2 =	vshra.s32 v1, $0xE  }
0xad: {  	v1 =	vand.u32 $0x3FFF, v1;
	[tilespmem:$0x2810] =	vst v2  }
0xae: {  	[tilespmem:$0x2C10] =	vst v1  }
0xaf: {  	v1 =	vld [tilespmem:s6+$0xA0];
	_ =	sdelay $0x4  }
0xb0: {  	v2 =	vshra.s32 v1, $0xE  }
0xb1: {  	v1 =	vand.u32 $0x3FFF, v1;
	[tilespmem:$0x2820] =	vst v2  }
0xb2: {  	[tilespmem:$0x2C20] =	vst v1  }
0xb3: {  	v1 =	vld [tilespmem:s6+$0xB0];
	_ =	sdelay $0x4  }
0xb4: {  	v2 =	vshra.s32 v1, $0xE  }
0xb5: {  	v1 =	vand.u32 $0x3FFF, v1;
	[tilespmem:$0x2830] =	vst v2  }
0xb6: {  	[tilespmem:$0x2C30] =	vst v1  }
0xb7: {  	s7 =	simm.s32 $0xF0;
	v1 =	vld [tilespmem:s8+$0x180]  }
.LBB2_4:
0xb8: {  	p1 =	sne.s32 s7, $0x2580  }
0xb9: {  	s6 =	sadd.s32 $0xF0, s6;
	s8 =	smov.u32 s7;
	s7 =	sadd.s32 $0xF0, s7  }
0xba: {  	_ =	sdelay $0x2  }
0xbb: {  	v2 =	vand.u32 $0x3FFF, v1;
	v1 =	vshra.s32 v1, $0xE  }
0xbc: {  	[tilespmem:$0x2840] =	vst v1  }
0xbd: {  	[tilespmem:$0x2C40] =	vst v2  }
0xbe: {  	_ =	swait.ge [sflag:s2], $0x2800  }
0xbf: {  	[sflag:s2] =	ssyncset.done $0x0  }
0xc0: {  	[sflag:s2] =	ssyncadd.s32 $0xFFFFD800  }
0xc1: {  	[tilespmem:s22], [sflag:$0x2] =	stream.indirect.gather [hbm4b:s1+s19], $0x80, s21, s19, $0xb8;
	[tilespmem:$0x1E000] =	vst v63  }
0xc2: {  	_ = 	snop  }
0xc3: {  	[spmem:s3] =	stream.indirect.scatter.add.f32 [tilespmem:s28], [sflag:$0x4], $0x80, s0, s19, $0xb8;
	[tilespmem:$0x1E000] =	vst v63  }
0xc4: {  	_ =	swait.ge [sflag:s18], $0x2800  }
0xc5: {  	[sflag:s18] =	ssyncset.done $0x0  }
0xc6: {  	[sflag:s18] =	ssyncadd.s32 $0xFFFFD800  }
0xc7: {  	v1 =	vld [tilespmem:s6+$0xFFFFFFE0];
	_ =	sdelay $0x4  }
0xc8: {  	v2 =	vand.u32 $0x3FFF, v1;
	v1 =	vshra.s32 v1, $0xE  }
0xc9: {  	[tilespmem:$0x2880] =	vst v1  }
0xca: {  	[tilespmem:$0x2C80] =	vst v2  }
0xcb: {  	v1 =	vld [tilespmem:s6+$0xFFFFFFF0];
	_ =	sdelay $0x4  }
0xcc: {  	v2 =	vand.u32 $0x3FFF, v1;
	v1 =	vshra.s32 v1, $0xE  }
0xcd: {  	[tilespmem:$0x2890] =	vst v1  }
0xce: {  	[tilespmem:$0x2C90] =	vst v2  }
0xcf: {  	v1 =	vld [tilespmem:s6+$0x0];
	_ =	sdelay $0x4  }
0xd0: {  	v2 =	vand.u32 $0x3FFF, v1;
	v1 =	vshra.s32 v1, $0xE  }
0xd1: {  	[tilespmem:$0x28A0] =	vst v1  }
0xd2: {  	[tilespmem:$0x2CA0] =	vst v2  }
0xd3: {  	v1 =	vld [tilespmem:s6+$0x10];
	_ =	sdelay $0x4  }
0xd4: {  	v2 =	vand.u32 $0x3FFF, v1;
	v1 =	vshra.s32 v1, $0xE  }
0xd5: {  	[tilespmem:$0x28B0] =	vst v1  }
0xd6: {  	[tilespmem:$0x2CB0] =	vst v2  }
0xd7: {  	v1 =	vld [tilespmem:s6+$0x20];
	_ =	sdelay $0x4  }
0xd8: {  	v2 =	vand.u32 $0x3FFF, v1;
	v1 =	vshra.s32 v1, $0xE  }
0xd9: {  	[tilespmem:$0x28C0] =	vst v1  }
0xda: {  	[tilespmem:$0x2CC0] =	vst v2  }
0xdb: {  	_ =	swait.ge [sflag:s23], $0x2800  }
0xdc: {  	[sflag:s23] =	ssyncset.done $0x0  }
0xdd: {  	[sflag:s23] =	ssyncadd.s32 $0xFFFFD800  }
0xde: {  	[tilespmem:s28], [sflag:$0x3] =	stream.indirect.gather [hbm4b:s1+s19], $0x80, s26, s19, $0xb8;
	[tilespmem:$0x1E000] =	vst v63  }
0xdf: {  	_ = 	snop  }
0xe0: {  	[spmem:s3] =	stream.indirect.scatter.add.f32 [tilespmem:s17], [sflag:$0x4], $0x80, s29, s19, $0xb8;
	[tilespmem:$0x1E000] =	vst v63  }
0xe1: {  	_ =	swait.ge [sflag:s18], $0x2800  }
0xe2: {  	[sflag:s18] =	ssyncset.done $0x0  }
0xe3: {  	[sflag:s18] =	ssyncadd.s32 $0xFFFFD800  }
0xe4: {  	v1 =	vld [tilespmem:s6+$0x30]  }
0xe5: {  	s8 =	sand.u32 $0x3FF0, s8;
	_ =	sdelay $0x3  }
0xe6: {  	v2 =	vand.u32 $0x3FFF, v1;
	v1 =	vshra.s32 v1, $0xE  }
0xe7: {  	[tilespmem:$0x2780] =	vst v1  }
0xe8: {  	[tilespmem:$0x2B80] =	vst v2  }
0xe9: {  	v1 =	vld [tilespmem:s8+$0x100];
	_ =	sdelay $0x4  }
0xea: {  	v2 =	vand.u32 $0x3FFF, v1;
	v1 =	vshra.s32 v1, $0xE  }
0xeb: {  	[tilespmem:$0x2790] =	vst v1  }
0xec: {  	[tilespmem:$0x2B90] =	vst v2  }
0xed: {  	v1 =	vld [tilespmem:s6+$0x50];
	_ =	sdelay $0x4  }
0xee: {  	v2 =	vand.u32 $0x3FFF, v1;
	v1 =	vshra.s32 v1, $0xE  }
0xef: {  	[tilespmem:$0x27A0] =	vst v1  }
0xf0: {  	[tilespmem:$0x2BA0] =	vst v2  }
0xf1: {  	v1 =	vld [tilespmem:s6+$0x60];
	_ =	sdelay $0x4  }
0xf2: {  	v2 =	vand.u32 $0x3FFF, v1;
	v1 =	vshra.s32 v1, $0xE  }
0xf3: {  	[tilespmem:$0x27B0] =	vst v1  }
0xf4: {  	[tilespmem:$0x2BB0] =	vst v2  }
0xf5: {  	v1 =	vld [tilespmem:s6+$0x70];
	_ =	sdelay $0x4  }
0xf6: {  	v2 =	vand.u32 $0x3FFF, v1;
	v1 =	vshra.s32 v1, $0xE  }
0xf7: {  	[tilespmem:$0x27C0] =	vst v1  }
0xf8: {  	[tilespmem:$0x2BC0] =	vst v2  }
0xf9: {  	_ =	swait.ge [sflag:s30], $0x2800  }
0xfa: {  	[sflag:s30] =	ssyncset.done $0x0  }
0xfb: {  	[sflag:s30] =	ssyncadd.s32 $0xFFFFD800  }
0xfc: {  	[tilespmem:s17], [sflag:$0x1] =	stream.indirect.gather [hbm4b:s1+s19], $0x80, s20, s19, $0xb8;
	[tilespmem:$0x1E000] =	vst v63  }
0xfd: {  	_ = 	snop  }
0xfe: {  	[spmem:s3] =	stream.indirect.scatter.add.f32 [tilespmem:s22], [sflag:$0x4], $0x80, s31, s19, $0xb8;
	[tilespmem:$0x1E000] =	vst v63  }
0xff: {  	_ =	swait.ge [sflag:s18], $0x2800  }
0x100: {  	[sflag:s18] =	ssyncset.done $0x0  }
0x101: {  	[sflag:s18] =	ssyncadd.s32 $0xFFFFD800  }
0x102: {  	v1 =	vld [tilespmem:s6+$0x80];
	_ =	sdelay $0x4  }
0x103: {  	v2 =	vand.u32 $0x3FFF, v1;
	v1 =	vshra.s32 v1, $0xE  }
0x104: {  	[tilespmem:$0x2800] =	vst v1  }
0x105: {  	[tilespmem:$0x2C00] =	vst v2  }
0x106: {  	v1 =	vld [tilespmem:s6+$0x90];
	_ =	sdelay $0x4  }
0x107: {  	v2 =	vand.u32 $0x3FFF, v1;
	v1 =	vshra.s32 v1, $0xE  }
0x108: {  	[tilespmem:$0x2810] =	vst v1  }
0x109: {  	[tilespmem:$0x2C10] =	vst v2  }
0x10a: {  	v1 =	vld [tilespmem:s6+$0xA0];
	_ =	sdelay $0x4  }
0x10b: {  	v2 =	vand.u32 $0x3FFF, v1;
	v1 =	vshra.s32 v1, $0xE  }
0x10c: {  	[tilespmem:$0x2820] =	vst v1  }
0x10d: {  	[tilespmem:$0x2C20] =	vst v2  }
0x10e: {  	v1 =	vld [tilespmem:s6+$0xB0];
	_ =	sdelay $0x3  }
.Ltmp1:
0x10f: {  	(pc) =	sbr.rel @p1 .LBB2_4-.Ltmp1, $4  }
0x110: {  	v2 =	vand.u32 $0x3FFF, v1;
	v1 =	vshra.s32 v1, $0xE  }
0x111: {  	[tilespmem:$0x2830] =	vst v1  }
0x112: {  	[tilespmem:$0x2C30] =	vst v2  }
0x113: {  	v1 =	vld [tilespmem:s8+$0x180]  }
0x114: {  	_ =	sdelay $0x3  }
0x115: {  	v2 =	vshra.s32 v1, $0xE  }
0x116: {  	v1 =	vand.u32 $0x3FFF, v1;
	[tilespmem:$0x2840] =	vst v2  }
0x117: {  	[tilespmem:$0x2C40] =	vst v1  }
0x118: {  	_ =	swait.ge [sflag:s2], $0x2800  }
0x119: {  	[sflag:s2] =	ssyncset.done $0x0  }
0x11a: {  	[sflag:s2] =	ssyncadd.s32 $0xFFFFD800  }
0x11b: {  	[tilespmem:s22], [sflag:$0x2] =	stream.indirect.gather [hbm4b:s1+s19], $0x80, s21, s19, $0xb8;
	[tilespmem:$0x1E000] =	vst v63  }
0x11c: {  	_ = 	snop  }
0x11d: {  	[spmem:s3] =	stream.indirect.scatter.add.f32 [tilespmem:s28], [sflag:$0x4], $0x80, s0, s19, $0xb8;
	[tilespmem:$0x1E000] =	vst v63  }
0x11e: {  	_ =	swait.ge [sflag:s18], $0x2800  }
0x11f: {  	[sflag:s18] =	ssyncset.done $0x0  }
0x120: {  	[sflag:s18] =	ssyncadd.s32 $0xFFFFD800  }
0x121: {  	_ =	swait.ge [sflag:s23], $0x2800  }
0x122: {  	[sflag:s23] =	ssyncset.done $0x0  }
0x123: {  	[sflag:s23] =	ssyncadd.s32 $0xFFFFD800  }
0x124: {  	[spmem:s3] =	stream.indirect.scatter.add.f32 [tilespmem:s17], [sflag:$0x4], $0x80, s29, s19, $0xb8;
	[tilespmem:$0x1E000] =	vst v63  }
0x125: {  	_ =	swait.ge [sflag:s18], $0x2800  }
0x126: {  	[sflag:s18] =	ssyncset.done $0x0  }
0x127: {  	[sflag:s18] =	ssyncadd.s32 $0xFFFFD800  }
0x128: {  	_ =	swait.ge [sflag:s30], $0x2800  }
0x129: {  	[sflag:s30] =	ssyncset.done $0x0  }
0x12a: {  	[sflag:s30] =	ssyncadd.s32 $0xFFFFD800  }
0x12b: {  	[spmem:s3] =	stream.indirect.scatter.add.f32 [tilespmem:s22], [sflag:$0x4], $0x80, s31, s19, $0xb8;
	[tilespmem:$0x1E000] =	vst v63  }
0x12c: {  	_ =	swait.ge [sflag:s18], $0x2800  }
0x12d: {  	s6 =	stileid.u32;
	[sflag:s18] =	ssyncset.done $0x0  }
0x12e: {  	s6 =	sshll.u32 s6, $0x6;
	[sflag:s18] =	ssyncadd.s32 $0xFFFFD800  }
0x12f: {  	s6 =	sor.u32 $0x1C04, s6;
	[bflag:$0x0] =	sbarrier.arrive $0xFFFF  }
0x130: {  	[hbm:s14], [sflag:s6] =	dma.local [spmem:s24], $0x2700  }
0x131: {  	_ =	swait.ge [sflag:s18], $0x2700  }
0x132: {  	s4 =	sadd.s32 $0x1, s4;
	[sflag:s18] =	ssyncset.done $0x0  }
0x133: {  	p1 =	sne.s32 s4, s16;
	[sflag:s18] =	ssyncadd.s32 $0xFFFFD900  }
0x134: {  	[hbm:s15], [sflag:s6] =	dma.local @!p0 [spmem:s25], $0x80  }
.Ltmp2:
0x135: {  	_ = 	snop;
	(pc) =	sbr.rel @p1 .LBB2_1-.Ltmp2, $4  }
0x136: {  	s6 =	simm.s32 @!p0 $0x4  }
0x137: {  	_ =	swait.ge @!p0 [sflag:s6], $0x80  }
0x138: {  	[sflag:s6] =	ssyncset.done @!p0 $0x0  }
0x139: {  	[sflag:s6] =	ssyncadd.s32 @!p0 $0xFFFFFF80  }
0x13a: {  	_ =	sfence.sel $0x180000  }
0x13b: {  	[bflag:$0x0] =	sbarrier.arrive $0xFFFF  }
0x13c: {  	_ =	strace $0x9000004A  }
0x13d: {  	s0 =	stileid.u32;
	[bflag:$0x2] =	sbarrier.arrive $0xFFFF  }
0x13e: {  	p0 =	sne.s32 s0, $0x0;
	s0 =	rddreg [dreg:$0x3]  }
0x13f: {  	s0 =	sadd.s32 @!p0 $0x100000, s0  }
0x140: {  	[sflag:s0] =	ssyncadd.tile.s32 @!p0 $0x1;
	_ =	shalt  }
.Lfunc_end2:
_tile_overlayer_lowered:
.L_overlay_start_2:
0x141: {  	(tag) =	ssettag $0x2  }
0x142: {  	s0 =	rddreg [dreg:$0x0];
	s2 =	stileid.u32  }
0x143: {  	s1 =	rddreg [dreg:$0x1];
	p0 =	sne.s32 s2, $0x0  }
0x144: {  	s3 =	rddreg [dreg:$0x2];
	[bflag:$0x3] =	sbarrier.arrive $0xFFFF;
	s2 =	simm.s32 @!p0 $0x1C04  }
0x145: {  	[timem:s3], [sflag:s2] =	dma.local @!p0 [hbm:s0], s1  }
0x146: {  	s0 =	simm.s32 @!p0 $0x4  }
0x147: {  	_ =	swait.ge @!p0 [sflag:s0], s1  }
0x148: {  	s1 =	ssub.s32 @!p0 $0x0, s1;
	[sflag:s0] =	ssyncset.done @!p0 $0x0  }
0x149: {  	[sflag:s0] =	ssyncadd.s32 @!p0 s1  }
0x14a: {  	[bflag:$0x3] =	sbarrier.arrive $0xFFFF  }
0x14b: {  	_ =	shalt  }

// kernel: kernel.13.cloned.1.call-start
scs
__scs_entry_jumppad:
0x0: {  	(pc) =	sbr.rel $0x88, $3  }
0x1: {  	(tag) =	ssettag $0x0;
	lr =	simm.s32 $0x1  }
0x2: {  	[smem:$0x3F99] =	sst lr;
	_ =	strace $0xD0000000  }
0x3: {  	_ = 	snop  }
0x4: {  	_ = 	snop  }
0x5: {  	_ = 	snop  }
0x6: {  	_ = 	snop  }
0x7: {  	_ = 	snop  }
__scs_overlays_trampoline_lowered:
0x8: {  	[smem:$0x3FA8] =	sst s0  }
0x9: {  	[smem:$0x3FA9] =	sst s1  }
0xa: {  	[smem:$0x3FAA] =	sst s2  }
0xb: {  	[smem:$0x3FAB] =	sst s3  }
0xc: {  	[smem:$0x3FAC] =	sst s4  }
0xd: {  	[smem:$0x3FAD] =	sst s5  }
0xe: {  	[smem:$0x3FAE] =	sst s6  }
0xf: {  	[smem:$0x3FAF] =	sst s7  }
0x10: {  	[smem:$0x3FB0] =	sst s8  }
0x11: {  	[smem:$0x3FB1] =	sst s9;
	s0 =	simm.s32 @!p0 $0x0  }
0x12: {  	s1 =	sld [smem:$0x3F97];
	s0 =	simm.s32 @p0 $0x1  }
0x13: {  	[smem:$0x3FB2] =	sst s0;
	s0 =	simm.s32 @!p1 $0x0  }
0x14: {  	s2 =	sld [smem:$0x3F96];
	s0 =	simm.s32 @p1 $0x1  }
0x15: {  	[smem:$0x3FB3] =	sst s0;
	s0 =	simm.s32 @!p2 $0x0  }
0x16: {  	s3 =	sld [smem:$0x3FDB];
	s0 =	simm.s32 @p2 $0x1  }
0x17: {  	s4 =	simm.s32 $0x1BF5;
	[smem:$0x3FB5] =	sst s0  }
0x18: {  	s0 =	sld [smem:$0x3F98];
	_ =	swait.ge [sflag:s4], $0x0  }
0x19: {  	s7 =	sld [smem:$0x3F99]  }
0x1a: {  	s8 =	sadd.s32 $0xFFFFE003, lr  }
0x1b: {  	s9 =	sadd.s32 $0xFFFFFEF7, lr;
	s5 =	simm.s32 $0xFFFFFFFF;
	p2 =	slt.u32 s8, $0xFFFFF086  }
0x1c: {  	p1 =	slt.u32 s9, $0xF7A;
	s5 =	simm.s32 @!p2 $0x0  }
0x1d: {  	s5 =	simm.s32 @p1 $0x1;
	p0 =	seq.s32 s7, s2  }
0x1e: {  	s7 =	smul.u32 @!p0 $0xF7A, s2;
	p2 =	seq.s32 @!p0 s5, $0x0  }
0x1f: {  	s9 =	smul.u32 $0xF7A, s1;
	s8 =	simm.s32 @!p0 $0x1BF5;
	p2 =	por !p2, p0  }
0x20: {  	[sflag:s8] =	ssyncset.s32 @!p0 $0xFFFFF086;
	s6 =	sadd.s32 @!p0 s3, s7;
	s7 =	simm.s32 @!p0 $0x108  }
0x21: {  	s3 =	sadd.s32 s3, s9;
	s6 =	sadd.s32 @!p0 $0x88, s6;
	s7 =	simm.s32 @p2 $0x1082  }
0x22: {  	[simem:s7], [sflag:s8] =	dma.local @!p0 [hbm:s6], $0xF7A  }
0x23: {  	s9 =	sor.u32 $0xD0000000, s2;
	s6 =	simm.s32 $0x108;
	_ =	swait.ge @!p0 [sflag:s8], $0x0  }
0x24: {  	s3 =	sadd.s32 $0x88, s3;
	s6 =	simm.s32 @!p1 $0x1082;
	[sflag:s4] =	ssyncset.s32 $0xFFFFF086  }
0x25: {  	[simem:s6], [sflag:s4] =	dma.local [hbm:s3], $0xF7A  }
0x26: {  	[smem:$0x3F99] =	sst s1;
	(tag) =	ssettag s2;
	_ =	strace s9  }
0x27: {  	s1 =	sld [smem:$0x3FA9]  }
0x28: {  	s2 =	sld [smem:$0x3FAA]  }
0x29: {  	s4 =	sld [smem:$0x3FAC]  }
0x2a: {  	p0 =	seq.s32 s5, $0x0;
	s5 =	sld [smem:$0x3FAD]  }
0x2b: {  	s6 =	sld [smem:$0x3FAE]  }
0x2c: {  	s7 =	sld [smem:$0x3FAF]  }
0x2d: {  	s3 =	simm.s32 $0x108;
	s8 =	sld [smem:$0x3FB0]  }
0x2e: {  	s3 =	simm.s32 @!p0 $0x1082;
	s9 =	sld [smem:$0x3FB1]  }
0x2f: {  	lr =	sadd.s32 s0, s3;
	s0 =	sld [smem:$0x3FA8]  }
0x30: {  	s3 =	sld [smem:$0x3FAB]  }
0x31: {  	[smem:$0x3FB4] =	sst s10  }
0x32: {  	s10 =	sld [smem:$0x3FB2];
	_ =	sdelay $0x3  }
0x33: {  	p0 =	seq.s32 s10, $0x1;
	s10 =	sld [smem:$0x3FB4];
	_ =	sdelay $0x3  }
0x34: {  	[smem:$0x3FB4] =	sst s10  }
0x35: {  	s10 =	sld [smem:$0x3FB3];
	_ =	sdelay $0x3  }
0x36: {  	p1 =	seq.s32 s10, $0x1;
	s10 =	sld [smem:$0x3FB4];
	_ =	sdelay $0x3  }
0x37: {  	[smem:$0x3FB4] =	sst s10  }
0x38: {  	s10 =	sld [smem:$0x3FB5]  }
0x39: {  	_ = 	snop;
	(pc) =	sbr.ind lr, $3  }
0x3a: {  	_ = 	snop  }
0x3b: {  	_ = 	snop  }
0x3c: {  	p2 =	seq.s32 s10, $0x1;
	s10 =	sld [smem:$0x3FB4]  }
0x3d: {  	_ =	shalt  }
0x3e: {  	_ =	shalt  }
0x3f: {  	_ =	shalt  }
0x40: {  	_ =	shalt  }
0x41: {  	_ =	shalt  }
0x42: {  	_ =	shalt  }
0x43: {  	_ =	shalt  }
0x44: {  	_ =	shalt  }
0x45: {  	_ =	shalt  }
0x46: {  	_ =	shalt  }
0x47: {  	_ =	shalt  }
0x48: {  	_ =	shalt  }
0x49: {  	_ =	shalt  }
0x4a: {  	_ =	shalt  }
0x4b: {  	_ =	shalt  }
0x4c: {  	_ =	shalt  }
0x4d: {  	_ =	shalt  }
0x4e: {  	_ =	shalt  }
0x4f: {  	_ =	shalt  }
0x50: {  	_ =	shalt  }
0x51: {  	_ =	shalt  }
0x52: {  	_ =	shalt  }
0x53: {  	_ =	shalt  }
0x54: {  	_ =	shalt  }
0x55: {  	_ =	shalt  }
0x56: {  	_ =	shalt  }
0x57: {  	_ =	shalt  }
0x58: {  	_ =	shalt  }
0x59: {  	_ =	shalt  }
0x5a: {  	_ =	shalt  }
0x5b: {  	_ =	shalt  }
0x5c: {  	_ =	shalt  }
0x5d: {  	_ =	shalt  }
0x5e: {  	_ =	shalt  }
0x5f: {  	_ =	shalt  }
0x60: {  	_ =	shalt  }
0x61: {  	_ =	shalt  }
0x62: {  	_ =	shalt  }
0x63: {  	_ =	shalt  }
0x64: {  	_ =	shalt  }
0x65: {  	_ =	shalt  }
0x66: {  	_ =	shalt  }
0x67: {  	_ =	shalt  }
0x68: {  	_ =	shalt  }
0x69: {  	_ =	shalt  }
0x6a: {  	_ =	shalt  }
0x6b: {  	_ =	shalt  }
0x6c: {  	_ =	shalt  }
0x6d: {  	_ =	shalt  }
0x6e: {  	_ =	shalt  }
0x6f: {  	_ =	shalt  }
0x70: {  	_ =	shalt  }
0x71: {  	_ =	shalt  }
0x72: {  	_ =	shalt  }
0x73: {  	_ =	shalt  }
0x74: {  	_ =	shalt  }
0x75: {  	_ =	shalt  }
0x76: {  	_ =	shalt  }
0x77: {  	_ =	shalt  }
0x78: {  	_ =	shalt  }
0x79: {  	_ =	shalt  }
0x7a: {  	_ =	shalt  }
0x7b: {  	_ =	shalt  }
0x7c: {  	_ =	shalt  }
0x7d: {  	_ =	shalt  }
0x7e: {  	_ =	shalt  }
0x7f: {  	_ =	shalt  }
0x80: {  	_ =	shalt  }
0x81: {  	_ =	shalt  }
0x82: {  	_ =	shalt  }
0x83: {  	_ =	shalt  }
0x84: {  	_ =	shalt  }
0x85: {  	_ =	shalt  }
0x86: {  	_ =	shalt  }
0x87: {  	_ =	shalt  }
.Lfunc_end0:
.L_simem_size_0:
called_computation.2_lowered:
.L_overlay_start_0:
0x88: {  	s2 =	sld [smem:$0x3FD9]  }
0x89: {  	s3 =	sld [smem:$0x3FFE];
	_ =	sdelay $0x1  }
0x8a: {  	s1 =	srdreg.scid  }
0x8b: {  	s0 =	sand.u32 $0x1, s1  }
0x8c: {  	s14 =	sshll.u32 s0, $0xA;
	s2 =	sadd.s32 s3, s2  }
0x8d: {  	s2 =	sadd.s32 s2, s14  }
0x8e: {  	[smem:$0x3FC0] =	sst s2  }
0x8f: {  	_ = 	snop  }
0x90: {  	s2 =	sld [smem:$0x3FD0];
	_ =	sdelay $0x2  }
0x91: {  	s15 =	simm.s32 $0xA;
	s4 =	simm.s32 $0x10  }
0x92: {  	[smem:s4], [sflag:s15] =	dma.local [hbm:s2], $0x1  }
0x93: {  	_ =	swait.eq [sflag:s15], $0x1  }
0x94: {  	[sflag:s15] =	ssyncset.done $0x0  }
0x95: {  	[sflag:s15] =	ssyncadd.s32 $0xFFFFFFFF  }
0x96: {  	s16 =	sld [smem:$0x11];
	(tm) =	ssettm $0x1  }
0x97: {  	s17 =	sld [smem:$0x3FFB];
	_ =	sdelay $0x3  }
0x98: {  	_ =	strace s17  }
0x99: {  	s3 =	sld [smem:$0x3FFC];
	_ =	sdelay $0x3  }
0x9a: {  	_ =	strace s3  }
0x9b: {  	s3 =	sld [smem:$0x3FFD];
	_ =	sdelay $0x3  }
0x9c: {  	_ =	strace s3  }
0x9d: {  	_ =	strace $0x8FFFFFFF  }
0x9e: {  	s18 =	sld [smem:$0x3FDB];
	_ =	sdelay $0x1  }
0x9f: {  	s19 =	simm.s32 $_scs_section_size  }
0xa0: {  	s5 =	simm.s32 $_size__tile_overlayer_lowered;
	s6 =	simm.s32 $_tile_overlayer_lowered  }
0xa1: {  	s22 =	simm.s32 $0x1BFF;
	s21 =	sshll.u32 s6, $0x1;
	s3 =	sadd.s32 s19, s18  }
0xa2: {  	s7 =	simm.s32 $0x0;
	s20 =	sshll.u32 s5, $0x1;
	s5 =	sadd.s32 s21, s3  }
0xa3: {  	[timem:s7], [sflag:s22] =	dma.local [hbm:s5], s20  }
0xa4: {  	_ =	swait.ge [sflag:s22], s20  }
0xa5: {  	s4 =	ssub.s32 $0x0, s20;
	[sflag:s22] =	ssyncset.done $0x0  }
0xa6: {  	[sflag:s22] =	ssyncadd.s32 s4;
	_ =	sdelay $0x1  }
0xa7: {  	s23 =	simm.s32 $0x1B8B  }
0xa8: {  	_ =	swait.ge [sflag:s23], $0x1  }
0xa9: {  	[sflag:s23] =	ssyncset.done $0x0  }
0xaa: {  	s25 =	simm.s32 $0x1B8E;
	s24 =	sld [smem:$0x3FFE];
	[sflag:s23] =	ssyncadd.s32 $0xFFFFFFFF  }
0xab: {  	s26 =	simm.s32 $execute0_lowered;
	[smem:$0x3FD2] =	sst s25  }
0xac: {  	s5 =	sshll.u32 s26, $0x1;
	_ =	strace $0x8000004C;
	[dreg:$0x1] =	wrdreg $0xFFFFFFFF  }
0xad: {  	s28 =	simm.s32 $_size_execute0_lowered;
	s3 =	sadd.s32 s3, s5;
	[dreg:$0x0] =	wrdreg $0x0  }
0xae: {  	s5 =	sshll.u32 s28, $0x1;
	[dreg:$0x2] =	wrdreg s3  }
0xaf: {  	[dreg:$0x3] =	wrdreg s5  }
0xb0: {  	[dreg:$0x4] =	wrdreg $0xC0  }
0xb1: {  	_ =	task [dreg:s7], $0x5FFFF  }
0xb2: {  	[dreg:$0x1] =	wrdreg $0xFFFFFFFF  }
0xb3: {  	[dreg:$0x0] =	wrdreg $0x60  }
0xb4: {  	[dreg:$0x2] =	wrdreg s16  }
0xb5: {  	[dreg:$0x3] =	wrdreg s24  }
0xb6: {  	[dreg:$0x4] =	wrdreg $0xA7800  }
0xb7: {  	[dreg:$0x5] =	wrdreg $0x9  }
0xb8: {  	_ =	task.clear_ibuf [dreg:s7], $0x6FFFF;
	_ =	strace $0x9000004C  }
0xb9: {  	s29 =	simm.s32 $0x9;
	_ =	strace $0x8000004E  }
0xba: {  	_ =	swait.ge [sflag:s29], $0x1  }
0xbb: {  	[sflag:s29] =	ssyncadd.s32 $0xFFFFFFFF  }
0xbc: {  	_ =	strace $0x9000004E  }
0xbd: {  	_ =	sfence  }
0xbe: {  	s30 =	sld [smem:$0x0];
	_ =	sdelay $0x2  }
0xbf: {  	s31 =	sshll.u32 s1, $0xD;
	s1 =	sshrl.u32 s1, $0x2  }
0xc0: {  	s3 =	sand.u32 $0x4000, s31;
	s1 =	sadd.s32 s1, s30  }
0xc1: {  	s0 =	sor.u32 s3, s0;
	s1 =	sshll.u32 s1, $0x11  }
0xc2: {  	s0 =	sor.u32 s1, s0  }
0xc3: {  	s0 =	sadd.s32 $0x8F2B, s0  }
0xc4: {  	[sflag:s0] =	ssyncadd.remote.s32 $0x1  }
0xc5: {  	_ =	sfence.sel $0xFFFF  }
0xc6: {  	[dreg:$0x0] =	wrdreg $0xFFFFFFFF;
	(pc) =	sbr.abs _section_cstart, $3  }
0xc7: {  	[dreg:$0x1] =	wrdreg $0xFFFFFFFF  }
0xc8: {  	_ =	task.clear_ibuf [dreg:s7], $0x2FFFF;
	_ =	strace $0x9FFFFFFF  }
0xc9: {  	(tm) =	ssettm $0x7FFFFFFF  }
tec
execute0_lowered:
.L_overlay_start_1:
0x0: {  	(tag) =	ssettag $0x1  }
0x1: {  	s1 =	rddreg [dreg:$0x0]  }
0x2: {  	s0 =	srdreg.scid;
	s2 =	rddreg [dreg:$0x1]  }
0x3: {  	s9 =	stileid.u32;
	s3 =	rddreg [dreg:$0x2]  }
0x4: {  	s28 =	simm.s32 $0x7F80;
	s29 =	simm.s32 $0x2B80;
	s30 =	simm.s32 $0x2  }
0x5: {  	s31 =	simm.s32 $0x2C00;
	s0 =	sand.u32 $0x1, s0;
	s6 =	smul.u32 $0x4E200, s9  }
0x6: {  	s15 =	smul.u32 $0x271, s9;
	s4 =	sshll.u32 s0, $0x4;
	s8 =	ssub.s32 $0x2, s0  }
0x7: {  	s0 =	smul.u32 $0x138800, s0;
	s5 =	sor.u32 s9, s4;
	s4 =	simm.s32 $0x0  }
0x8: {  	s18 =	sshrl.u32 s6, $0x2;
	s19 =	sshrl.u32 s8, $0x1;
	s23 =	sadd.s32 $0x7, s15  }
0x9: {  	s5 =	smul.u32 $0x4E2, s5;
	[smem:$0x7FF] =	sst s4;
	s6 =	ssub.s32 s8, s19  }
0xa: {  	s12 =	sshll.u32 s23, $0x7;
	s8 =	sand.u32 $0x7FF8, s23;
	s19 =	simm.s32 $0x50  }
0xb: {  	s23 =	simm.s32 $0x1;
	_ =	strace $0x8000004D;
	s16 =	sand.u32 $0x3FFC00, s12  }
0xc: {  	s17 =	sshll.u32 s8, $0x7;
	s25 =	ssub.s32 s15, s8;
	s7 =	sadd.s32 s5, s2  }
0xd: {  	s2 =	sadd.s32 $0x16800, s2;
	s5 =	sadd.s32 s18, s3;
	s14 =	sadd.s32 s0, s16  }
0xe: {  	s17 =	sadd.s32 $0x13800, s17;
	s26 =	sadd.s32 s16, s3;
	s16 =	smax.u32 s6, $0x1  }
0xf: {  	s18 =	simm.s32 $0x4;
	s20 =	sadd.s32 $0x2800, s5;
	s21 =	sadd.s32 $0x5000, s5  }
0x10: {  	s22 =	sadd.s32 $0x7800, s5;
	s9 =	sadd.s32 $0xA000, s5;
	s10 =	sadd.s32 $0xC800, s5  }
0x11: {  	s11 =	sadd.s32 $0xF000, s5;
	s12 =	sadd.s32 $0x11800, s5;
	[dreg:$0x4] =	wrdreg s20  }
0x12: {  	s13 =	sadd.s32 $0xCA00, s7;
	s24 =	sshrl.u32 s14, $0x3;
	[dreg:$0x5] =	wrdreg s21  }
0x13: {  	s0 =	sadd.s32 s0, s17;
	s7 =	sadd.s32 $0x278, s25;
	[dreg:$0x6] =	wrdreg s22  }
0x14: {  	s14 =	sadd.s32 s2, s24;
	s0 =	sshrl.u32 s0, $0x3;
	s7 =	sand.u32 $0xFFFFFFF8, s7  }
0x15: {  	s20 =	simm.s32 $0x2780;
	s21 =	simm.s32 $0x2800;
	s22 =	simm.s32 $0x5780  }
0x16: {  	s24 =	sshrl.u32 s26, $0x3;
	s26 =	simm.s32 $0x2880;
	s15 =	sadd.s32 s2, s0  }
0x17: {  	s0 =	sadd.s32 s17, s3;
	s17 =	simm.s32 $0x2F80;
	p0 =	slt.s32 s7, $0x271  }
0x18: {  	v0 =	vimm.f32 $0.0e+00;
	s2 =	simm.s32 $0x3;
	s25 =	sshrl.u32 @!p0 s0, $0x3;
	s0 =	simm.s32 $0x2C80  }
.LBB2_1:
0x19: {  	s6 =	simm.s32 $0x0;
	s7 =	simm.s32 $0x200  }
.LBB2_2:
0x1a: {  	p1 =	sne.s32 s7, $0x9E00;
	[tilespmem:s6+$0x2FF0] =	vst v0  }
0x1b: {  	[tilespmem:s6+$0x2F80] =	vst v0  }
0x1c: {  	[tilespmem:s6+$0x2F90] =	vst v0  }
.Ltmp0:
0x1d: {  	[tilespmem:s6+$0x2FA0] =	vst v0;
	(pc) =	sbr.rel @p1 .LBB2_2-.Ltmp0, $4  }
0x1e: {  	[tilespmem:s6+$0x2FB0] =	vst v0  }
0x1f: {  	[tilespmem:s6+$0x2FC0] =	vst v0  }
0x20: {  	[tilespmem:s6+$0x2FD0] =	vst v0  }
0x21: {  	[tilespmem:s6+$0x2FE0] =	vst v0;
	s6 =	sshra.s32 s7, $0x2;
	s7 =	sadd.s32 $0x200, s7  }
0x22: {  	[tilespmem:s6+$0x2FF0] =	vst v0  }
0x23: {  	[tilespmem:s6+$0x2F80] =	vst v0  }
0x24: {  	[tilespmem:s6+$0x2F90] =	vst v0  }
0x25: {  	[tilespmem:s6+$0x2FA0] =	vst v0  }
0x26: {  	[tilespmem:s6+$0x2FB0] =	vst v0  }
0x27: {  	[tilespmem:s6+$0x2FC0] =	vst v0  }
0x28: {  	[tilespmem:s6+$0x2FD0] =	vst v0  }
0x29: {  	[tilespmem:s6+$0x2FE0] =	vst v0  }
0x2a: {  	[spmem:s5] =	stream.linear.scatter [tilespmem:s17], [sflag:$0x4], $0x2800, $0x38;
	[tilespmem:$0x1E000] =	vst v63  }
0x2b: {  	_ =	swait.ge [sflag:s18], $0x2800  }
0x2c: {  	[sflag:s18] =	ssyncset.done $0x0  }
0x2d: {  	s8 =	rddreg [dreg:$0x4];
	[sflag:s18] =	ssyncadd.s32 $0xFFFFD800  }
0x2e: {  	[spmem:s8] =	stream.linear.scatter [tilespmem:s17], [sflag:$0x4], $0x2800, $0x38;
	[tilespmem:$0x1E000] =	vst v63  }
0x2f: {  	_ =	swait.ge [sflag:s18], $0x2800  }
0x30: {  	[sflag:s18] =	ssyncset.done $0x0  }
0x31: {  	s7 =	rddreg [dreg:$0x5];
	[sflag:s18] =	ssyncadd.s32 $0xFFFFD800  }
0x32: {  	[spmem:s7] =	stream.linear.scatter [tilespmem:s17], [sflag:$0x4], $0x2800, $0x38;
	[tilespmem:$0x1E000] =	vst v63  }
0x33: {  	_ =	swait.ge [sflag:s18], $0x2800  }
0x34: {  	[sflag:s18] =	ssyncset.done $0x0  }
0x35: {  	s8 =	rddreg [dreg:$0x6];
	[sflag:s18] =	ssyncadd.s32 $0xFFFFD800  }
0x36: {  	[spmem:s8] =	stream.linear.scatter [tilespmem:s17], [sflag:$0x4], $0x2800, $0x38;
	[tilespmem:$0x1E000] =	vst v63  }
0x37: {  	_ =	swait.ge [sflag:s18], $0x2800  }
0x38: {  	[sflag:s18] =	ssyncset.done $0x0  }
0x39: {  	[sflag:s18] =	ssyncadd.s32 $0xFFFFD800  }
0x3a: {  	[spmem:s9] =	stream.linear.scatter [tilespmem:s17], [sflag:$0x4], $0x2800, $0x38;
	[tilespmem:$0x1E000] =	vst v63  }
0x3b: {  	_ =	swait.ge [sflag:s18], $0x2800  }
0x3c: {  	[sflag:s18] =	ssyncset.done $0x0  }
0x3d: {  	[sflag:s18] =	ssyncadd.s32 $0xFFFFD800  }
0x3e: {  	[spmem:s10] =	stream.linear.scatter [tilespmem:s17], [sflag:$0x4], $0x2800, $0x38;
	[tilespmem:$0x1E000] =	vst v63  }
0x3f: {  	_ =	swait.ge [sflag:s18], $0x2800  }
0x40: {  	[sflag:s18] =	ssyncset.done $0x0  }
0x41: {  	[sflag:s18] =	ssyncadd.s32 $0xFFFFD800  }
0x42: {  	[spmem:s11] =	stream.linear.scatter [tilespmem:s17], [sflag:$0x4], $0x2800, $0x38;
	[tilespmem:$0x1E000] =	vst v63  }
0x43: {  	_ =	swait.ge [sflag:s18], $0x2800  }
0x44: {  	[sflag:s18] =	ssyncset.done $0x0  }
0x45: {  	[sflag:s18] =	ssyncadd.s32 $0xFFFFD800  }
0x46: {  	[spmem:s12] =	stream.linear.scatter [tilespmem:s17], [sflag:$0x4], $0x2080, $0x38;
	[tilespmem:$0x1E000] =	vst v63  }
0x47: {  	_ =	swait.ge [sflag:s18], $0x2080  }
0x48: {  	[sflag:s18] =	ssyncset.done $0x0  }
0x49: {  	[sflag:s18] =	ssyncadd.s32 $0xFFFFDF80  }
0x4a: {  	s7 =	simm.s32 $0x0;
	[bflag:$0x0] =	sbarrier.arrive $0xFFFF  }
0x4b: {  	[tilespmem:s7], [sflag:$0x4] =	stream.linear.gather [hbm4b:s13+s7], $0x2710, $0x38;
	[tilespmem:$0x1E000] =	vst v63  }
0x4c: {  	_ =	swait.ge [sflag:s18], $0x2710  }
0x4d: {  	[sflag:s18] =	ssyncset.done $0x0  }
0x4e: {  	[sflag:s18] =	ssyncadd.s32 $0xFFFFD8F0  }
0x4f: {  	v1 =	vld [tilespmem:$0x0];
	_ =	sdelay $0x1  }
0x50: {  	v2 =	vld [tilespmem:$0x10];
	_ =	sdelay $0x1  }
0x51: {  	v3 =	vld [tilespmem:$0x20]  }
0x52: {  	v4 =	vshra.s32 v1, $0xE  }
0x53: {  	v61 =	vld [tilespmem:$0x30];
	v1 =	vand.u32 $0x3FFF, v1;
	[tilespmem:$0x2780] =	vst v4  }
0x54: {  	[tilespmem:$0x2B80] =	vst v1;
	v1 =	vshra.s32 v2, $0xE  }
0x55: {  	v2 =	vand.u32 $0x3FFF, v2;
	[tilespmem:$0x2790] =	vst v1;
	v1 =	vld [tilespmem:$0x40]  }
0x56: {  	[tilespmem:$0x2B90] =	vst v2;
	v2 =	vshra.s32 v3, $0xE  }
0x57: {  	v3 =	vand.u32 $0x3FFF, v3;
	[tilespmem:$0x27A0] =	vst v2  }
0x58: {  	[tilespmem:$0x2BA0] =	vst v3;
	v2 =	vshra.s32 v61, $0xE  }
0x59: {  	v3 =	vand.u32 $0x3FFF, v61;
	[tilespmem:$0x27B0] =	vst v2  }
0x5a: {  	[tilespmem:$0x2BB0] =	vst v3;
	v2 =	vshra.s32 v1, $0xE  }
0x5b: {  	v1 =	vand.u32 $0x3FFF, v1;
	[tilespmem:$0x27C0] =	vst v2  }
0x5c: {  	[tilespmem:$0x2BC0] =	vst v1  }
0x5d: {  	[tilespmem:s17], [sflag:$0x1] =	stream.indirect.gather [hbm4b:s1+s19], $0x80, s20, s19, $0xb8;
	[tilespmem:$0x1E000] =	vst v63  }
0x5e: {  	v1 =	vld [tilespmem:$0x50];
	_ =	sdelay $0x1  }
0x5f: {  	v2 =	vld [tilespmem:$0x60];
	_ =	sdelay $0x1  }
0x60: {  	v3 =	vld [tilespmem:$0x70]  }
0x61: {  	v62 =	vshra.s32 v1, $0xE  }
0x62: {  	v63 =	vld [tilespmem:$0x80];
	v1 =	vand.u32 $0x3FFF, v1;
	[tilespmem:$0x2800] =	vst v62  }
0x63: {  	[tilespmem:$0x2C00] =	vst v1;
	v1 =	vshra.s32 v2, $0xE  }
0x64: {  	v2 =	vand.u32 $0x3FFF, v2;
	[tilespmem:$0x2810] =	vst v1;
	v1 =	vld [tilespmem:$0x90]  }
0x65: {  	[tilespmem:$0x2C10] =	vst v2;
	v2 =	vshra.s32 v3, $0xE  }
0x66: {  	[tilespmem:$0x2820] =	vst v2;
	v2 =	vand.u32 $0x3FFF, v3  }
0x67: {  	[tilespmem:$0x2C20] =	vst v2;
	v2 =	vshra.s32 v63, $0xE  }
0x68: {  	[tilespmem:$0x2830] =	vst v2;
	v2 =	vand.u32 $0x3FFF, v63  }
0x69: {  	[tilespmem:$0x2C30] =	vst v2;
	v2 =	vshra.s32 v1, $0xE  }
0x6a: {  	v1 =	vand.u32 $0x3FFF, v1;
	[tilespmem:$0x2840] =	vst v2  }
0x6b: {  	s6 =	simm.s32 $0xC0;
	[tilespmem:$0x2C40] =	vst v1  }
0x6c: {  	[tilespmem:s22], [sflag:$0x2] =	stream.indirect.gather [hbm4b:s1+s19], $0x80, s21, s19, $0xb8;
	[tilespmem:$0x1E000] =	vst v63  }
0x6d: {  	v1 =	vld [tilespmem:s6+$0xFFFFFFE0];
	_ =	sdelay $0x4  }
0x6e: {  	v2 =	vshra.s32 v1, $0xE  }
0x6f: {  	v1 =	vand.u32 $0x3FFF, v1;
	[tilespmem:$0x2880] =	vst v2  }
0x70: {  	[tilespmem:$0x2C80] =	vst v1  }
0x71: {  	v1 =	vld [tilespmem:s6+$0xFFFFFFF0];
	_ =	sdelay $0x4  }
0x72: {  	v2 =	vshra.s32 v1, $0xE  }
0x73: {  	v1 =	vand.u32 $0x3FFF, v1;
	[tilespmem:$0x2890] =	vst v2  }
0x74: {  	[tilespmem:$0x2C90] =	vst v1  }
0x75: {  	v1 =	vld [tilespmem:s6+$0x0];
	_ =	sdelay $0x4  }
0x76: {  	v2 =	vshra.s32 v1, $0xE  }
0x77: {  	v1 =	vand.u32 $0x3FFF, v1;
	[tilespmem:$0x28A0] =	vst v2  }
0x78: {  	[tilespmem:$0x2CA0] =	vst v1  }
0x79: {  	v1 =	vld [tilespmem:s6+$0x10];
	_ =	sdelay $0x4  }
0x7a: {  	v2 =	vshra.s32 v1, $0xE  }
0x7b: {  	v1 =	vand.u32 $0x3FFF, v1;
	[tilespmem:$0x28B0] =	vst v2  }
0x7c: {  	[tilespmem:$0x2CB0] =	vst v1  }
0x7d: {  	v1 =	vld [tilespmem:s6+$0x20];
	_ =	sdelay $0x4  }
0x7e: {  	v2 =	vshra.s32 v1, $0xE  }
0x7f: {  	v1 =	vand.u32 $0x3FFF, v1;
	[tilespmem:$0x28C0] =	vst v2  }
0x80: {  	[tilespmem:$0x2CC0] =	vst v1  }
0x81: {  	_ =	swait.ge [sflag:s23], $0x2800  }
0x82: {  	[sflag:s23] =	ssyncset.done $0x0  }
0x83: {  	[sflag:s23] =	ssyncadd.s32 $0xFFFFD800  }
0x84: {  	[tilespmem:s28], [sflag:$0x3] =	stream.indirect.gather [hbm4b:s1+s19], $0x80, s26, s19, $0xb8;
	[tilespmem:$0x1E000] =	vst v63  }
0x85: {  	_ = 	snop  }
0x86: {  	[spmem:s3] =	stream.indirect.scatter.add.f32 [tilespmem:s17], [sflag:$0x4], $0x80, s29, s19, $0xb8;
	[tilespmem:$0x1E000] =	vst v63  }
0x87: {  	_ =	swait.ge [sflag:s18], $0x2800  }
0x88: {  	[sflag:s18] =	ssyncset.done $0x0  }
0x89: {  	[sflag:s18] =	ssyncadd.s32 $0xFFFFD800  }
0x8a: {  	v1 =	vld [tilespmem:s6+$0x30];
	_ =	sdelay $0x4  }
0x8b: {  	v2 =	vshra.s32 v1, $0xE  }
0x8c: {  	v1 =	vand.u32 $0x3FFF, v1;
	[tilespmem:$0x2780] =	vst v2  }
0x8d: {  	s8 =	sand.u32 $0x3FF0, s7;
	[tilespmem:$0x2B80] =	vst v1  }
0x8e: {  	v1 =	vld [tilespmem:s8+$0x100];
	_ =	sdelay $0x4  }
0x8f: {  	v2 =	vshra.s32 v1, $0xE  }
0x90: {  	v1 =	vand.u32 $0x3FFF, v1;
	[tilespmem:$0x2790] =	vst v2  }
0x91: {  	[tilespmem:$0x2B90] =	vst v1  }
0x92: {  	v1 =	vld [tilespmem:s6+$0x50];
	_ =	sdelay $0x4  }
0x93: {  	v2 =	vshra.s32 v1, $0xE  }
0x94: {  	v1 =	vand.u32 $0x3FFF, v1;
	[tilespmem:$0x27A0] =	vst v2  }
0x95: {  	[tilespmem:$0x2BA0] =	vst v1  }
0x96: {  	v1 =	vld [tilespmem:s6+$0x60];
	_ =	sdelay $0x4  }
0x97: {  	v2 =	vshra.s32 v1, $0xE  }
0x98: {  	v1 =	vand.u32 $0x3FFF, v1;
	[tilespmem:$0x27B0] =	vst v2  }
0x99: {  	[tilespmem:$0x2BB0] =	vst v1  }
0x9a: {  	v1 =	vld [tilespmem:s6+$0x70];
	_ =	sdelay $0x4  }
0x9b: {  	v2 =	vshra.s32 v1, $0xE  }
0x9c: {  	v1 =	vand.u32 $0x3FFF, v1;
	[tilespmem:$0x27C0] =	vst v2  }
0x9d: {  	[tilespmem:$0x2BC0] =	vst v1  }
0x9e: {  	_ =	swait.ge [sflag:s30], $0x2800  }
0x9f: {  	[sflag:s30] =	ssyncset.done $0x0  }
0xa0: {  	[sflag:s30] =	ssyncadd.s32 $0xFFFFD800  }
0xa1: {  	[tilespmem:s17], [sflag:$0x1] =	stream.indirect.gather [hbm4b:s1+s19], $0x80, s20, s19, $0xb8;
	[tilespmem:$0x1E000] =	vst v63  }
0xa2: {  	_ = 	snop  }
0xa3: {  	[spmem:s3] =	stream.indirect.scatter.add.f32 [tilespmem:s22], [sflag:$0x4], $0x80, s31, s19, $0xb8;
	[tilespmem:$0x1E000] =	vst v63  }
0xa4: {  	_ =	swait.ge [sflag:s18], $0x2800  }
0xa5: {  	[sflag:s18] =	ssyncset.done $0x0  }
0xa6: {  	[sflag:s18] =	ssyncadd.s32 $0xFFFFD800  }
0xa7: {  	v1 =	vld [tilespmem:s6+$0x80];
	_ =	sdelay $0x4  }
0xa8: {  	v2 =	vshra.s32 v1, $0xE  }
0xa9: {  	v1 =	vand.u32 $0x3FFF, v1;
	[tilespmem:$0x2800] =	vst v2  }
0xaa: {  	[tilespmem:$0x2C00] =	vst v1  }
0xab: {  	v1 =	vld [tilespmem:s6+$0x90];
	_ =	sdelay $0x4  }
0xac: {  	v2 =	vshra.s32 v1, $0xE  }
0xad: {  	v1 =	vand.u32 $0x3FFF, v1;
	[tilespmem:$0x2810] =	vst v2  }
0xae: {  	[tilespmem:$0x2C10] =	vst v1  }
0xaf: {  	v1 =	vld [tilespmem:s6+$0xA0];
	_ =	sdelay $0x4  }
0xb0: {  	v2 =	vshra.s32 v1, $0xE  }
0xb1: {  	v1 =	vand.u32 $0x3FFF, v1;
	[tilespmem:$0x2820] =	vst v2  }
0xb2: {  	[tilespmem:$0x2C20] =	vst v1  }
0xb3: {  	v1 =	vld [tilespmem:s6+$0xB0];
	_ =	sdelay $0x4  }
0xb4: {  	v2 =	vshra.s32 v1, $0xE  }
0xb5: {  	v1 =	vand.u32 $0x3FFF, v1;
	[tilespmem:$0x2830] =	vst v2  }
0xb6: {  	[tilespmem:$0x2C30] =	vst v1  }
0xb7: {  	s7 =	simm.s32 $0xF0;
	v1 =	vld [tilespmem:s8+$0x180]  }
.LBB2_4:
0xb8: {  	p1 =	sne.s32 s7, $0x2580  }
0xb9: {  	s6 =	sadd.s32 $0xF0, s6;
	s8 =	smov.u32 s7;
	s7 =	sadd.s32 $0xF0, s7  }
0xba: {  	_ =	sdelay $0x2  }
0xbb: {  	v2 =	vand.u32 $0x3FFF, v1;
	v1 =	vshra.s32 v1, $0xE  }
0xbc: {  	[tilespmem:$0x2840] =	vst v1  }
0xbd: {  	[tilespmem:$0x2C40] =	vst v2  }
0xbe: {  	_ =	swait.ge [sflag:s2], $0x2800  }
0xbf: {  	[sflag:s2] =	ssyncset.done $0x0  }
0xc0: {  	[sflag:s2] =	ssyncadd.s32 $0xFFFFD800  }
0xc1: {  	[tilespmem:s22], [sflag:$0x2] =	stream.indirect.gather [hbm4b:s1+s19], $0x80, s21, s19, $0xb8;
	[tilespmem:$0x1E000] =	vst v63  }
0xc2: {  	_ = 	snop  }
0xc3: {  	[spmem:s3] =	stream.indirect.scatter.add.f32 [tilespmem:s28], [sflag:$0x4], $0x80, s0, s19, $0xb8;
	[tilespmem:$0x1E000] =	vst v63  }
0xc4: {  	_ =	swait.ge [sflag:s18], $0x2800  }
0xc5: {  	[sflag:s18] =	ssyncset.done $0x0  }
0xc6: {  	[sflag:s18] =	ssyncadd.s32 $0xFFFFD800  }
0xc7: {  	v1 =	vld [tilespmem:s6+$0xFFFFFFE0];
	_ =	sdelay $0x4  }
0xc8: {  	v2 =	vand.u32 $0x3FFF, v1;
	v1 =	vshra.s32 v1, $0xE  }
0xc9: {  	[tilespmem:$0x2880] =	vst v1  }
0xca: {  	[tilespmem:$0x2C80] =	vst v2  }
0xcb: {  	v1 =	vld [tilespmem:s6+$0xFFFFFFF0];
	_ =	sdelay $0x4  }
0xcc: {  	v2 =	vand.u32 $0x3FFF, v1;
	v1 =	vshra.s32 v1, $0xE  }
0xcd: {  	[tilespmem:$0x2890] =	vst v1  }
0xce: {  	[tilespmem:$0x2C90] =	vst v2  }
0xcf: {  	v1 =	vld [tilespmem:s6+$0x0];
	_ =	sdelay $0x4  }
0xd0: {  	v2 =	vand.u32 $0x3FFF, v1;
	v1 =	vshra.s32 v1, $0xE  }
0xd1: {  	[tilespmem:$0x28A0] =	vst v1  }
0xd2: {  	[tilespmem:$0x2CA0] =	vst v2  }
0xd3: {  	v1 =	vld [tilespmem:s6+$0x10];
	_ =	sdelay $0x4  }
0xd4: {  	v2 =	vand.u32 $0x3FFF, v1;
	v1 =	vshra.s32 v1, $0xE  }
0xd5: {  	[tilespmem:$0x28B0] =	vst v1  }
0xd6: {  	[tilespmem:$0x2CB0] =	vst v2  }
0xd7: {  	v1 =	vld [tilespmem:s6+$0x20];
	_ =	sdelay $0x4  }
0xd8: {  	v2 =	vand.u32 $0x3FFF, v1;
	v1 =	vshra.s32 v1, $0xE  }
0xd9: {  	[tilespmem:$0x28C0] =	vst v1  }
0xda: {  	[tilespmem:$0x2CC0] =	vst v2  }
0xdb: {  	_ =	swait.ge [sflag:s23], $0x2800  }
0xdc: {  	[sflag:s23] =	ssyncset.done $0x0  }
0xdd: {  	[sflag:s23] =	ssyncadd.s32 $0xFFFFD800  }
0xde: {  	[tilespmem:s28], [sflag:$0x3] =	stream.indirect.gather [hbm4b:s1+s19], $0x80, s26, s19, $0xb8;
	[tilespmem:$0x1E000] =	vst v63  }
0xdf: {  	_ = 	snop  }
0xe0: {  	[spmem:s3] =	stream.indirect.scatter.add.f32 [tilespmem:s17], [sflag:$0x4], $0x80, s29, s19, $0xb8;
	[tilespmem:$0x1E000] =	vst v63  }
0xe1: {  	_ =	swait.ge [sflag:s18], $0x2800  }
0xe2: {  	[sflag:s18] =	ssyncset.done $0x0  }
0xe3: {  	[sflag:s18] =	ssyncadd.s32 $0xFFFFD800  }
0xe4: {  	v1 =	vld [tilespmem:s6+$0x30]  }
0xe5: {  	s8 =	sand.u32 $0x3FF0, s8;
	_ =	sdelay $0x3  }
0xe6: {  	v2 =	vand.u32 $0x3FFF, v1;
	v1 =	vshra.s32 v1, $0xE  }
0xe7: {  	[tilespmem:$0x2780] =	vst v1  }
0xe8: {  	[tilespmem:$0x2B80] =	vst v2  }
0xe9: {  	v1 =	vld [tilespmem:s8+$0x100];
	_ =	sdelay $0x4  }
0xea: {  	v2 =	vand.u32 $0x3FFF, v1;
	v1 =	vshra.s32 v1, $0xE  }
0xeb: {  	[tilespmem:$0x2790] =	vst v1  }
0xec: {  	[tilespmem:$0x2B90] =	vst v2  }
0xed: {  	v1 =	vld [tilespmem:s6+$0x50];
	_ =	sdelay $0x4  }
0xee: {  	v2 =	vand.u32 $0x3FFF, v1;
	v1 =	vshra.s32 v1, $0xE  }
0xef: {  	[tilespmem:$0x27A0] =	vst v1  }
0xf0: {  	[tilespmem:$0x2BA0] =	vst v2  }
0xf1: {  	v1 =	vld [tilespmem:s6+$0x60];
	_ =	sdelay $0x4  }
0xf2: {  	v2 =	vand.u32 $0x3FFF, v1;
	v1 =	vshra.s32 v1, $0xE  }
0xf3: {  	[tilespmem:$0x27B0] =	vst v1  }
0xf4: {  	[tilespmem:$0x2BB0] =	vst v2  }
0xf5: {  	v1 =	vld [tilespmem:s6+$0x70];
	_ =	sdelay $0x4  }
0xf6: {  	v2 =	vand.u32 $0x3FFF, v1;
	v1 =	vshra.s32 v1, $0xE  }
0xf7: {  	[tilespmem:$0x27C0] =	vst v1  }
0xf8: {  	[tilespmem:$0x2BC0] =	vst v2  }
0xf9: {  	_ =	swait.ge [sflag:s30], $0x2800  }
0xfa: {  	[sflag:s30] =	ssyncset.done $0x0  }
0xfb: {  	[sflag:s30] =	ssyncadd.s32 $0xFFFFD800  }
0xfc: {  	[tilespmem:s17], [sflag:$0x1] =	stream.indirect.gather [hbm4b:s1+s19], $0x80, s20, s19, $0xb8;
	[tilespmem:$0x1E000] =	vst v63  }
0xfd: {  	_ = 	snop  }
0xfe: {  	[spmem:s3] =	stream.indirect.scatter.add.f32 [tilespmem:s22], [sflag:$0x4], $0x80, s31, s19, $0xb8;
	[tilespmem:$0x1E000] =	vst v63  }
0xff: {  	_ =	swait.ge [sflag:s18], $0x2800  }
0x100: {  	[sflag:s18] =	ssyncset.done $0x0  }
0x101: {  	[sflag:s18] =	ssyncadd.s32 $0xFFFFD800  }
0x102: {  	v1 =	vld [tilespmem:s6+$0x80];
	_ =	sdelay $0x4  }
0x103: {  	v2 =	vand.u32 $0x3FFF, v1;
	v1 =	vshra.s32 v1, $0xE  }
0x104: {  	[tilespmem:$0x2800] =	vst v1  }
0x105: {  	[tilespmem:$0x2C00] =	vst v2  }
0x106: {  	v1 =	vld [tilespmem:s6+$0x90];
	_ =	sdelay $0x4  }
0x107: {  	v2 =	vand.u32 $0x3FFF, v1;
	v1 =	vshra.s32 v1, $0xE  }
0x108: {  	[tilespmem:$0x2810] =	vst v1  }
0x109: {  	[tilespmem:$0x2C10] =	vst v2  }
0x10a: {  	v1 =	vld [tilespmem:s6+$0xA0];
	_ =	sdelay $0x4  }
0x10b: {  	v2 =	vand.u32 $0x3FFF, v1;
	v1 =	vshra.s32 v1, $0xE  }
0x10c: {  	[tilespmem:$0x2820] =	vst v1  }
0x10d: {  	[tilespmem:$0x2C20] =	vst v2  }
0x10e: {  	v1 =	vld [tilespmem:s6+$0xB0];
	_ =	sdelay $0x3  }
.Ltmp1:
0x10f: {  	(pc) =	sbr.rel @p1 .LBB2_4-.Ltmp1, $4  }
0x110: {  	v2 =	vand.u32 $0x3FFF, v1;
	v1 =	vshra.s32 v1, $0xE  }
0x111: {  	[tilespmem:$0x2830] =	vst v1  }
0x112: {  	[tilespmem:$0x2C30] =	vst v2  }
0x113: {  	v1 =	vld [tilespmem:s8+$0x180]  }
0x114: {  	_ =	sdelay $0x3  }
0x115: {  	v2 =	vshra.s32 v1, $0xE  }
0x116: {  	v1 =	vand.u32 $0x3FFF, v1;
	[tilespmem:$0x2840] =	vst v2  }
0x117: {  	[tilespmem:$0x2C40] =	vst v1  }
0x118: {  	_ =	swait.ge [sflag:s2], $0x2800  }
0x119: {  	[sflag:s2] =	ssyncset.done $0x0  }
0x11a: {  	[sflag:s2] =	ssyncadd.s32 $0xFFFFD800  }
0x11b: {  	[tilespmem:s22], [sflag:$0x2] =	stream.indirect.gather [hbm4b:s1+s19], $0x80, s21, s19, $0xb8;
	[tilespmem:$0x1E000] =	vst v63  }
0x11c: {  	_ = 	snop  }
0x11d: {  	[spmem:s3] =	stream.indirect.scatter.add.f32 [tilespmem:s28], [sflag:$0x4], $0x80, s0, s19, $0xb8;
	[tilespmem:$0x1E000] =	vst v63  }
0x11e: {  	_ =	swait.ge [sflag:s18], $0x2800  }
0x11f: {  	[sflag:s18] =	ssyncset.done $0x0  }
0x120: {  	[sflag:s18] =	ssyncadd.s32 $0xFFFFD800  }
0x121: {  	_ =	swait.ge [sflag:s23], $0x2800  }
0x122: {  	[sflag:s23] =	ssyncset.done $0x0  }
0x123: {  	[sflag:s23] =	ssyncadd.s32 $0xFFFFD800  }
0x124: {  	[spmem:s3] =	stream.indirect.scatter.add.f32 [tilespmem:s17], [sflag:$0x4], $0x80, s29, s19, $0xb8;
	[tilespmem:$0x1E000] =	vst v63  }
0x125: {  	_ =	swait.ge [sflag:s18], $0x2800  }
0x126: {  	[sflag:s18] =	ssyncset.done $0x0  }
0x127: {  	[sflag:s18] =	ssyncadd.s32 $0xFFFFD800  }
0x128: {  	_ =	swait.ge [sflag:s30], $0x2800  }
0x129: {  	[sflag:s30] =	ssyncset.done $0x0  }
0x12a: {  	[sflag:s30] =	ssyncadd.s32 $0xFFFFD800  }
0x12b: {  	[spmem:s3] =	stream.indirect.scatter.add.f32 [tilespmem:s22], [sflag:$0x4], $0x80, s31, s19, $0xb8;
	[tilespmem:$0x1E000] =	vst v63  }
0x12c: {  	_ =	swait.ge [sflag:s18], $0x2800  }
0x12d: {  	s6 =	stileid.u32;
	[sflag:s18] =	ssyncset.done $0x0  }
0x12e: {  	s6 =	sshll.u32 s6, $0x6;
	[sflag:s18] =	ssyncadd.s32 $0xFFFFD800  }
0x12f: {  	s6 =	sor.u32 $0x1C04, s6;
	[bflag:$0x0] =	sbarrier.arrive $0xFFFF  }
0x130: {  	[hbm:s14], [sflag:s6] =	dma.local [spmem:s24], $0x2700  }
0x131: {  	_ =	swait.ge [sflag:s18], $0x2700  }
0x132: {  	s4 =	sadd.s32 $0x1, s4;
	[sflag:s18] =	ssyncset.done $0x0  }
0x133: {  	p1 =	sne.s32 s4, s16;
	[sflag:s18] =	ssyncadd.s32 $0xFFFFD900  }
0x134: {  	[hbm:s15], [sflag:s6] =	dma.local @!p0 [spmem:s25], $0x80  }
.Ltmp2:
0x135: {  	_ = 	snop;
	(pc) =	sbr.rel @p1 .LBB2_1-.Ltmp2, $4  }
0x136: {  	s6 =	simm.s32 @!p0 $0x4  }
0x137: {  	_ =	swait.ge @!p0 [sflag:s6], $0x80  }
0x138: {  	[sflag:s6] =	ssyncset.done @!p0 $0x0  }
0x139: {  	[sflag:s6] =	ssyncadd.s32 @!p0 $0xFFFFFF80  }
0x13a: {  	_ =	sfence.sel $0x180000  }
0x13b: {  	[bflag:$0x0] =	sbarrier.arrive $0xFFFF  }
0x13c: {  	_ =	strace $0x9000004D  }
0x13d: {  	s0 =	stileid.u32;
	[bflag:$0x2] =	sbarrier.arrive $0xFFFF  }
0x13e: {  	p0 =	sne.s32 s0, $0x0;
	s0 =	rddreg [dreg:$0x3]  }
0x13f: {  	s0 =	sadd.s32 @!p0 $0x100000, s0  }
0x140: {  	[sflag:s0] =	ssyncadd.tile.s32 @!p0 $0x1;
	_ =	shalt  }
.Lfunc_end2:
_tile_overlayer_lowered:
.L_overlay_start_2:
0x141: {  	(tag) =	ssettag $0x2  }
0x142: {  	s0 =	rddreg [dreg:$0x0];
	s2 =	stileid.u32  }
0x143: {  	s1 =	rddreg [dreg:$0x1];
	p0 =	sne.s32 s2, $0x0  }
0x144: {  	s3 =	rddreg [dreg:$0x2];
	[bflag:$0x3] =	sbarrier.arrive $0xFFFF;
	s2 =	simm.s32 @!p0 $0x1C04  }
0x145: {  	[timem:s3], [sflag:s2] =	dma.local @!p0 [hbm:s0], s1  }
0x146: {  	s0 =	simm.s32 @!p0 $0x4  }
0x147: {  	_ =	swait.ge @!p0 [sflag:s0], s1  }
0x148: {  	s1 =	ssub.s32 @!p0 $0x0, s1;
	[sflag:s0] =	ssyncset.done @!p0 $0x0  }
0x149: {  	[sflag:s0] =	ssyncadd.s32 @!p0 s1  }
0x14a: {  	[bflag:$0x3] =	sbarrier.arrive $0xFFFF  }
0x14b: {  	_ =	shalt  }

// kernel: kernel.7.cloned.1.call-start
scs
__scs_entry_jumppad:
0x0: {  	(pc) =	sbr.rel $0x88, $3  }
0x1: {  	(tag) =	ssettag $0x0;
	lr =	simm.s32 $0x1  }
0x2: {  	[smem:$0x3F99] =	sst lr;
	_ =	strace $0xD0000000  }
0x3: {  	_ = 	snop  }
0x4: {  	_ = 	snop  }
0x5: {  	_ = 	snop  }
0x6: {  	_ = 	snop  }
0x7: {  	_ = 	snop  }
__scs_overlays_trampoline_lowered:
0x8: {  	[smem:$0x3FA8] =	sst s0  }
0x9: {  	[smem:$0x3FA9] =	sst s1  }
0xa: {  	[smem:$0x3FAA] =	sst s2  }
0xb: {  	[smem:$0x3FAB] =	sst s3  }
0xc: {  	[smem:$0x3FAC] =	sst s4  }
0xd: {  	[smem:$0x3FAD] =	sst s5  }
0xe: {  	[smem:$0x3FAE] =	sst s6  }
0xf: {  	[smem:$0x3FAF] =	sst s7  }
0x10: {  	[smem:$0x3FB0] =	sst s8  }
0x11: {  	[smem:$0x3FB1] =	sst s9;
	s0 =	simm.s32 @!p0 $0x0  }
0x12: {  	s1 =	sld [smem:$0x3F97];
	s0 =	simm.s32 @p0 $0x1  }
0x13: {  	[smem:$0x3FB2] =	sst s0;
	s0 =	simm.s32 @!p1 $0x0  }
0x14: {  	s2 =	sld [smem:$0x3F96];
	s0 =	simm.s32 @p1 $0x1  }
0x15: {  	[smem:$0x3FB3] =	sst s0;
	s0 =	simm.s32 @!p2 $0x0  }
0x16: {  	s3 =	sld [smem:$0x3FDB];
	s0 =	simm.s32 @p2 $0x1  }
0x17: {  	s4 =	simm.s32 $0x1BF5;
	[smem:$0x3FB5] =	sst s0  }
0x18: {  	s0 =	sld [smem:$0x3F98];
	_ =	swait.ge [sflag:s4], $0x0  }
0x19: {  	s7 =	sld [smem:$0x3F99]  }
0x1a: {  	s8 =	sadd.s32 $0xFFFFE003, lr  }
0x1b: {  	s9 =	sadd.s32 $0xFFFFFEF7, lr;
	s5 =	simm.s32 $0xFFFFFFFF;
	p2 =	slt.u32 s8, $0xFFFFF086  }
0x1c: {  	p1 =	slt.u32 s9, $0xF7A;
	s5 =	simm.s32 @!p2 $0x0  }
0x1d: {  	s5 =	simm.s32 @p1 $0x1;
	p0 =	seq.s32 s7, s2  }
0x1e: {  	s7 =	smul.u32 @!p0 $0xF7A, s2;
	p2 =	seq.s32 @!p0 s5, $0x0  }
0x1f: {  	s9 =	smul.u32 $0xF7A, s1;
	s8 =	simm.s32 @!p0 $0x1BF5;
	p2 =	por !p2, p0  }
0x20: {  	[sflag:s8] =	ssyncset.s32 @!p0 $0xFFFFF086;
	s6 =	sadd.s32 @!p0 s3, s7;
	s7 =	simm.s32 @!p0 $0x108  }
0x21: {  	s3 =	sadd.s32 s3, s9;
	s6 =	sadd.s32 @!p0 $0x88, s6;
	s7 =	simm.s32 @p2 $0x1082  }
0x22: {  	[simem:s7], [sflag:s8] =	dma.local @!p0 [hbm:s6], $0xF7A  }
0x23: {  	s9 =	sor.u32 $0xD0000000, s2;
	s6 =	simm.s32 $0x108;
	_ =	swait.ge @!p0 [sflag:s8], $0x0  }
0x24: {  	s3 =	sadd.s32 $0x88, s3;
	s6 =	simm.s32 @!p1 $0x1082;
	[sflag:s4] =	ssyncset.s32 $0xFFFFF086  }
0x25: {  	[simem:s6], [sflag:s4] =	dma.local [hbm:s3], $0xF7A  }
0x26: {  	[smem:$0x3F99] =	sst s1;
	(tag) =	ssettag s2;
	_ =	strace s9  }
0x27: {  	s1 =	sld [smem:$0x3FA9]  }
0x28: {  	s2 =	sld [smem:$0x3FAA]  }
0x29: {  	s4 =	sld [smem:$0x3FAC]  }
0x2a: {  	p0 =	seq.s32 s5, $0x0;
	s5 =	sld [smem:$0x3FAD]  }
0x2b: {  	s6 =	sld [smem:$0x3FAE]  }
0x2c: {  	s7 =	sld [smem:$0x3FAF]  }
0x2d: {  	s3 =	simm.s32 $0x108;
	s8 =	sld [smem:$0x3FB0]  }
0x2e: {  	s3 =	simm.s32 @!p0 $0x1082;
	s9 =	sld [smem:$0x3FB1]  }
0x2f: {  	lr =	sadd.s32 s0, s3;
	s0 =	sld [smem:$0x3FA8]  }
0x30: {  	s3 =	sld [smem:$0x3FAB]  }
0x31: {  	[smem:$0x3FB4] =	sst s10  }
0x32: {  	s10 =	sld [smem:$0x3FB2];
	_ =	sdelay $0x3  }
0x33: {  	p0 =	seq.s32 s10, $0x1;
	s10 =	sld [smem:$0x3FB4];
	_ =	sdelay $0x3  }
0x34: {  	[smem:$0x3FB4] =	sst s10  }
0x35: {  	s10 =	sld [smem:$0x3FB3];
	_ =	sdelay $0x3  }
0x36: {  	p1 =	seq.s32 s10, $0x1;
	s10 =	sld [smem:$0x3FB4];
	_ =	sdelay $0x3  }
0x37: {  	[smem:$0x3FB4] =	sst s10  }
0x38: {  	s10 =	sld [smem:$0x3FB5]  }
0x39: {  	_ = 	snop;
	(pc) =	sbr.ind lr, $3  }
0x3a: {  	_ = 	snop  }
0x3b: {  	_ = 	snop  }
0x3c: {  	p2 =	seq.s32 s10, $0x1;
	s10 =	sld [smem:$0x3FB4]  }
0x3d: {  	_ =	shalt  }
0x3e: {  	_ =	shalt  }
0x3f: {  	_ =	shalt  }
0x40: {  	_ =	shalt  }
0x41: {  	_ =	shalt  }
0x42: {  	_ =	shalt  }
0x43: {  	_ =	shalt  }
0x44: {  	_ =	shalt  }
0x45: {  	_ =	shalt  }
0x46: {  	_ =	shalt  }
0x47: {  	_ =	shalt  }
0x48: {  	_ =	shalt  }
0x49: {  	_ =	shalt  }
0x4a: {  	_ =	shalt  }
0x4b: {  	_ =	shalt  }
0x4c: {  	_ =	shalt  }
0x4d: {  	_ =	shalt  }
0x4e: {  	_ =	shalt  }
0x4f: {  	_ =	shalt  }
0x50: {  	_ =	shalt  }
0x51: {  	_ =	shalt  }
0x52: {  	_ =	shalt  }
0x53: {  	_ =	shalt  }
0x54: {  	_ =	shalt  }
0x55: {  	_ =	shalt  }
0x56: {  	_ =	shalt  }
0x57: {  	_ =	shalt  }
0x58: {  	_ =	shalt  }
0x59: {  	_ =	shalt  }
0x5a: {  	_ =	shalt  }
0x5b: {  	_ =	shalt  }
0x5c: {  	_ =	shalt  }
0x5d: {  	_ =	shalt  }
0x5e: {  	_ =	shalt  }
0x5f: {  	_ =	shalt  }
0x60: {  	_ =	shalt  }
0x61: {  	_ =	shalt  }
0x62: {  	_ =	shalt  }
0x63: {  	_ =	shalt  }
0x64: {  	_ =	shalt  }
0x65: {  	_ =	shalt  }
0x66: {  	_ =	shalt  }
0x67: {  	_ =	shalt  }
0x68: {  	_ =	shalt  }
0x69: {  	_ =	shalt  }
0x6a: {  	_ =	shalt  }
0x6b: {  	_ =	shalt  }
0x6c: {  	_ =	shalt  }
0x6d: {  	_ =	shalt  }
0x6e: {  	_ =	shalt  }
0x6f: {  	_ =	shalt  }
0x70: {  	_ =	shalt  }
0x71: {  	_ =	shalt  }
0x72: {  	_ =	shalt  }
0x73: {  	_ =	shalt  }
0x74: {  	_ =	shalt  }
0x75: {  	_ =	shalt  }
0x76: {  	_ =	shalt  }
0x77: {  	_ =	shalt  }
0x78: {  	_ =	shalt  }
0x79: {  	_ =	shalt  }
0x7a: {  	_ =	shalt  }
0x7b: {  	_ =	shalt  }
0x7c: {  	_ =	shalt  }
0x7d: {  	_ =	shalt  }
0x7e: {  	_ =	shalt  }
0x7f: {  	_ =	shalt  }
0x80: {  	_ =	shalt  }
0x81: {  	_ =	shalt  }
0x82: {  	_ =	shalt  }
0x83: {  	_ =	shalt  }
0x84: {  	_ =	shalt  }
0x85: {  	_ =	shalt  }
0x86: {  	_ =	shalt  }
0x87: {  	_ =	shalt  }
.Lfunc_end0:
.L_simem_size_0:
called_computation_lowered:
.L_overlay_start_0:
0x88: {  	s2 =	sld [smem:$0x3FD9]  }
0x89: {  	s3 =	sld [smem:$0x3FFE];
	_ =	sdelay $0x1  }
0x8a: {  	s1 =	srdreg.scid  }
0x8b: {  	s0 =	sand.u32 $0x1, s1  }
0x8c: {  	s14 =	sshll.u32 s0, $0xA;
	s2 =	sadd.s32 s3, s2  }
0x8d: {  	s2 =	sadd.s32 s2, s14  }
0x8e: {  	[smem:$0x3FC0] =	sst s2  }
0x8f: {  	_ = 	snop  }
0x90: {  	s2 =	sld [smem:$0x3FD0];
	_ =	sdelay $0x2  }
0x91: {  	s15 =	simm.s32 $0xA;
	s4 =	simm.s32 $0x10  }
0x92: {  	[smem:s4], [sflag:s15] =	dma.local [hbm:s2], $0x1  }
0x93: {  	_ =	swait.eq [sflag:s15], $0x1  }
0x94: {  	[sflag:s15] =	ssyncset.done $0x0  }
0x95: {  	s16 =	sld [smem:$0x10];
	[sflag:s15] =	ssyncadd.s32 $0xFFFFFFFF  }
0x96: {  	s17 =	sld [smem:$0x11];
	(tm) =	ssettm $0x1  }
0x97: {  	s18 =	sld [smem:$0x3FFB];
	_ =	sdelay $0x3  }
0x98: {  	_ =	strace s18  }
0x99: {  	s4 =	sld [smem:$0x3FFC];
	_ =	sdelay $0x3  }
0x9a: {  	_ =	strace s4  }
0x9b: {  	s4 =	sld [smem:$0x3FFD];
	_ =	sdelay $0x3  }
0x9c: {  	_ =	strace s4  }
0x9d: {  	_ =	strace $0x8FFFFFFF  }
0x9e: {  	s19 =	sld [smem:$0x3FDB];
	_ =	sdelay $0x1  }
0x9f: {  	s5 =	simm.s32 $_scs_section_size  }
0xa0: {  	s6 =	simm.s32 $_size__tile_overlayer_lowered;
	s7 =	simm.s32 $_tile_overlayer_lowered  }
0xa1: {  	s22 =	simm.s32 $0x1BFF;
	s21 =	sshll.u32 s7, $0x1;
	s4 =	sadd.s32 s5, s19  }
0xa2: {  	s8 =	simm.s32 $0x0;
	s20 =	sshll.u32 s6, $0x1;
	s6 =	sadd.s32 s21, s4  }
0xa3: {  	[timem:s8], [sflag:s22] =	dma.local [hbm:s6], s20  }
0xa4: {  	_ =	swait.ge [sflag:s22], s20  }
0xa5: {  	s5 =	ssub.s32 $0x0, s20;
	[sflag:s22] =	ssyncset.done $0x0  }
0xa6: {  	[sflag:s22] =	ssyncadd.s32 s5;
	_ =	sdelay $0x1  }
0xa7: {  	s23 =	simm.s32 $0x1B8B  }
0xa8: {  	_ =	swait.ge [sflag:s23], $0x1  }
0xa9: {  	[sflag:s23] =	ssyncset.done $0x0  }
0xaa: {  	s25 =	simm.s32 $0x1B8E;
	s24 =	sld [smem:$0x3FFE];
	[sflag:s23] =	ssyncadd.s32 $0xFFFFFFFF  }
0xab: {  	s26 =	simm.s32 $execute0_lowered;
	[smem:$0x3FD2] =	sst s25  }
0xac: {  	s6 =	sshll.u32 s26, $0x1;
	_ =	strace $0x80000046;
	[dreg:$0x1] =	wrdreg $0xFFFFFFFF  }
0xad: {  	s28 =	simm.s32 $_size_execute0_lowered;
	s4 =	sadd.s32 s4, s6;
	[dreg:$0x0] =	wrdreg $0x0  }
0xae: {  	s6 =	sshll.u32 s28, $0x1;
	[dreg:$0x2] =	wrdreg s4  }
0xaf: {  	[dreg:$0x3] =	wrdreg s6  }
0xb0: {  	[dreg:$0x4] =	wrdreg $0xC0  }
0xb1: {  	_ =	task [dreg:s8], $0x5FFFF  }
0xb2: {  	[dreg:$0x1] =	wrdreg $0xFFFFFFFF  }
0xb3: {  	[dreg:$0x0] =	wrdreg $0x60  }
0xb4: {  	[dreg:$0x2] =	wrdreg s16  }
0xb5: {  	[dreg:$0x3] =	wrdreg s17  }
0xb6: {  	[dreg:$0x4] =	wrdreg s24  }
0xb7: {  	[dreg:$0x5] =	wrdreg $0x9  }
0xb8: {  	_ =	task.clear_ibuf [dreg:s8], $0x6FFFF;
	_ =	strace $0x90000046  }
0xb9: {  	s29 =	simm.s32 $0x9;
	_ =	strace $0x80000048  }
0xba: {  	_ =	swait.ge [sflag:s29], $0x1  }
0xbb: {  	[sflag:s29] =	ssyncadd.s32 $0xFFFFFFFF  }
0xbc: {  	_ =	strace $0x90000048  }
0xbd: {  	_ =	sfence  }
0xbe: {  	s30 =	sld [smem:$0x0];
	_ =	sdelay $0x2  }
0xbf: {  	s31 =	sshll.u32 s1, $0xD;
	s1 =	sshrl.u32 s1, $0x2  }
0xc0: {  	s3 =	sand.u32 $0x4000, s31;
	s1 =	sadd.s32 s1, s30  }
0xc1: {  	s0 =	sor.u32 s3, s0;
	s1 =	sshll.u32 s1, $0x11  }
0xc2: {  	s0 =	sor.u32 s1, s0  }
0xc3: {  	s0 =	sadd.s32 $0x8F2B, s0  }
0xc4: {  	[sflag:s0] =	ssyncadd.remote.s32 $0x1  }
0xc5: {  	_ =	sfence.sel $0xFFFF  }
0xc6: {  	[dreg:$0x0] =	wrdreg $0xFFFFFFFF;
	(pc) =	sbr.abs _section_cstart, $3  }
0xc7: {  	[dreg:$0x1] =	wrdreg $0xFFFFFFFF  }
0xc8: {  	_ =	task.clear_ibuf [dreg:s8], $0x2FFFF;
	_ =	strace $0x9FFFFFFF  }
0xc9: {  	(tm) =	ssettm $0x7FFFFFFF  }
tec
execute0_lowered:
.L_overlay_start_1:
0x0: {  	(tag) =	ssettag $0x1  }
0x1: {  	s3 =	rddreg [dreg:$0x0]  }
0x2: {  	s0 =	srdreg.scid;
	s4 =	rddreg [dreg:$0x1]  }
0x3: {  	s6 =	rddreg [dreg:$0x2];
	s1 =	stileid.u32;
	s5 =	sand.u32 $0x1, s0  }
0x4: {  	s2 =	simm.s32 $0x0;
	s9 =	simm.s32 $0x2780;
	s7 =	sshll.u32 s5, $0x4  }
0x5: {  	s10 =	simm.s32 $0x7680;
	s11 =	simm.s32 $0x4F00;
	s7 =	sor.u32 s1, s7  }
0x6: {  	s0 =	rddreg [dreg:$0x3];
	s5 =	ssub.s32 $0x2, s5;
	s7 =	smul.u32 $0x4E2, s7  }
0x7: {  	s12 =	simm.s32 $0x0;
	[smem:$0x7FF] =	sst s2;
	s8 =	sshrl.u32 s5, $0x1  }
0x8: {  	_ =	strace $0x80000047;
	s8 =	ssub.s32 s5, s8;
	s6 =	sadd.s32 s7, s6  }
0x9: {  	s3 =	sadd.s32 s3, s7;
	s4 =	sadd.s32 s4, s7;
	s7 =	smax.u32 s8, $0x1  }
0xa: {  	v0 =	vimm.f32 $0.0e+00;
	v1 =	vimm.f32 $1.000000000e+00;
	s8 =	simm.s32 $0x1;
	s5 =	sadd.s32 $0x2C00, s6;
	s6 =	sadd.s32 $0xCA00, s6  }
.LBB2_1:
0xb: {  	s13 =	simm.s32 $0x40;
	s14 =	simm.s32 $0x0  }
.LBB2_2:
0xc: {  	p0 =	sne.s32 s13, $0x9C00;
	[tilespmem:s14+$0x7680] =	vst v0;
	s14 =	smov.u32 s13;
	s13 =	sadd.s32 $0x40, s13  }
.Ltmp0:
0xd: {  	(pc) =	sbr.rel @p0 .LBB2_2-.Ltmp0, $2  }
0xe: {  	_ =	sdelay $0x2  }
0xf: {  	s14 =	sshra.s32 s14, $0x2  }
0x10: {  	[tilespmem:s14+$0x7680] =	vst v0;
	s13 =	simm.s32 $0x0  }
0x11: {  	[tilespmem:s13], [sflag:$0x1] =	stream.linear.gather [hbm4b:s3+s13], $0x2710, $0x38;
	[tilespmem:$0x9E00] =	vst v63  }
0x12: {  	_ =	swait.ge [sflag:s8], $0x2710  }
0x13: {  	[sflag:s8] =	ssyncset.done $0x0  }
0x14: {  	[sflag:s8] =	ssyncadd.s32 $0xFFFFD8F0  }
0x15: {  	[tilespmem:s9], [sflag:$0x1] =	stream.linear.gather [hbm4b:s4+s13], $0x2710, $0x38;
	[tilespmem:$0x9E00] =	vst v63  }
0x16: {  	_ =	swait.ge [sflag:s8], $0x2710  }
0x17: {  	[sflag:s8] =	ssyncset.done $0x0  }
0x18: {  	s13 =	simm.s32 $0x0;
	[sflag:s8] =	ssyncadd.s32 $0xFFFFD8F0  }
0x19: {  	v2 =	vld [tilespmem:s13+$0x2780];
	_ =	sdelay $0x7  }
0x1a: {  	[tilespmem:v2+s10+$0x0] =	vst.idx.add.f32.msk $0xffff, v1  }
0x1b: {  	s14 =	simm.s32 $0x10;
	s15 =	simm.s32 $0x80;
	v3 =	vld [tilespmem:s13+$0x0]  }
.LBB2_4:
0x1c: {  	p0 =	sne.s32 s15, $0x9C00;
	v4 =	vld [tilespmem:s14+$0x2780];
	_ =	sdelay $0x3  }
0x1d: {  	v3 =	vshll.u32 v3, $0xE  }
.Ltmp1:
0x1e: {  	v3 =	vor.u32 v2, v3;
	v2 =	vmov v4;
	(pc) =	sbr.rel @p0 .LBB2_4-.Ltmp1, $3  }
0x1f: {  	[tilespmem:s13+$0x4F00] =	vst v3;
	s13 =	smov.u32 s14;
	_ =	sdelay $0x1  }
0x20: {  	[tilespmem:v4+s10+$0x0] =	vst.idx.add.f32.msk $0xffff, v1  }
0x21: {  	s14 =	sshra.s32 s15, $0x2;
	s15 =	sadd.s32 $0x40, s15;
	v3 =	vld [tilespmem:s13+$0x0]  }
0x22: {  	v4 =	vld [tilespmem:s14+$0x2780];
	_ =	sdelay $0x4  }
0x23: {  	v3 =	vshll.u32 v3, $0xE  }
0x24: {  	v2 =	vor.u32 v2, v3  }
0x25: {  	[tilespmem:s13+$0x4F00] =	vst v2  }
0x26: {  	[tilespmem:v4+s10+$0x0] =	vst.idx.add.f32.msk $0xffff, v1  }
0x27: {  	v2 =	vld [tilespmem:s14+$0x0];
	_ =	sdelay $0x4  }
0x28: {  	v2 =	vshll.u32 v2, $0xE  }
0x29: {  	v2 =	vor.u32 v4, v2  }
0x2a: {  	[tilespmem:s14+$0x4F00] =	vst v2  }
0x2b: {  	[hbm4b:s5+s2] =	stream.linear.scatter [tilespmem:s10], [sflag:$0x1], $0x2710, $0x38;
	[tilespmem:$0x9E00] =	vst v63  }
0x2c: {  	s12 =	sadd.s32 $0x1, s12;
	_ =	swait.ge [sflag:s8], $0x2710  }
0x2d: {  	p0 =	sne.s32 s12, s7;
	[sflag:s8] =	ssyncset.done $0x0  }
.Ltmp2:
0x2e: {  	[sflag:s8] =	ssyncadd.s32 $0xFFFFD8F0;
	(pc) =	sbr.rel @p0 .LBB2_1-.Ltmp2, $4  }
0x2f: {  	[hbm4b:s6+s2] =	stream.linear.scatter [tilespmem:s11], [sflag:$0x1], $0x2710, $0x38;
	[tilespmem:$0x9E00] =	vst v63  }
0x30: {  	_ =	swait.ge [sflag:s8], $0x2710  }
0x31: {  	[sflag:s8] =	ssyncset.done $0x0  }
0x32: {  	[sflag:s8] =	ssyncadd.s32 $0xFFFFD8F0  }
0x33: {  	_ =	sfence.sel $0x180000  }
0x34: {  	[bflag:$0x0] =	sbarrier.arrive $0xFFFF  }
0x35: {  	p0 =	sne.s32 s1, $0x0;
	_ =	strace $0x90000047  }
0x36: {  	s0 =	sadd.s32 @!p0 $0x100000, s0;
	[bflag:$0x2] =	sbarrier.arrive $0xFFFF  }
0x37: {  	[sflag:s0] =	ssyncadd.tile.s32 @!p0 $0x1;
	_ =	shalt  }
.Lfunc_end2:
_tile_overlayer_lowered:
.L_overlay_start_2:
0x38: {  	(tag) =	ssettag $0x2  }
0x39: {  	s0 =	rddreg [dreg:$0x0];
	s2 =	stileid.u32  }
0x3a: {  	s1 =	rddreg [dreg:$0x1];
	p0 =	sne.s32 s2, $0x0  }
0x3b: {  	s3 =	rddreg [dreg:$0x2];
	[bflag:$0x3] =	sbarrier.arrive $0xFFFF;
	s2 =	simm.s32 @!p0 $0x1C01  }
0x3c: {  	[timem:s3], [sflag:s2] =	dma.local @!p0 [hbm:s0], s1  }
0x3d: {  	s0 =	simm.s32 @!p0 $0x1  }
0x3e: {  	_ =	swait.ge @!p0 [sflag:s0], s1  }
0x3f: {  	s1 =	ssub.s32 @!p0 $0x0, s1;
	[sflag:s0] =	ssyncset.done @!p0 $0x0  }
0x40: {  	[sflag:s0] =	ssyncadd.s32 @!p0 s1  }
0x41: {  	[bflag:$0x3] =	sbarrier.arrive $0xFFFF  }
0x42: {  	_ =	shalt  }

</sc_bundles>
